<compile_context>
chip_gen: v7x
topology: tpu7x:2x2x1
jax: 0.10.2.dev20260603
libtpu: 0.0.44.dev20260713+nightly
codegen_flags: <defaults>
</compile_context>

<pallas_src>
import functools

import jax
import jax.numpy as jnp
from jax import lax
from jax.experimental import pallas as pl
from jax.experimental.pallas import tpu as pltpu
from jax.experimental.pallas import tpu_sc as plsc

_N = 10000
_DX = 128
_DE = 16
_K = 5
_QB = 256
_NB2 = 1000
_NB3 = 1000
_D = 256
_B_PAD = 40960
_CH = 128


def _mm(a, b):
    return lax.dot_general(a, b, (((1,), (0,)), ((), ())),
                           preferred_element_type=jnp.float32,
                           precision=lax.Precision.DEFAULT)


def _mlp_refs(h, refs):
    n = len(refs) // 2
    for i in range(n):
        h = _mm(h, refs[2 * i][...]) + refs[2 * i + 1][...]
        if i < n - 1:
            h = jnp.maximum(h, 0.0)
    return h


_CW = 1024


def _knn_body(xq_ref, xk_ref, out_ref):
    xq = xq_ref[...]
    xk = xk_ref[...]
    ones = jnp.ones((1, _DX), jnp.float32)
    sqk = lax.dot_general(ones, xk * xk, (((1,), (1,)), ((), ())),
                          preferred_element_type=jnp.float32,
                          precision=lax.Precision.HIGHEST)
    inf = jnp.float32(jnp.inf)
    nch = pl.cdiv(_N, _CW)
    xqm2 = xq * jnp.float32(-2.0)
    dcs = []
    for c in range(nch):
        lo = c * _CW
        w = min(_CW, _N - lo)
        xs = lax.slice(xk, (lo, 0), (lo + w, _DX))
        dc = sqk[:, lo:lo + w] + lax.dot_general(
            xqm2, xs, (((1,), (1,)), ((), ())),
            preferred_element_type=jnp.float32,
            precision=lax.Precision.DEFAULT)
        if w < _CW:
            dc = jnp.concatenate(
                [dc, jnp.full((_QB, _CW - w), inf)], axis=1)
        dcs.append(dc)
    t0 = dcs[0]
    i0 = jnp.zeros((_QB, _CW), jnp.int32)
    t1 = jnp.full((_QB, _CW), inf)
    i1 = i0
    for c in range(1, nch):
        dc = dcs[c]
        ci = jnp.int32(c)
        b0 = dc < t0
        b1 = dc < t1
        t1 = jnp.where(b0, t0, jnp.where(b1, dc, t1))
        i1 = jnp.where(b0, i0, jnp.where(b1, ci, i1))
        t0 = jnp.where(b0, dc, t0)
        i0 = jnp.where(b0, ci, i0)
    lane = lax.broadcasted_iota(jnp.int32, (_QB, _CW), 1)
    V = jnp.concatenate([t0, t1], axis=1)
    J = jnp.concatenate([i0 * _CW + lane, i1 * _CW + lane], axis=1)
    rid = _QB * pl.program_id(0) + lax.broadcasted_iota(jnp.int32, (_QB, 1), 0)
    big = jnp.int32(2 ** 30)
    idxs = []
    for _ in range(_K):
        m = jnp.min(V, axis=1, keepdims=True)
        am = jnp.min(jnp.where(V == m, J, big), axis=1, keepdims=True)
        idxs.append(am)
        V = jnp.where(J == am, inf, V)
    p = jnp.zeros_like(rid)
    for t in range(_K):
        p = p + jnp.where(idxs[t] == rid, jnp.int32(t), 0)
    outs = []
    for c in range(_K - 1):
        sel = jnp.where(p <= c, jnp.int32(c + 1), jnp.int32(c))
        oc = jnp.zeros_like(rid)
        for t in range(_K):
            oc = oc + jnp.where(sel == t, idxs[t], 0)
        outs.append(oc)
    out_ref[...] = jnp.concatenate(outs, axis=1)


def _knn(x):
    return pl.pallas_call(
        _knn_body,
        grid=(pl.cdiv(_N, _QB),),
        in_specs=[pl.BlockSpec((_QB, _DX), lambda i: (i, 0)),
                  pl.BlockSpec((_N, _DX), lambda i: (0, 0))],
        out_specs=pl.BlockSpec((_QB, _K - 1), lambda i: (i, 0)),
        out_shape=jax.ShapeDtypeStruct((_N, _K - 1), jnp.int32),
    )(x, x)


def _pre_body(x_ref, en_ref, tW_ref, pW_ref, w1xs_ref, w1es_ref,
              w1xd_ref, w1ed_ref, b1_ref, tbpb_ref, *rest):
    phi_refs = rest[:12]
    T_ref, base_ref, pe_ref, Bn_ref = rest[12:]
    x = x_ref[...]
    en = en_ref[...]
    tx = _mm(x, tW_ref[...])
    A = _mm(x, w1xs_ref[...]) + _mm(en, w1es_ref[...])
    pad = jnp.zeros((x.shape[0], _D - _DX - _DE - 32), jnp.float32)
    T_ref[...] = jnp.concatenate([tx, en, A, pad], axis=1)
    base_ref[...] = tx + _mm(x, pW_ref[...]) + tbpb_ref[...]
    pe_ref[...] = _mlp_refs(en, phi_refs)
    Bn_ref[...] = _mm(x, w1xd_ref[...]) + _mm(en, w1ed_ref[...]) + b1_ref[...]


def _precompute(x, en, theta_W, phi_W, tbpb, w1xs, w1es, w1xd, w1ed, b1,
                phi_en_params):
    full = lambda s: pl.BlockSpec(s, lambda i: tuple(0 for _ in s))
    in_specs = [
        pl.BlockSpec((_NB2, _DX), lambda i: (i, 0)),
        pl.BlockSpec((_NB2, _DE), lambda i: (i, 0)),
        full(theta_W.shape), full(phi_W.shape),
        full(w1xs.shape), full(w1es.shape), full(w1xd.shape), full(w1ed.shape),
        full(b1.shape), full(tbpb.shape),
    ] + [full(p.shape) for p in phi_en_params]
    out_specs = [
        pl.BlockSpec((_NB2, _D), lambda i: (i, 0)),
        pl.BlockSpec((_NB2, _DX), lambda i: (i, 0)),
        pl.BlockSpec((_NB2, _DE), lambda i: (i, 0)),
        pl.BlockSpec((_NB2, 32), lambda i: (i, 0)),
    ]
    out_shape = [
        jax.ShapeDtypeStruct((_N, _D), jnp.float32),
        jax.ShapeDtypeStruct((_N, _DX), jnp.float32),
        jax.ShapeDtypeStruct((_N, _DE), jnp.float32),
        jax.ShapeDtypeStruct((_N, 32), jnp.float32),
    ]
    return pl.pallas_call(
        _pre_body,
        grid=(_N // _NB2,),
        in_specs=in_specs,
        out_specs=out_specs,
        out_shape=out_shape,
    )(x, en, theta_W, phi_W, w1xs, w1es, w1xd, w1ed, b1, tbpb,
      *phi_en_params)


def _sc_gather(table, idx_pad, nrows):
    info = plsc.get_sparse_core_info()
    nc, ns = info.num_cores, info.num_subcores
    nw = nc * ns
    bpw = nrows // nw
    nch = bpw // _CH
    mesh = plsc.VectorSubcoreMesh(core_axis_name="c", subcore_axis_name="s")

    @functools.partial(
        pl.kernel, mesh=mesh,
        out_type=jax.ShapeDtypeStruct((nrows, _D), jnp.float32),
        scratch_types=[pltpu.VMEM((bpw,), jnp.int32),
                       pltpu.VMEM((_CH, _D), jnp.float32),
                       pltpu.VMEM((_CH, _D), jnp.float32),
                       pltpu.SemaphoreType.DMA,
                       pltpu.SemaphoreType.DMA,
                       pltpu.SemaphoreType.DMA,
                       pltpu.SemaphoreType.DMA],
    )
    def gk(table_hbm, idx_hbm, out_hbm, idx_v, rows0, rows1, g0, g1, s0, s1):
        wid = lax.axis_index("s") * nc + lax.axis_index("c")
        base = wid * bpw
        pltpu.sync_copy(idx_hbm.at[pl.ds(base, bpw)], idx_v)
        rows = [rows0, rows1]
        gsem = [g0, g1]
        ssem = [s0, s1]
        gh = [None] * nch
        sh = [None] * nch
        gh[0] = pltpu.async_copy(
            table_hbm.at[idx_v.at[pl.ds(0, _CH)]], rows0, g0)
        for c in range(nch):
            if c + 1 < nch:
                if c >= 1:
                    sh[c - 1].wait()
                gh[c + 1] = pltpu.async_copy(
                    table_hbm.at[idx_v.at[pl.ds((c + 1) * _CH, _CH)]],
                    rows[(c + 1) % 2], gsem[(c + 1) % 2])
            gh[c].wait()
            sh[c] = pltpu.async_copy(
                rows[c % 2], out_hbm.at[pl.ds(base + c * _CH, _CH)],
                ssem[c % 2])
        sh[nch - 2].wait()
        sh[nch - 1].wait()

    return gk(table, idx_pad)


def _edge_body(G_ref, en_ref, base_ref, pe_ref, Bn_ref, *rest):
    te_refs = rest[:12]
    w_refs = rest[12:22]
    newx_ref, newen_ref, score_ref = rest[22:]
    en_d = en_ref[...]
    Bn = Bn_ref[...]
    g_all = G_ref[...].reshape(_NB3, _K - 1, _D)
    acc_tx = jnp.zeros((_NB3, _DX), jnp.float32)
    acc_te = jnp.zeros((_NB3, _DE), jnp.float32)
    scores = []
    for j in range(_K - 1):
        g = g_all[:, j, :]
        txs = g[:, 0:_DX]
        ens = g[:, _DX:_DX + _DE]
        As = g[:, _DX + _DE:_DX + _DE + 32]
        acc_tx = acc_tx + txs
        acc_te = acc_te + _mlp_refs(en_d - ens, te_refs)
        h = jnp.maximum(As + Bn, 0.0)
        scores.append(_mlp_refs(h, w_refs))
    newx_ref[...] = base_ref[...] - 0.25 * acc_tx
    newen_ref[...] = pe_ref[...] + 0.25 * acc_te
    score_ref[...] = jnp.concatenate(scores, axis=1)


def _edge_compute(G3, en, base, pe, Bn, theta_en_params, w_tail, nn):
    full = lambda s: pl.BlockSpec(s, lambda i: tuple(0 for _ in s))
    in_specs = [
        pl.BlockSpec((_NB3 * (_K - 1), _D), lambda i: (i, 0)),
        pl.BlockSpec((_NB3, _DE), lambda i: (i, 0)),
        pl.BlockSpec((_NB3, _DX), lambda i: (i, 0)),
        pl.BlockSpec((_NB3, _DE), lambda i: (i, 0)),
        pl.BlockSpec((_NB3, 32), lambda i: (i, 0)),
    ] + [full(p.shape) for p in theta_en_params] + [full(p.shape) for p in w_tail]
    out_specs = [
        pl.BlockSpec((_NB3, _DX), lambda i: (i, 0)),
        pl.BlockSpec((_NB3, _DE), lambda i: (i, 0)),
        pl.BlockSpec((_NB3, _K - 1), lambda i: (i, 0)),
    ]
    out_shape = [
        jax.ShapeDtypeStruct((nn, _DX), jnp.float32),
        jax.ShapeDtypeStruct((nn, _DE), jnp.float32),
        jax.ShapeDtypeStruct((nn, _K - 1), jnp.float32),
    ]
    return pl.pallas_call(
        _edge_body,
        grid=(nn // _NB3,),
        in_specs=in_specs,
        out_specs=out_specs,
        out_shape=out_shape,
    )(G3, en, base, pe, Bn, *theta_en_params, *w_tail)


def kernel(x, en, idx, theta_W, theta_b, phi_W, phi_b,
           theta_en_params, phi_en_params, W_params):
    del idx
    src4 = _knn(x)
    src_pad = jnp.concatenate(
        [src4.reshape(-1), jnp.zeros((_B_PAD - 4 * _N,), jnp.int32)])

    W1 = W_params[0]
    w1xs = W1[0:_DX]
    w1es = W1[_DX:_DX + _DE]
    w1xd = W1[_DX + _DE:2 * _DX + _DE]
    w1ed = W1[2 * _DX + _DE:]
    b1 = W_params[1].reshape(1, -1)
    tbpb = (theta_b + phi_b).reshape(1, -1)
    phi_en_p = [p if p.ndim == 2 else p.reshape(1, -1) for p in phi_en_params]
    theta_en_p = [p if p.ndim == 2 else p.reshape(1, -1) for p in theta_en_params]
    w_tail = [p if p.ndim == 2 else p.reshape(1, -1) for p in W_params[2:]]

    T, base, pe, Bn = _precompute(x, en, theta_W, phi_W, tbpb,
                                  w1xs, w1es, w1xd, w1ed, b1, phi_en_p)

    hb = _B_PAD // 2
    hn = _N // 2
    G0 = _sc_gather(T, src_pad[:hb], hb)
    G1 = _sc_gather(T, src_pad[4 * hn:4 * hn + hb], hb)

    o0 = _edge_compute(G0, en[:hn], base[:hn], pe[:hn], Bn[:hn],
                       theta_en_p, w_tail, hn)
    o1 = _edge_compute(G1, en[hn:], base[hn:], pe[hn:], Bn[hn:],
                       theta_en_p, w_tail, hn)
    new_x = jnp.concatenate([o0[0], o1[0]])
    new_en = jnp.concatenate([o0[1], o1[1]])
    score4 = jnp.concatenate([o0[2], o1[2]])
    return (new_x, new_en, score4.reshape(4 * _N, 1))

# --- scband reference (transcript-rebuilt; emitter-appended) ---
"""Pipeline reference for scband-edge-conv-81638738362423 (READ-ONLY COPY).

The authoritative reference and input builder live on the scoring server;
editing this copy changes nothing except your own understanding.
"""

import jax, jax.numpy as jnp
import numpy as np

N = 10000
IN_X = 128
OUT_X = 128
IN_EN = 16
OUT_EN = 16
OUT_D_EN = 1
K = 5
MLP_FEATURES = [32, 64, 64, 64, 32]


def _init_linear(key, fan_in, fan_out):
    k1, k2 = jax.random.split(key)
    bound = 1.0 / np.sqrt(fan_in)
    W = jax.random.uniform(k1, (fan_in, fan_out), minval=-bound, maxval=bound, dtype=jnp.float32)
    b = jax.random.uniform(k2, (fan_out,), minval=-bound, maxval=bound, dtype=jnp.float32)
    return W, b


def _init_mlp(key, sizes):
    params = []
    for i in range(len(sizes) - 1):
        key, sub = jax.random.split(key)
        W, b = _init_linear(sub, sizes[i], sizes[i + 1])
        params.append(W)
        params.append(b)
    return params


def _mlp_apply(params, x):
    n = len(params) // 2
    for i in range(n):
        x = x @ params[2 * i] + params[2 * i + 1]
        if i < n - 1:
            x = jax.nn.relu(x)
    return x


def _knn_edges(x, k):
    # dgl.knn_graph: edges point from each of the k nearest neighbors (src) to the query node (dst)
    n = x.shape[0]
    sq = jnp.sum(x * x, axis=1)
    chunk = 1000
    nbr_chunks = []
    for start in range(0, n, chunk):
        xc = x[start:start + chunk]
        d = sq[start:start + chunk][:, None] + sq[None, :] - 2.0 * (xc @ x.T)
        _, idxk = jax.lax.top_k(-d, k)
        nbr_chunks.append(idxk)
    nbr = jnp.concatenate(nbr_chunks, axis=0)  # [n, k]
    src = nbr.reshape(-1)
    dst = jnp.repeat(jnp.arange(n), k)
    mask = src != dst  # dgl.remove_self_loop
    order = jnp.argsort(jnp.where(mask, 0, 1), stable=True)
    keep = order[: n * (k - 1)]
    return src[keep], dst[keep]


def setup_inputs(seed: int = 0):
    key = jax.random.key(seed)
    ks = jax.random.split(key, 8)
    x = jax.random.normal(ks[0], (N, IN_X), dtype=jnp.float32)
    en = jax.random.normal(ks[1], (N, IN_EN), dtype=jnp.float32)
    idx = jnp.arange(N, dtype=jnp.int32)
    theta_W, theta_b = _init_linear(ks[2], IN_X, OUT_X)
    phi_W, phi_b = _init_linear(ks[3], IN_X, OUT_X)
    theta_en_params = _init_mlp(ks[4], [IN_EN] + MLP_FEATURES + [OUT_EN])
    phi_en_params = _init_mlp(ks[5], [IN_EN] + MLP_FEATURES + [OUT_EN])
    W_params = _init_mlp(ks[6], [2 * IN_X + 2 * IN_EN] + MLP_FEATURES + [OUT_D_EN])
    return {
        "x": x,
        "en": en,
        "idx": idx,
        "theta_W": theta_W,
        "theta_b": theta_b,
        "phi_W": phi_W,
        "phi_b": phi_b,
        "theta_en_params": theta_en_params,
        "phi_en_params": phi_en_params,
        "W_params": W_params,
    }


def reference(x, en, idx, theta_W, theta_b, phi_W, phi_b, theta_en_params, phi_en_params, W_params):
    src, dst = _knn_edges(x, K)
    x_src = x[src]
    x_dst = x[dst]
    en_src = en[src]
    en_dst = en[dst]
    # message
    theta_x = (x_dst - x_src) @ theta_W + theta_b
    phi_x = x_dst @ phi_W + phi_b
    m_x = theta_x + phi_x
    theta_en = _mlp_apply(theta_en_params, en_dst - en_src)
    phi_en = _mlp_apply(phi_en_params, en_dst)
    m_en = theta_en + phi_en
    m_edge = jnp.concatenate([x_src, en_src, x_dst, en_dst], axis=1)
    # update_all: mean over in-edges per dst node
    n = x.shape[0]
    cnt = jax.ops.segment_sum(jnp.ones((dst.shape[0],), dtype=x.dtype), dst, num_segments=n)
    denom = jnp.maximum(cnt, 1.0)[:, None]
    new_x = jax.ops.segment_sum(m_x, dst, num_segments=n) / denom
    new_en = jax.ops.segment_sum(m_en, dst, num_segments=n) / denom
    score = _mlp_apply(W_params, m_edge)
    return (new_x, new_en, score)

if __name__ == "__main__":
    import jax
    _d = setup_inputs()
    print(jax.jit(kernel)(*tuple(_d.values())))

</pallas_src>

<mosaic_0001>
#map = affine_map<(d0, d1) -> (0, 0)>
#map1 = affine_map<(d0, d1) -> (0)>
module attributes {stable_mosaic.version = 14 : i64} {
  func.func @gk(%arg0: i32, %arg1: i32, %arg2: memref<10000x256xf32, #tpu.memory_space<hbm>>, %arg3: memref<20480xi32, #tpu.memory_space<hbm>>, %arg4: memref<20480x256xf32, #tpu.memory_space<hbm>>, %arg5: memref<640xi32, #tpu.memory_space<vmem>>, %arg6: memref<128x256xf32, #tpu.memory_space<vmem>>, %arg7: memref<128x256xf32, #tpu.memory_space<vmem>>, %arg8: memref<!tpu.dma_semaphore, #tpu.memory_space<semaphore_mem>>, %arg9: memref<!tpu.dma_semaphore, #tpu.memory_space<semaphore_mem>>, %arg10: memref<!tpu.dma_semaphore, #tpu.memory_space<semaphore_mem>>, %arg11: memref<!tpu.dma_semaphore, #tpu.memory_space<semaphore_mem>>) attributes {dimension_semantics = [#tpu.dimension_semantics<core_parallel>, #tpu.dimension_semantics<subcore_parallel>], iteration_bounds = array<i64: 2, 16>, scalar_prefetch = 0 : i64, scratch_operands = 7 : i64, tpu.core_type = #tpu.core_type<sc_vector_subcore>, window_params = [{transform_indices = #map}, {transform_indices = #map1}, {transform_indices = #map}]} {
    %mul3A = arith.constant 2 : i32
    %mul3A_0 = arith.muli %arg1, %mul3A : i32
    %add3A = arith.addi %mul3A_0, %arg0 : i32
    %mul3A_1 = arith.constant 640 : i32
    %mul3A_2 = arith.muli %add3A, %mul3A_1 : i32
    "tpu.region"() ({
      %run_scoped3A = tpu.sem_alloc : memref<!tpu.dma_semaphore, #tpu.memory_space<semaphore_mem>>
      %dma_start3A_101 = tpu.memref_slice %arg3[%mul3A_2] : memref<20480xi32, #tpu.memory_space<hbm>> -> memref<640xi32, #tpu.memory_space<hbm>>
      %dma_start3A_102 = tpu.memref_slice %arg3[%mul3A_2] : memref<20480xi32, #tpu.memory_space<hbm>> -> memref<640xi32, #tpu.memory_space<hbm>>
      tpu.enqueue_dma source(%dma_start3A_102 : memref<640xi32, #tpu.memory_space<hbm>>) target(%arg5 : memref<640xi32, #tpu.memory_space<vmem>>) target_semaphore(%run_scoped3A : memref<!tpu.dma_semaphore, #tpu.memory_space<semaphore_mem>>)
      %dma_wait3A_103 = tpu.memref_slice %arg3[%mul3A_2] : memref<20480xi32, #tpu.memory_space<hbm>> -> memref<640xi32, #tpu.memory_space<hbm>>
      %dma_wait3A_104 = tpu.memref_slice %arg3[%mul3A_2] : memref<20480xi32, #tpu.memory_space<hbm>> -> memref<640xi32, #tpu.memory_space<hbm>>
      tpu.wait_dma2 semaphore(%run_scoped3A : memref<!tpu.dma_semaphore, #tpu.memory_space<semaphore_mem>>) src(%dma_wait3A_104 : memref<640xi32, #tpu.memory_space<hbm>>) dst(%arg5 : memref<640xi32, #tpu.memory_space<vmem>>)
      tpu.yield
    }) : () -> ()
    %dma_start3A = arith.constant 0 : i32
    %dma_start3A_3 = tpu.memref_slice %arg5[%dma_start3A] : memref<640xi32, #tpu.memory_space<vmem>> -> memref<128xi32, #tpu.memory_space<vmem>>
    %dma_start3A_4 = arith.constant 0 : i32
    %dma_start3A_5 = arith.constant 0 : i32
    %dma_start3A_6 = tpu.memref_slice %arg2[%dma_start3A_4, %dma_start3A_5] : memref<10000x256xf32, #tpu.memory_space<hbm>> -> memref<10000x256xf32, #tpu.memory_space<hbm>>
    tpu.enqueue_indirect_dma source(%dma_start3A_6 : memref<10000x256xf32, #tpu.memory_space<hbm>>) target(%arg6 : memref<128x256xf32, #tpu.memory_space<vmem>>) offsets(%dma_start3A_3 : memref<128xi32, #tpu.memory_space<vmem>>) semaphore(%arg8 : memref<!tpu.dma_semaphore, #tpu.memory_space<semaphore_mem>>)
    %dma_start3A_7 = arith.constant 128 : i32
    %dma_start3A_8 = tpu.memref_slice %arg5[%dma_start3A_7] : memref<640xi32, #tpu.memory_space<vmem>> -> memref<128xi32, #tpu.memory_space<vmem>>
    %dma_start3A_9 = arith.constant 0 : i32
    %dma_start3A_10 = arith.constant 0 : i32
    %dma_start3A_11 = tpu.memref_slice %arg2[%dma_start3A_9, %dma_start3A_10] : memref<10000x256xf32, #tpu.memory_space<hbm>> -> memref<10000x256xf32, #tpu.memory_space<hbm>>
    tpu.enqueue_indirect_dma source(%dma_start3A_11 : memref<10000x256xf32, #tpu.memory_space<hbm>>) target(%arg7 : memref<128x256xf32, #tpu.memory_space<vmem>>) offsets(%dma_start3A_8 : memref<128xi32, #tpu.memory_space<vmem>>) semaphore(%arg9 : memref<!tpu.dma_semaphore, #tpu.memory_space<semaphore_mem>>)
    %dma_wait3A = arith.constant 0 : i32
    %dma_wait3A_12 = tpu.memref_slice %arg5[%dma_wait3A] : memref<640xi32, #tpu.memory_space<vmem>> -> memref<128xi32, #tpu.memory_space<vmem>>
    %dma_wait3A_13 = arith.constant 0 : i32
    %dma_wait3A_14 = arith.constant 0 : i32
    %dma_wait3A_15 = tpu.memref_slice %arg2[%dma_wait3A_13, %dma_wait3A_14] : memref<10000x256xf32, #tpu.memory_space<hbm>> -> memref<10000x256xf32, #tpu.memory_space<hbm>>
    tpu.wait_indirect_dma semaphore(%arg8 : memref<!tpu.dma_semaphore, #tpu.memory_space<semaphore_mem>>) src(%dma_wait3A_15 : memref<10000x256xf32, #tpu.memory_space<hbm>>) dst(%arg6 : memref<128x256xf32, #tpu.memory_space<vmem>>)
    %add3A_16 = arith.constant 0 : i32
    %add3A_17 = arith.addi %mul3A_2, %add3A_16 : i32
    %dma_start3A_18 = arith.constant 0 : i32
    %dma_start3A_19 = tpu.memref_slice %arg4[%add3A_17, %dma_start3A_18] : memref<20480x256xf32, #tpu.memory_space<hbm>> -> memref<128x256xf32, #tpu.memory_space<hbm>>
    %dma_start3A_20 = arith.constant 0 : i32
    %dma_start3A_21 = tpu.memref_slice %arg4[%add3A_17, %dma_start3A_20] : memref<20480x256xf32, #tpu.memory_space<hbm>> -> memref<128x256xf32, #tpu.memory_space<hbm>>
    tpu.enqueue_dma source(%arg6 : memref<128x256xf32, #tpu.memory_space<vmem>>) target(%dma_start3A_21 : memref<128x256xf32, #tpu.memory_space<hbm>>) target_semaphore(%arg10 : memref<!tpu.dma_semaphore, #tpu.memory_space<semaphore_mem>>)
    %dma_wait3A_22 = arith.constant 0 : i32
    %dma_wait3A_23 = tpu.memref_slice %arg4[%add3A_17, %dma_wait3A_22] : memref<20480x256xf32, #tpu.memory_space<hbm>> -> memref<128x256xf32, #tpu.memory_space<hbm>>
    %dma_wait3A_24 = arith.constant 0 : i32
    %dma_wait3A_25 = tpu.memref_slice %arg4[%add3A_17, %dma_wait3A_24] : memref<20480x256xf32, #tpu.memory_space<hbm>> -> memref<128x256xf32, #tpu.memory_space<hbm>>
    tpu.wait_dma2 semaphore(%arg10 : memref<!tpu.dma_semaphore, #tpu.memory_space<semaphore_mem>>) src(%arg6 : memref<128x256xf32, #tpu.memory_space<vmem>>) dst(%dma_wait3A_25 : memref<128x256xf32, #tpu.memory_space<hbm>>)
    %dma_start3A_26 = arith.constant 256 : i32
    %dma_start3A_27 = tpu.memref_slice %arg5[%dma_start3A_26] : memref<640xi32, #tpu.memory_space<vmem>> -> memref<128xi32, #tpu.memory_space<vmem>>
    %dma_start3A_28 = arith.constant 0 : i32
    %dma_start3A_29 = arith.constant 0 : i32
    %dma_start3A_30 = tpu.memref_slice %arg2[%dma_start3A_28, %dma_start3A_29] : memref<10000x256xf32, #tpu.memory_space<hbm>> -> memref<10000x256xf32, #tpu.memory_space<hbm>>
    tpu.enqueue_indirect_dma source(%dma_start3A_30 : memref<10000x256xf32, #tpu.memory_space<hbm>>) target(%arg6 : memref<128x256xf32, #tpu.memory_space<vmem>>) offsets(%dma_start3A_27 : memref<128xi32, #tpu.memory_space<vmem>>) semaphore(%arg8 : memref<!tpu.dma_semaphore, #tpu.memory_space<semaphore_mem>>)
    %dma_wait3A_31 = arith.constant 128 : i32
    %dma_wait3A_32 = tpu.memref_slice %arg5[%dma_wait3A_31] : memref<640xi32, #tpu.memory_space<vmem>> -> memref<128xi32, #tpu.memory_space<vmem>>
    %dma_wait3A_33 = arith.constant 0 : i32
    %dma_wait3A_34 = arith.constant 0 : i32
    %dma_wait3A_35 = tpu.memref_slice %arg2[%dma_wait3A_33, %dma_wait3A_34] : memref<10000x256xf32, #tpu.memory_space<hbm>> -> memref<10000x256xf32, #tpu.memory_space<hbm>>
    tpu.wait_indirect_dma semaphore(%arg9 : memref<!tpu.dma_semaphore, #tpu.memory_space<semaphore_mem>>) src(%dma_wait3A_35 : memref<10000x256xf32, #tpu.memory_space<hbm>>) dst(%arg7 : memref<128x256xf32, #tpu.memory_space<vmem>>)
    %add3A_36 = arith.constant 128 : i32
    %add3A_37 = arith.addi %mul3A_2, %add3A_36 : i32
    %dma_start3A_38 = arith.constant 0 : i32
    %dma_start3A_39 = tpu.memref_slice %arg4[%add3A_37, %dma_start3A_38] : memref<20480x256xf32, #tpu.memory_space<hbm>> -> memref<128x256xf32, #tpu.memory_space<hbm>>
    %dma_start3A_40 = arith.constant 0 : i32
    %dma_start3A_41 = tpu.memref_slice %arg4[%add3A_37, %dma_start3A_40] : memref<20480x256xf32, #tpu.memory_space<hbm>> -> memref<128x256xf32, #tpu.memory_space<hbm>>
    tpu.enqueue_dma source(%arg7 : memref<128x256xf32, #tpu.memory_space<vmem>>) target(%dma_start3A_41 : memref<128x256xf32, #tpu.memory_space<hbm>>) target_semaphore(%arg11 : memref<!tpu.dma_semaphore, #tpu.memory_space<semaphore_mem>>)
    %dma_wait3A_42 = arith.constant 0 : i32
    %dma_wait3A_43 = tpu.memref_slice %arg4[%add3A_37, %dma_wait3A_42] : memref<20480x256xf32, #tpu.memory_space<hbm>> -> memref<128x256xf32, #tpu.memory_space<hbm>>
    %dma_wait3A_44 = arith.constant 0 : i32
    %dma_wait3A_45 = tpu.memref_slice %arg4[%add3A_37, %dma_wait3A_44] : memref<20480x256xf32, #tpu.memory_space<hbm>> -> memref<128x256xf32, #tpu.memory_space<hbm>>
    tpu.wait_dma2 semaphore(%arg11 : memref<!tpu.dma_semaphore, #tpu.memory_space<semaphore_mem>>) src(%arg7 : memref<128x256xf32, #tpu.memory_space<vmem>>) dst(%dma_wait3A_45 : memref<128x256xf32, #tpu.memory_space<hbm>>)
    %dma_start3A_46 = arith.constant 384 : i32
    %dma_start3A_47 = tpu.memref_slice %arg5[%dma_start3A_46] : memref<640xi32, #tpu.memory_space<vmem>> -> memref<128xi32, #tpu.memory_space<vmem>>
    %dma_start3A_48 = arith.constant 0 : i32
    %dma_start3A_49 = arith.constant 0 : i32
    %dma_start3A_50 = tpu.memref_slice %arg2[%dma_start3A_48, %dma_start3A_49] : memref<10000x256xf32, #tpu.memory_space<hbm>> -> memref<10000x256xf32, #tpu.memory_space<hbm>>
    tpu.enqueue_indirect_dma source(%dma_start3A_50 : memref<10000x256xf32, #tpu.memory_space<hbm>>) target(%arg7 : memref<128x256xf32, #tpu.memory_space<vmem>>) offsets(%dma_start3A_47 : memref<128xi32, #tpu.memory_space<vmem>>) semaphore(%arg9 : memref<!tpu.dma_semaphore, #tpu.memory_space<semaphore_mem>>)
    %dma_wait3A_51 = arith.constant 256 : i32
    %dma_wait3A_52 = tpu.memref_slice %arg5[%dma_wait3A_51] : memref<640xi32, #tpu.memory_space<vmem>> -> memref<128xi32, #tpu.memory_space<vmem>>
    %dma_wait3A_53 = arith.constant 0 : i32
    %dma_wait3A_54 = arith.constant 0 : i32
    %dma_wait3A_55 = tpu.memref_slice %arg2[%dma_wait3A_53, %dma_wait3A_54] : memref<10000x256xf32, #tpu.memory_space<hbm>> -> memref<10000x256xf32, #tpu.memory_space<hbm>>
    tpu.wait_indirect_dma semaphore(%arg8 : memref<!tpu.dma_semaphore, #tpu.memory_space<semaphore_mem>>) src(%dma_wait3A_55 : memref<10000x256xf32, #tpu.memory_space<hbm>>) dst(%arg6 : memref<128x256xf32, #tpu.memory_space<vmem>>)
    %add3A_56 = arith.constant 256 : i32
    %add3A_57 = arith.addi %mul3A_2, %add3A_56 : i32
    %dma_start3A_58 = arith.constant 0 : i32
    %dma_start3A_59 = tpu.memref_slice %arg4[%add3A_57, %dma_start3A_58] : memref<20480x256xf32, #tpu.memory_space<hbm>> -> memref<128x256xf32, #tpu.memory_space<hbm>>
    %dma_start3A_60 = arith.constant 0 : i32
    %dma_start3A_61 = tpu.memref_slice %arg4[%add3A_57, %dma_start3A_60] : memref<20480x256xf32, #tpu.memory_space<hbm>> -> memref<128x256xf32, #tpu.memory_space<hbm>>
    tpu.enqueue_dma source(%arg6 : memref<128x256xf32, #tpu.memory_space<vmem>>) target(%dma_start3A_61 : memref<128x256xf32, #tpu.memory_space<hbm>>) target_semaphore(%arg10 : memref<!tpu.dma_semaphore, #tpu.memory_space<semaphore_mem>>)
    %dma_wait3A_62 = arith.constant 0 : i32
    %dma_wait3A_63 = tpu.memref_slice %arg4[%add3A_57, %dma_wait3A_62] : memref<20480x256xf32, #tpu.memory_space<hbm>> -> memref<128x256xf32, #tpu.memory_space<hbm>>
    %dma_wait3A_64 = arith.constant 0 : i32
    %dma_wait3A_65 = tpu.memref_slice %arg4[%add3A_57, %dma_wait3A_64] : memref<20480x256xf32, #tpu.memory_space<hbm>> -> memref<128x256xf32, #tpu.memory_space<hbm>>
    tpu.wait_dma2 semaphore(%arg10 : memref<!tpu.dma_semaphore, #tpu.memory_space<semaphore_mem>>) src(%arg6 : memref<128x256xf32, #tpu.memory_space<vmem>>) dst(%dma_wait3A_65 : memref<128x256xf32, #tpu.memory_space<hbm>>)
    %dma_start3A_66 = arith.constant 512 : i32
    %dma_start3A_67 = tpu.memref_slice %arg5[%dma_start3A_66] : memref<640xi32, #tpu.memory_space<vmem>> -> memref<128xi32, #tpu.memory_space<vmem>>
    %dma_start3A_68 = arith.constant 0 : i32
    %dma_start3A_69 = arith.constant 0 : i32
    %dma_start3A_70 = tpu.memref_slice %arg2[%dma_start3A_68, %dma_start3A_69] : memref<10000x256xf32, #tpu.memory_space<hbm>> -> memref<10000x256xf32, #tpu.memory_space<hbm>>
    tpu.enqueue_indirect_dma source(%dma_start3A_70 : memref<10000x256xf32, #tpu.memory_space<hbm>>) target(%arg6 : memref<128x256xf32, #tpu.memory_space<vmem>>) offsets(%dma_start3A_67 : memref<128xi32, #tpu.memory_space<vmem>>) semaphore(%arg8 : memref<!tpu.dma_semaphore, #tpu.memory_space<semaphore_mem>>)
    %dma_wait3A_71 = arith.constant 384 : i32
    %dma_wait3A_72 = tpu.memref_slice %arg5[%dma_wait3A_71] : memref<640xi32, #tpu.memory_space<vmem>> -> memref<128xi32, #tpu.memory_space<vmem>>
    %dma_wait3A_73 = arith.constant 0 : i32
    %dma_wait3A_74 = arith.constant 0 : i32
    %dma_wait3A_75 = tpu.memref_slice %arg2[%dma_wait3A_73, %dma_wait3A_74] : memref<10000x256xf32, #tpu.memory_space<hbm>> -> memref<10000x256xf32, #tpu.memory_space<hbm>>
    tpu.wait_indirect_dma semaphore(%arg9 : memref<!tpu.dma_semaphore, #tpu.memory_space<semaphore_mem>>) src(%dma_wait3A_75 : memref<10000x256xf32, #tpu.memory_space<hbm>>) dst(%arg7 : memref<128x256xf32, #tpu.memory_space<vmem>>)
    %add3A_76 = arith.constant 384 : i32
    %add3A_77 = arith.addi %mul3A_2, %add3A_76 : i32
    %dma_start3A_78 = arith.constant 0 : i32
    %dma_start3A_79 = tpu.memref_slice %arg4[%add3A_77, %dma_start3A_78] : memref<20480x256xf32, #tpu.memory_space<hbm>> -> memref<128x256xf32, #tpu.memory_space<hbm>>
    %dma_start3A_80 = arith.constant 0 : i32
    %dma_start3A_81 = tpu.memref_slice %arg4[%add3A_77, %dma_start3A_80] : memref<20480x256xf32, #tpu.memory_space<hbm>> -> memref<128x256xf32, #tpu.memory_space<hbm>>
    tpu.enqueue_dma source(%arg7 : memref<128x256xf32, #tpu.memory_space<vmem>>) target(%dma_start3A_81 : memref<128x256xf32, #tpu.memory_space<hbm>>) target_semaphore(%arg11 : memref<!tpu.dma_semaphore, #tpu.memory_space<semaphore_mem>>)
    %dma_wait3A_82 = arith.constant 512 : i32
    %dma_wait3A_83 = tpu.memref_slice %arg5[%dma_wait3A_82] : memref<640xi32, #tpu.memory_space<vmem>> -> memref<128xi32, #tpu.memory_space<vmem>>
    %dma_wait3A_84 = arith.constant 0 : i32
    %dma_wait3A_85 = arith.constant 0 : i32
    %dma_wait3A_86 = tpu.memref_slice %arg2[%dma_wait3A_84, %dma_wait3A_85] : memref<10000x256xf32, #tpu.memory_space<hbm>> -> memref<10000x256xf32, #tpu.memory_space<hbm>>
    tpu.wait_indirect_dma semaphore(%arg8 : memref<!tpu.dma_semaphore, #tpu.memory_space<semaphore_mem>>) src(%dma_wait3A_86 : memref<10000x256xf32, #tpu.memory_space<hbm>>) dst(%arg6 : memref<128x256xf32, #tpu.memory_space<vmem>>)
    %add3A_87 = arith.constant 512 : i32
    %add3A_88 = arith.addi %mul3A_2, %add3A_87 : i32
    %dma_start3A_89 = arith.constant 0 : i32
    %dma_start3A_90 = tpu.memref_slice %arg4[%add3A_88, %dma_start3A_89] : memref<20480x256xf32, #tpu.memory_space<hbm>> -> memref<128x256xf32, #tpu.memory_space<hbm>>
    %dma_start3A_91 = arith.constant 0 : i32
    %dma_start3A_92 = tpu.memref_slice %arg4[%add3A_88, %dma_start3A_91] : memref<20480x256xf32, #tpu.memory_space<hbm>> -> memref<128x256xf32, #tpu.memory_space<hbm>>
    tpu.enqueue_dma source(%arg6 : memref<128x256xf32, #tpu.memory_space<vmem>>) target(%dma_start3A_92 : memref<128x256xf32, #tpu.memory_space<hbm>>) target_semaphore(%arg10 : memref<!tpu.dma_semaphore, #tpu.memory_space<semaphore_mem>>)
    %dma_wait3A_93 = arith.constant 0 : i32
    %dma_wait3A_94 = tpu.memref_slice %arg4[%add3A_77, %dma_wait3A_93] : memref<20480x256xf32, #tpu.memory_space<hbm>> -> memref<128x256xf32, #tpu.memory_space<hbm>>
    %dma_wait3A_95 = arith.constant 0 : i32
    %dma_wait3A_96 = tpu.memref_slice %arg4[%add3A_77, %dma_wait3A_95] : memref<20480x256xf32, #tpu.memory_space<hbm>> -> memref<128x256xf32, #tpu.memory_space<hbm>>
    tpu.wait_dma2 semaphore(%arg11 : memref<!tpu.dma_semaphore, #tpu.memory_space<semaphore_mem>>) src(%arg7 : memref<128x256xf32, #tpu.memory_space<vmem>>) dst(%dma_wait3A_96 : memref<128x256xf32, #tpu.memory_space<hbm>>)
    %dma_wait3A_97 = arith.constant 0 : i32
    %dma_wait3A_98 = tpu.memref_slice %arg4[%add3A_88, %dma_wait3A_97] : memref<20480x256xf32, #tpu.memory_space<hbm>> -> memref<128x256xf32, #tpu.memory_space<hbm>>
    %dma_wait3A_99 = arith.constant 0 : i32
    %dma_wait3A_100 = tpu.memref_slice %arg4[%add3A_88, %dma_wait3A_99] : memref<20480x256xf32, #tpu.memory_space<hbm>> -> memref<128x256xf32, #tpu.memory_space<hbm>>
    tpu.wait_dma2 semaphore(%arg10 : memref<!tpu.dma_semaphore, #tpu.memory_space<semaphore_mem>>) src(%arg6 : memref<128x256xf32, #tpu.memory_space<vmem>>) dst(%dma_wait3A_100 : memref<128x256xf32, #tpu.memory_space<hbm>>)
    return
  }
}

#map = affine_map<(d0, d1) -> (0, 0)>
#map1 = affine_map<(d0, d1) -> (0)>
module attributes {stable_mosaic.version = 14 : i64} {
  func.func @gk(%arg0: i32, %arg1: i32, %arg2: memref<10000x256xf32, #tpu.memory_space<hbm>>, %arg3: memref<20480xi32, #tpu.memory_space<hbm>>, %arg4: memref<20480x256xf32, #tpu.memory_space<hbm>>, %arg5: memref<640xi32, #tpu.memory_space<vmem>>, %arg6: memref<128x256xf32, #tpu.memory_space<vmem>>, %arg7: memref<128x256xf32, #tpu.memory_space<vmem>>, %arg8: memref<!tpu.dma_semaphore, #tpu.memory_space<semaphore_mem>>, %arg9: memref<!tpu.dma_semaphore, #tpu.memory_space<semaphore_mem>>, %arg10: memref<!tpu.dma_semaphore, #tpu.memory_space<semaphore_mem>>, %arg11: memref<!tpu.dma_semaphore, #tpu.memory_space<semaphore_mem>>) attributes {dimension_semantics = [#tpu.dimension_semantics<core_parallel>, #tpu.dimension_semantics<subcore_parallel>], iteration_bounds = array<i64: 2, 16>, scalar_prefetch = 0 : i64, scratch_operands = 7 : i64, tpu.core_type = #tpu.core_type<sc_vector_subcore>, window_params = [{transform_indices = #map}, {transform_indices = #map1}, {transform_indices = #map}]} {
    %mul3A = arith.constant 2 : i32
    %mul3A_0 = arith.muli %arg1, %mul3A : i32
    %add3A = arith.addi %mul3A_0, %arg0 : i32
    %mul3A_1 = arith.constant 640 : i32
    %mul3A_2 = arith.muli %add3A, %mul3A_1 : i32
    "tpu.region"() ({
      %run_scoped3A = tpu.sem_alloc : memref<!tpu.dma_semaphore, #tpu.memory_space<semaphore_mem>>
      %dma_start3A_101 = tpu.memref_slice %arg3[%mul3A_2] : memref<20480xi32, #tpu.memory_space<hbm>> -> memref<640xi32, #tpu.memory_space<hbm>>
      %dma_start3A_102 = tpu.memref_slice %arg3[%mul3A_2] : memref<20480xi32, #tpu.memory_space<hbm>> -> memref<640xi32, #tpu.memory_space<hbm>>
      tpu.enqueue_dma source(%dma_start3A_102 : memref<640xi32, #tpu.memory_space<hbm>>) target(%arg5 : memref<640xi32, #tpu.memory_space<vmem>>) target_semaphore(%run_scoped3A : memref<!tpu.dma_semaphore, #tpu.memory_space<semaphore_mem>>)
      %dma_wait3A_103 = tpu.memref_slice %arg3[%mul3A_2] : memref<20480xi32, #tpu.memory_space<hbm>> -> memref<640xi32, #tpu.memory_space<hbm>>
      %dma_wait3A_104 = tpu.memref_slice %arg3[%mul3A_2] : memref<20480xi32, #tpu.memory_space<hbm>> -> memref<640xi32, #tpu.memory_space<hbm>>
      tpu.wait_dma2 semaphore(%run_scoped3A : memref<!tpu.dma_semaphore, #tpu.memory_space<semaphore_mem>>) src(%dma_wait3A_104 : memref<640xi32, #tpu.memory_space<hbm>>) dst(%arg5 : memref<640xi32, #tpu.memory_space<vmem>>)
      tpu.yield
    }) : () -> ()
    %dma_start3A = arith.constant 0 : i32
    %dma_start3A_3 = tpu.memref_slice %arg5[%dma_start3A] : memref<640xi32, #tpu.memory_space<vmem>> -> memref<128xi32, #tpu.memory_space<vmem>>
    %dma_start3A_4 = arith.constant 0 : i32
    %dma_start3A_5 = arith.constant 0 : i32
    %dma_start3A_6 = tpu.memref_slice %arg2[%dma_start3A_4, %dma_start3A_5] : memref<10000x256xf32, #tpu.memory_space<hbm>> -> memref<10000x256xf32, #tpu.memory_space<hbm>>
    tpu.enqueue_indirect_dma source(%dma_start3A_6 : memref<10000x256xf32, #tpu.memory_space<hbm>>) target(%arg6 : memref<128x256xf32, #tpu.memory_space<vmem>>) offsets(%dma_start3A_3 : memref<128xi32, #tpu.memory_space<vmem>>) semaphore(%arg8 : memref<!tpu.dma_semaphore, #tpu.memory_space<semaphore_mem>>)
    %dma_start3A_7 = arith.constant 128 : i32
    %dma_start3A_8 = tpu.memref_slice %arg5[%dma_start3A_7] : memref<640xi32, #tpu.memory_space<vmem>> -> memref<128xi32, #tpu.memory_space<vmem>>
    %dma_start3A_9 = arith.constant 0 : i32
    %dma_start3A_10 = arith.constant 0 : i32
    %dma_start3A_11 = tpu.memref_slice %arg2[%dma_start3A_9, %dma_start3A_10] : memref<10000x256xf32, #tpu.memory_space<hbm>> -> memref<10000x256xf32, #tpu.memory_space<hbm>>
    tpu.enqueue_indirect_dma source(%dma_start3A_11 : memref<10000x256xf32, #tpu.memory_space<hbm>>) target(%arg7 : memref<128x256xf32, #tpu.memory_space<vmem>>) offsets(%dma_start3A_8 : memref<128xi32, #tpu.memory_space<vmem>>) semaphore(%arg9 : memref<!tpu.dma_semaphore, #tpu.memory_space<semaphore_mem>>)
    %dma_wait3A = arith.constant 0 : i32
    %dma_wait3A_12 = tpu.memref_slice %arg5[%dma_wait3A] : memref<640xi32, #tpu.memory_space<vmem>> -> memref<128xi32, #tpu.memory_space<vmem>>
    %dma_wait3A_13 = arith.constant 0 : i32
    %dma_wait3A_14 = arith.constant 0 : i32
    %dma_wait3A_15 = tpu.memref_slice %arg2[%dma_wait3A_13, %dma_wait3A_14] : memref<10000x256xf32, #tpu.memory_space<hbm>> -> memref<10000x256xf32, #tpu.memory_space<hbm>>
    tpu.wait_indirect_dma semaphore(%arg8 : memref<!tpu.dma_semaphore, #tpu.memory_space<semaphore_mem>>) src(%dma_wait3A_15 : memref<10000x256xf32, #tpu.memory_space<hbm>>) dst(%arg6 : memref<128x256xf32, #tpu.memory_space<vmem>>)
    %add3A_16 = arith.constant 0 : i32
    %add3A_17 = arith.addi %mul3A_2, %add3A_16 : i32
    %dma_start3A_18 = arith.constant 0 : i32
    %dma_start3A_19 = tpu.memref_slice %arg4[%add3A_17, %dma_start3A_18] : memref<20480x256xf32, #tpu.memory_space<hbm>> -> memref<128x256xf32, #tpu.memory_space<hbm>>
    %dma_start3A_20 = arith.constant 0 : i32
    %dma_start3A_21 = tpu.memref_slice %arg4[%add3A_17, %dma_start3A_20] : memref<20480x256xf32, #tpu.memory_space<hbm>> -> memref<128x256xf32, #tpu.memory_space<hbm>>
    tpu.enqueue_dma source(%arg6 : memref<128x256xf32, #tpu.memory_space<vmem>>) target(%dma_start3A_21 : memref<128x256xf32, #tpu.memory_space<hbm>>) target_semaphore(%arg10 : memref<!tpu.dma_semaphore, #tpu.memory_space<semaphore_mem>>)
    %dma_wait3A_22 = arith.constant 0 : i32
    %dma_wait3A_23 = tpu.memref_slice %arg4[%add3A_17, %dma_wait3A_22] : memref<20480x256xf32, #tpu.memory_space<hbm>> -> memref<128x256xf32, #tpu.memory_space<hbm>>
    %dma_wait3A_24 = arith.constant 0 : i32
    %dma_wait3A_25 = tpu.memref_slice %arg4[%add3A_17, %dma_wait3A_24] : memref<20480x256xf32, #tpu.memory_space<hbm>> -> memref<128x256xf32, #tpu.memory_space<hbm>>
    tpu.wait_dma2 semaphore(%arg10 : memref<!tpu.dma_semaphore, #tpu.memory_space<semaphore_mem>>) src(%arg6 : memref<128x256xf32, #tpu.memory_space<vmem>>) dst(%dma_wait3A_25 : memref<128x256xf32, #tpu.memory_space<hbm>>)
    %dma_start3A_26 = arith.constant 256 : i32
    %dma_start3A_27 = tpu.memref_slice %arg5[%dma_start3A_26] : memref<640xi32, #tpu.memory_space<vmem>> -> memref<128xi32, #tpu.memory_space<vmem>>
    %dma_start3A_28 = arith.constant 0 : i32
    %dma_start3A_29 = arith.constant 0 : i32
    %dma_start3A_30 = tpu.memref_slice %arg2[%dma_start3A_28, %dma_start3A_29] : memref<10000x256xf32, #tpu.memory_space<hbm>> -> memref<10000x256xf32, #tpu.memory_space<hbm>>
    tpu.enqueue_indirect_dma source(%dma_start3A_30 : memref<10000x256xf32, #tpu.memory_space<hbm>>) target(%arg6 : memref<128x256xf32, #tpu.memory_space<vmem>>) offsets(%dma_start3A_27 : memref<128xi32, #tpu.memory_space<vmem>>) semaphore(%arg8 : memref<!tpu.dma_semaphore, #tpu.memory_space<semaphore_mem>>)
    %dma_wait3A_31 = arith.constant 128 : i32
    %dma_wait3A_32 = tpu.memref_slice %arg5[%dma_wait3A_31] : memref<640xi32, #tpu.memory_space<vmem>> -> memref<128xi32, #tpu.memory_space<vmem>>
    %dma_wait3A_33 = arith.constant 0 : i32
    %dma_wait3A_34 = arith.constant 0 : i32
    %dma_wait3A_35 = tpu.memref_slice %arg2[%dma_wait3A_33, %dma_wait3A_34] : memref<10000x256xf32, #tpu.memory_space<hbm>> -> memref<10000x256xf32, #tpu.memory_space<hbm>>
    tpu.wait_indirect_dma semaphore(%arg9 : memref<!tpu.dma_semaphore, #tpu.memory_space<semaphore_mem>>) src(%dma_wait3A_35 : memref<10000x256xf32, #tpu.memory_space<hbm>>) dst(%arg7 : memref<128x256xf32, #tpu.memory_space<vmem>>)
    %add3A_36 = arith.constant 128 : i32
    %add3A_37 = arith.addi %mul3A_2, %add3A_36 : i32
    %dma_start3A_38 = arith.constant 0 : i32
    %dma_start3A_39 = tpu.memref_slice %arg4[%add3A_37, %dma_start3A_38] : memref<20480x256xf32, #tpu.memory_space<hbm>> -> memref<128x256xf32, #tpu.memory_space<hbm>>
    %dma_start3A_40 = arith.constant 0 : i32
    %dma_start3A_41 = tpu.memref_slice %arg4[%add3A_37, %dma_start3A_40] : memref<20480x256xf32, #tpu.memory_space<hbm>> -> memref<128x256xf32, #tpu.memory_space<hbm>>
    tpu.enqueue_dma source(%arg7 : memref<128x256xf32, #tpu.memory_space<vmem>>) target(%dma_start3A_41 : memref<128x256xf32, #tpu.memory_space<hbm>>) target_semaphore(%arg11 : memref<!tpu.dma_semaphore, #tpu.memory_space<semaphore_mem>>)
    %dma_wait3A_42 = arith.constant 0 : i32
    %dma_wait3A_43 = tpu.memref_slice %arg4[%add3A_37, %dma_wait3A_42] : memref<20480x256xf32, #tpu.memory_space<hbm>> -> memref<128x256xf32, #tpu.memory_space<hbm>>
    %dma_wait3A_44 = arith.constant 0 : i32
    %dma_wait3A_45 = tpu.memref_slice %arg4[%add3A_37, %dma_wait3A_44] : memref<20480x256xf32, #tpu.memory_space<hbm>> -> memref<128x256xf32, #tpu.memory_space<hbm>>
    tpu.wait_dma2 semaphore(%arg11 : memref<!tpu.dma_semaphore, #tpu.memory_space<semaphore_mem>>) src(%arg7 : memref<128x256xf32, #tpu.memory_space<vmem>>) dst(%dma_wait3A_45 : memref<128x256xf32, #tpu.memory_space<hbm>>)
    %dma_start3A_46 = arith.constant 384 : i32
    %dma_start3A_47 = tpu.memref_slice %arg5[%dma_start3A_46] : memref<640xi32, #tpu.memory_space<vmem>> -> memref<128xi32, #tpu.memory_space<vmem>>
    %dma_start3A_48 = arith.constant 0 : i32
    %dma_start3A_49 = arith.constant 0 : i32
    %dma_start3A_50 = tpu.memref_slice %arg2[%dma_start3A_48, %dma_start3A_49] : memref<10000x256xf32, #tpu.memory_space<hbm>> -> memref<10000x256xf32, #tpu.memory_space<hbm>>
    tpu.enqueue_indirect_dma source(%dma_start3A_50 : memref<10000x256xf32, #tpu.memory_space<hbm>>) target(%arg7 : memref<128x256xf32, #tpu.memory_space<vmem>>) offsets(%dma_start3A_47 : memref<128xi32, #tpu.memory_space<vmem>>) semaphore(%arg9 : memref<!tpu.dma_semaphore, #tpu.memory_space<semaphore_mem>>)
    %dma_wait3A_51 = arith.constant 256 : i32
    %dma_wait3A_52 = tpu.memref_slice %arg5[%dma_wait3A_51] : memref<640xi32, #tpu.memory_space<vmem>> -> memref<128xi32, #tpu.memory_space<vmem>>
    %dma_wait3A_53 = arith.constant 0 : i32
    %dma_wait3A_54 = arith.constant 0 : i32
    %dma_wait3A_55 = tpu.memref_slice %arg2[%dma_wait3A_53, %dma_wait3A_54] : memref<10000x256xf32, #tpu.memory_space<hbm>> -> memref<10000x256xf32, #tpu.memory_space<hbm>>
    tpu.wait_indirect_dma semaphore(%arg8 : memref<!tpu.dma_semaphore, #tpu.memory_space<semaphore_mem>>) src(%dma_wait3A_55 : memref<10000x256xf32, #tpu.memory_space<hbm>>) dst(%arg6 : memref<128x256xf32, #tpu.memory_space<vmem>>)
    %add3A_56 = arith.constant 256 : i32
    %add3A_57 = arith.addi %mul3A_2, %add3A_56 : i32
    %dma_start3A_58 = arith.constant 0 : i32
    %dma_start3A_59 = tpu.memref_slice %arg4[%add3A_57, %dma_start3A_58] : memref<20480x256xf32, #tpu.memory_space<hbm>> -> memref<128x256xf32, #tpu.memory_space<hbm>>
    %dma_start3A_60 = arith.constant 0 : i32
    %dma_start3A_61 = tpu.memref_slice %arg4[%add3A_57, %dma_start3A_60] : memref<20480x256xf32, #tpu.memory_space<hbm>> -> memref<128x256xf32, #tpu.memory_space<hbm>>
    tpu.enqueue_dma source(%arg6 : memref<128x256xf32, #tpu.memory_space<vmem>>) target(%dma_start3A_61 : memref<128x256xf32, #tpu.memory_space<hbm>>) target_semaphore(%arg10 : memref<!tpu.dma_semaphore, #tpu.memory_space<semaphore_mem>>)
    %dma_wait3A_62 = arith.constant 0 : i32
    %dma_wait3A_63 = tpu.memref_slice %arg4[%add3A_57, %dma_wait3A_62] : memref<20480x256xf32, #tpu.memory_space<hbm>> -> memref<128x256xf32, #tpu.memory_space<hbm>>
    %dma_wait3A_64 = arith.constant 0 : i32
    %dma_wait3A_65 = tpu.memref_slice %arg4[%add3A_57, %dma_wait3A_64] : memref<20480x256xf32, #tpu.memory_space<hbm>> -> memref<128x256xf32, #tpu.memory_space<hbm>>
    tpu.wait_dma2 semaphore(%arg10 : memref<!tpu.dma_semaphore, #tpu.memory_space<semaphore_mem>>) src(%arg6 : memref<128x256xf32, #tpu.memory_space<vmem>>) dst(%dma_wait3A_65 : memref<128x256xf32, #tpu.memory_space<hbm>>)
    %dma_start3A_66 = arith.constant 512 : i32
    %dma_start3A_67 = tpu.memref_slice %arg5[%dma_start3A_66] : memref<640xi32, #tpu.memory_space<vmem>> -> memref<128xi32, #tpu.memory_space<vmem>>
    %dma_start3A_68 = arith.constant 0 : i32
    %dma_start3A_69 = arith.constant 0 : i32
    %dma_start3A_70 = tpu.memref_slice %arg2[%dma_start3A_68, %dma_start3A_69] : memref<10000x256xf32, #tpu.memory_space<hbm>> -> memref<10000x256xf32, #tpu.memory_space<hbm>>
    tpu.enqueue_indirect_dma source(%dma_start3A_70 : memref<10000x256xf32, #tpu.memory_space<hbm>>) target(%arg6 : memref<128x256xf32, #tpu.memory_space<vmem>>) offsets(%dma_start3A_67 : memref<128xi32, #tpu.memory_space<vmem>>) semaphore(%arg8 : memref<!tpu.dma_semaphore, #tpu.memory_space<semaphore_mem>>)
    %dma_wait3A_71 = arith.constant 384 : i32
    %dma_wait3A_72 = tpu.memref_slice %arg5[%dma_wait3A_71] : memref<640xi32, #tpu.memory_space<vmem>> -> memref<128xi32, #tpu.memory_space<vmem>>
    %dma_wait3A_73 = arith.constant 0 : i32
    %dma_wait3A_74 = arith.constant 0 : i32
    %dma_wait3A_75 = tpu.memref_slice %arg2[%dma_wait3A_73, %dma_wait3A_74] : memref<10000x256xf32, #tpu.memory_space<hbm>> -> memref<10000x256xf32, #tpu.memory_space<hbm>>
    tpu.wait_indirect_dma semaphore(%arg9 : memref<!tpu.dma_semaphore, #tpu.memory_space<semaphore_mem>>) src(%dma_wait3A_75 : memref<10000x256xf32, #tpu.memory_space<hbm>>) dst(%arg7 : memref<128x256xf32, #tpu.memory_space<vmem>>)
    %add3A_76 = arith.constant 384 : i32
    %add3A_77 = arith.addi %mul3A_2, %add3A_76 : i32
    %dma_start3A_78 = arith.constant 0 : i32
    %dma_start3A_79 = tpu.memref_slice %arg4[%add3A_77, %dma_start3A_78] : memref<20480x256xf32, #tpu.memory_space<hbm>> -> memref<128x256xf32, #tpu.memory_space<hbm>>
    %dma_start3A_80 = arith.constant 0 : i32
    %dma_start3A_81 = tpu.memref_slice %arg4[%add3A_77, %dma_start3A_80] : memref<20480x256xf32, #tpu.memory_space<hbm>> -> memref<128x256xf32, #tpu.memory_space<hbm>>
    tpu.enqueue_dma source(%arg7 : memref<128x256xf32, #tpu.memory_space<vmem>>) target(%dma_start3A_81 : memref<128x256xf32, #tpu.memory_space<hbm>>) target_semaphore(%arg11 : memref<!tpu.dma_semaphore, #tpu.memory_space<semaphore_mem>>)
    %dma_wait3A_82 = arith.constant 512 : i32
    %dma_wait3A_83 = tpu.memref_slice %arg5[%dma_wait3A_82] : memref<640xi32, #tpu.memory_space<vmem>> -> memref<128xi32, #tpu.memory_space<vmem>>
    %dma_wait3A_84 = arith.constant 0 : i32
    %dma_wait3A_85 = arith.constant 0 : i32
    %dma_wait3A_86 = tpu.memref_slice %arg2[%dma_wait3A_84, %dma_wait3A_85] : memref<10000x256xf32, #tpu.memory_space<hbm>> -> memref<10000x256xf32, #tpu.memory_space<hbm>>
    tpu.wait_indirect_dma semaphore(%arg8 : memref<!tpu.dma_semaphore, #tpu.memory_space<semaphore_mem>>) src(%dma_wait3A_86 : memref<10000x256xf32, #tpu.memory_space<hbm>>) dst(%arg6 : memref<128x256xf32, #tpu.memory_space<vmem>>)
    %add3A_87 = arith.constant 512 : i32
    %add3A_88 = arith.addi %mul3A_2, %add3A_87 : i32
    %dma_start3A_89 = arith.constant 0 : i32
    %dma_start3A_90 = tpu.memref_slice %arg4[%add3A_88, %dma_start3A_89] : memref<20480x256xf32, #tpu.memory_space<hbm>> -> memref<128x256xf32, #tpu.memory_space<hbm>>
    %dma_start3A_91 = arith.constant 0 : i32
    %dma_start3A_92 = tpu.memref_slice %arg4[%add3A_88, %dma_start3A_91] : memref<20480x256xf32, #tpu.memory_space<hbm>> -> memref<128x256xf32, #tpu.memory_space<hbm>>
    tpu.enqueue_dma source(%arg6 : memref<128x256xf32, #tpu.memory_space<vmem>>) target(%dma_start3A_92 : memref<128x256xf32, #tpu.memory_space<hbm>>) target_semaphore(%arg10 : memref<!tpu.dma_semaphore, #tpu.memory_space<semaphore_mem>>)
    %dma_wait3A_93 = arith.constant 0 : i32
    %dma_wait3A_94 = tpu.memref_slice %arg4[%add3A_77, %dma_wait3A_93] : memref<20480x256xf32, #tpu.memory_space<hbm>> -> memref<128x256xf32, #tpu.memory_space<hbm>>
    %dma_wait3A_95 = arith.constant 0 : i32
    %dma_wait3A_96 = tpu.memref_slice %arg4[%add3A_77, %dma_wait3A_95] : memref<20480x256xf32, #tpu.memory_space<hbm>> -> memref<128x256xf32, #tpu.memory_space<hbm>>
    tpu.wait_dma2 semaphore(%arg11 : memref<!tpu.dma_semaphore, #tpu.memory_space<semaphore_mem>>) src(%arg7 : memref<128x256xf32, #tpu.memory_space<vmem>>) dst(%dma_wait3A_96 : memref<128x256xf32, #tpu.memory_space<hbm>>)
    %dma_wait3A_97 = arith.constant 0 : i32
    %dma_wait3A_98 = tpu.memref_slice %arg4[%add3A_88, %dma_wait3A_97] : memref<20480x256xf32, #tpu.memory_space<hbm>> -> memref<128x256xf32, #tpu.memory_space<hbm>>
    %dma_wait3A_99 = arith.constant 0 : i32
    %dma_wait3A_100 = tpu.memref_slice %arg4[%add3A_88, %dma_wait3A_99] : memref<20480x256xf32, #tpu.memory_space<hbm>> -> memref<128x256xf32, #tpu.memory_space<hbm>>
    tpu.wait_dma2 semaphore(%arg10 : memref<!tpu.dma_semaphore, #tpu.memory_space<semaphore_mem>>) src(%arg6 : memref<128x256xf32, #tpu.memory_space<vmem>>) dst(%dma_wait3A_100 : memref<128x256xf32, #tpu.memory_space<hbm>>)
    return
  }
}

module attributes {stable_mosaic.version = 14 : i64} {
  func.func @_knn_body(%arg0: i32, %arg1: memref<256x128xf32, #tpu.memory_space<vmem>>, %arg2: memref<10000x128xf32, #tpu.memory_space<vmem>>, %arg3: memref<256x4xi32, #tpu.memory_space<vmem>>) attributes {dimension_semantics = [#tpu.dimension_semantics<arbitrary>], iteration_bounds = array<i64: 40>, scalar_prefetch = 0 : i64, scratch_operands = 0 : i64, tpu.core_type = #tpu.core_type<tc>, window_params = [{transform_indices = @transform_0, window_bounds = array<i64: 256, 128>}, {pipeline_mode = #tpu.pipeline_mode<synchronous>, transform_indices = @transform_1, window_bounds = array<i64: 10000, 128>}, {transform_indices = @transform_2, window_bounds = array<i64: 256, 4>}]} {
    %get3A = arith.constant 0 : index
    %get3A_0 = arith.constant 0 : index
    %get3A_1 = vector.load %arg1[%get3A, %get3A_0] : memref<256x128xf32, #tpu.memory_space<vmem>>, vector<256x128xf32>
    %get3A_2 = arith.constant 0 : index
    %get3A_3 = arith.constant 0 : index
    %get3A_4 = vector.load %arg2[%get3A_2, %get3A_3] : memref<10000x128xf32, #tpu.memory_space<vmem>>, vector<10000x128xf32>
    %broadcast_in_dim3A = arith.constant 1.000000e+00 : f32
    %broadcast_in_dim3A_5 = vector.broadcast %broadcast_in_dim3A : f32 to vector<1x128xf32>
    %mul3A = arith.mulf %get3A_4, %get3A_4 : vector<10000x128xf32>
    %dot_general3A = arith.constant dense<0.000000e+00> : vector<1x10000xf32>
    %dot_general3A_6 = tpu.matmul %broadcast_in_dim3A_5, %mul3A, %dot_general3A {dimension_numbers = #tpu.dot_dimension_numbers<[1], [1], [0], [0], [0, 0, 1, 0], [], []>, precision = #tpu.contract_precision<fp32>, transpose_lhs_hint = false} : vector<1x128xf32>, vector<10000x128xf32>, vector<1x10000xf32> -> vector<1x10000xf32>
    %mul3A_7 = arith.constant -2.000000e+00 : f32
    %mul3A_8 = vector.broadcast %mul3A_7 : f32 to vector<256x128xf32>
    %mul3A_9 = arith.mulf %get3A_1, %mul3A_8 : vector<256x128xf32>
    %slice3A = vector.extract_strided_slice %get3A_4 {offsets = [0, 0], sizes = [1024, 128], strides = [1, 1]} : vector<10000x128xf32> to vector<1024x128xf32>
    %slice3A_10 = vector.extract_strided_slice %dot_general3A_6 {offsets = [0, 0], sizes = [1, 1024], strides = [1, 1]} : vector<1x10000xf32> to vector<1x1024xf32>
    %dot_general3A_11 = arith.constant dense<0.000000e+00> : vector<256x1024xf32>
    %dot_general3A_12 = tpu.matmul %mul3A_9, %slice3A, %dot_general3A_11 {dimension_numbers = #tpu.dot_dimension_numbers<[1], [1], [0], [0], [0, 0, 1, 0], [], []>, transpose_lhs_hint = false} : vector<256x128xf32>, vector<1024x128xf32>, vector<256x1024xf32> -> vector<256x1024xf32>
    %add3A = vector.broadcast %slice3A_10 : vector<1x1024xf32> to vector<256x1024xf32>
    %add3A_13 = arith.addf %add3A, %dot_general3A_12 : vector<256x1024xf32>
    %slice3A_14 = vector.extract_strided_slice %get3A_4 {offsets = [1024, 0], sizes = [1024, 128], strides = [1, 1]} : vector<10000x128xf32> to vector<1024x128xf32>
    %slice3A_15 = vector.extract_strided_slice %dot_general3A_6 {offsets = [0, 1024], sizes = [1, 1024], strides = [1, 1]} : vector<1x10000xf32> to vector<1x1024xf32>
    %dot_general3A_16 = arith.constant dense<0.000000e+00> : vector<256x1024xf32>
    %dot_general3A_17 = tpu.matmul %mul3A_9, %slice3A_14, %dot_general3A_16 {dimension_numbers = #tpu.dot_dimension_numbers<[1], [1], [0], [0], [0, 0, 1, 0], [], []>, transpose_lhs_hint = false} : vector<256x128xf32>, vector<1024x128xf32>, vector<256x1024xf32> -> vector<256x1024xf32>
    %add3A_18 = vector.broadcast %slice3A_15 : vector<1x1024xf32> to vector<256x1024xf32>
    %add3A_19 = arith.addf %add3A_18, %dot_general3A_17 : vector<256x1024xf32>
    %slice3A_20 = vector.extract_strided_slice %get3A_4 {offsets = [2048, 0], sizes = [1024, 128], strides = [1, 1]} : vector<10000x128xf32> to vector<1024x128xf32>
    %slice3A_21 = vector.extract_strided_slice %dot_general3A_6 {offsets = [0, 2048], sizes = [1, 1024], strides = [1, 1]} : vector<1x10000xf32> to vector<1x1024xf32>
    %dot_general3A_22 = arith.constant dense<0.000000e+00> : vector<256x1024xf32>
    %dot_general3A_23 = tpu.matmul %mul3A_9, %slice3A_20, %dot_general3A_22 {dimension_numbers = #tpu.dot_dimension_numbers<[1], [1], [0], [0], [0, 0, 1, 0], [], []>, transpose_lhs_hint = false} : vector<256x128xf32>, vector<1024x128xf32>, vector<256x1024xf32> -> vector<256x1024xf32>
    %add3A_24 = vector.broadcast %slice3A_21 : vector<1x1024xf32> to vector<256x1024xf32>
    %add3A_25 = arith.addf %add3A_24, %dot_general3A_23 : vector<256x1024xf32>
    %slice3A_26 = vector.extract_strided_slice %get3A_4 {offsets = [3072, 0], sizes = [1024, 128], strides = [1, 1]} : vector<10000x128xf32> to vector<1024x128xf32>
    %slice3A_27 = vector.extract_strided_slice %dot_general3A_6 {offsets = [0, 3072], sizes = [1, 1024], strides = [1, 1]} : vector<1x10000xf32> to vector<1x1024xf32>
    %dot_general3A_28 = arith.constant dense<0.000000e+00> : vector<256x1024xf32>
    %dot_general3A_29 = tpu.matmul %mul3A_9, %slice3A_26, %dot_general3A_28 {dimension_numbers = #tpu.dot_dimension_numbers<[1], [1], [0], [0], [0, 0, 1, 0], [], []>, transpose_lhs_hint = false} : vector<256x128xf32>, vector<1024x128xf32>, vector<256x1024xf32> -> vector<256x1024xf32>
    %add3A_30 = vector.broadcast %slice3A_27 : vector<1x1024xf32> to vector<256x1024xf32>
    %add3A_31 = arith.addf %add3A_30, %dot_general3A_29 : vector<256x1024xf32>
    %slice3A_32 = vector.extract_strided_slice %get3A_4 {offsets = [4096, 0], sizes = [1024, 128], strides = [1, 1]} : vector<10000x128xf32> to vector<1024x128xf32>
    %slice3A_33 = vector.extract_strided_slice %dot_general3A_6 {offsets = [0, 4096], sizes = [1, 1024], strides = [1, 1]} : vector<1x10000xf32> to vector<1x1024xf32>
    %dot_general3A_34 = arith.constant dense<0.000000e+00> : vector<256x1024xf32>
    %dot_general3A_35 = tpu.matmul %mul3A_9, %slice3A_32, %dot_general3A_34 {dimension_numbers = #tpu.dot_dimension_numbers<[1], [1], [0], [0], [0, 0, 1, 0], [], []>, transpose_lhs_hint = false} : vector<256x128xf32>, vector<1024x128xf32>, vector<256x1024xf32> -> vector<256x1024xf32>
    %add3A_36 = vector.broadcast %slice3A_33 : vector<1x1024xf32> to vector<256x1024xf32>
    %add3A_37 = arith.addf %add3A_36, %dot_general3A_35 : vector<256x1024xf32>
    %slice3A_38 = vector.extract_strided_slice %get3A_4 {offsets = [5120, 0], sizes = [1024, 128], strides = [1, 1]} : vector<10000x128xf32> to vector<1024x128xf32>
    %slice3A_39 = vector.extract_strided_slice %dot_general3A_6 {offsets = [0, 5120], sizes = [1, 1024], strides = [1, 1]} : vector<1x10000xf32> to vector<1x1024xf32>
    %dot_general3A_40 = arith.constant dense<0.000000e+00> : vector<256x1024xf32>
    %dot_general3A_41 = tpu.matmul %mul3A_9, %slice3A_38, %dot_general3A_40 {dimension_numbers = #tpu.dot_dimension_numbers<[1], [1], [0], [0], [0, 0, 1, 0], [], []>, transpose_lhs_hint = false} : vector<256x128xf32>, vector<1024x128xf32>, vector<256x1024xf32> -> vector<256x1024xf32>
    %add3A_42 = vector.broadcast %slice3A_39 : vector<1x1024xf32> to vector<256x1024xf32>
    %add3A_43 = arith.addf %add3A_42, %dot_general3A_41 : vector<256x1024xf32>
    %slice3A_44 = vector.extract_strided_slice %get3A_4 {offsets = [6144, 0], sizes = [1024, 128], strides = [1, 1]} : vector<10000x128xf32> to vector<1024x128xf32>
    %slice3A_45 = vector.extract_strided_slice %dot_general3A_6 {offsets = [0, 6144], sizes = [1, 1024], strides = [1, 1]} : vector<1x10000xf32> to vector<1x1024xf32>
    %dot_general3A_46 = arith.constant dense<0.000000e+00> : vector<256x1024xf32>
    %dot_general3A_47 = tpu.matmul %mul3A_9, %slice3A_44, %dot_general3A_46 {dimension_numbers = #tpu.dot_dimension_numbers<[1], [1], [0], [0], [0, 0, 1, 0], [], []>, transpose_lhs_hint = false} : vector<256x128xf32>, vector<1024x128xf32>, vector<256x1024xf32> -> vector<256x1024xf32>
    %add3A_48 = vector.broadcast %slice3A_45 : vector<1x1024xf32> to vector<256x1024xf32>
    %add3A_49 = arith.addf %add3A_48, %dot_general3A_47 : vector<256x1024xf32>
    %slice3A_50 = vector.extract_strided_slice %get3A_4 {offsets = [7168, 0], sizes = [1024, 128], strides = [1, 1]} : vector<10000x128xf32> to vector<1024x128xf32>
    %slice3A_51 = vector.extract_strided_slice %dot_general3A_6 {offsets = [0, 7168], sizes = [1, 1024], strides = [1, 1]} : vector<1x10000xf32> to vector<1x1024xf32>
    %dot_general3A_52 = arith.constant dense<0.000000e+00> : vector<256x1024xf32>
    %dot_general3A_53 = tpu.matmul %mul3A_9, %slice3A_50, %dot_general3A_52 {dimension_numbers = #tpu.dot_dimension_numbers<[1], [1], [0], [0], [0, 0, 1, 0], [], []>, transpose_lhs_hint = false} : vector<256x128xf32>, vector<1024x128xf32>, vector<256x1024xf32> -> vector<256x1024xf32>
    %add3A_54 = vector.broadcast %slice3A_51 : vector<1x1024xf32> to vector<256x1024xf32>
    %add3A_55 = arith.addf %add3A_54, %dot_general3A_53 : vector<256x1024xf32>
    %slice3A_56 = vector.extract_strided_slice %get3A_4 {offsets = [8192, 0], sizes = [1024, 128], strides = [1, 1]} : vector<10000x128xf32> to vector<1024x128xf32>
    %slice3A_57 = vector.extract_strided_slice %dot_general3A_6 {offsets = [0, 8192], sizes = [1, 1024], strides = [1, 1]} : vector<1x10000xf32> to vector<1x1024xf32>
    %dot_general3A_58 = arith.constant dense<0.000000e+00> : vector<256x1024xf32>
    %dot_general3A_59 = tpu.matmul %mul3A_9, %slice3A_56, %dot_general3A_58 {dimension_numbers = #tpu.dot_dimension_numbers<[1], [1], [0], [0], [0, 0, 1, 0], [], []>, transpose_lhs_hint = false} : vector<256x128xf32>, vector<1024x128xf32>, vector<256x1024xf32> -> vector<256x1024xf32>
    %add3A_60 = vector.broadcast %slice3A_57 : vector<1x1024xf32> to vector<256x1024xf32>
    %add3A_61 = arith.addf %add3A_60, %dot_general3A_59 : vector<256x1024xf32>
    %slice3A_62 = vector.extract_strided_slice %get3A_4 {offsets = [9216, 0], sizes = [784, 128], strides = [1, 1]} : vector<10000x128xf32> to vector<784x128xf32>
    %slice3A_63 = vector.extract_strided_slice %dot_general3A_6 {offsets = [0, 9216], sizes = [1, 784], strides = [1, 1]} : vector<1x10000xf32> to vector<1x784xf32>
    %dot_general3A_64 = arith.constant dense<0.000000e+00> : vector<256x784xf32>
    %dot_general3A_65 = tpu.matmul %mul3A_9, %slice3A_62, %dot_general3A_64 {dimension_numbers = #tpu.dot_dimension_numbers<[1], [1], [0], [0], [0, 0, 1, 0], [], []>, transpose_lhs_hint = false} : vector<256x128xf32>, vector<784x128xf32>, vector<256x784xf32> -> vector<256x784xf32>
    %add3A_66 = vector.broadcast %slice3A_63 : vector<1x784xf32> to vector<256x784xf32>
    %add3A_67 = arith.addf %add3A_66, %dot_general3A_65 : vector<256x784xf32>
    %broadcast_in_dim3A_68 = arith.constant 0x7F800000 : f32
    %broadcast_in_dim3A_69 = vector.broadcast %broadcast_in_dim3A_68 : f32 to vector<256x240xf32>
    %concatenate3A = tpu.concatenate %add3A_67, %broadcast_in_dim3A_69 in 1 : vector<256x784xf32>, vector<256x240xf32> -> vector<256x1024xf32>
    %broadcast_in_dim3A_70 = arith.constant 0 : i32
    %broadcast_in_dim3A_71 = vector.broadcast %broadcast_in_dim3A_70 : i32 to vector<256x1024xi32>
    %broadcast_in_dim3A_72 = arith.constant 0x7F800000 : f32
    %broadcast_in_dim3A_73 = vector.broadcast %broadcast_in_dim3A_72 : f32 to vector<256x1024xf32>
    %lt3A = arith.cmpf olt, %add3A_19, %add3A_13 : vector<256x1024xf32>
    %lt3A_74 = arith.cmpf olt, %add3A_19, %broadcast_in_dim3A_73 : vector<256x1024xf32>
    %select_n3A = arith.select %lt3A_74, %add3A_19, %broadcast_in_dim3A_73 : vector<256x1024xi1>, vector<256x1024xf32>
    %select_n3A_75 = arith.select %lt3A, %add3A_13, %select_n3A : vector<256x1024xi1>, vector<256x1024xf32>
    %jit3A = arith.constant 1 : i32
    %broadcast_in_dim3A_76 = vector.broadcast %jit3A : i32 to vector<256x1024xi32>
    %select_n3A_77 = arith.select %lt3A_74, %broadcast_in_dim3A_76, %broadcast_in_dim3A_71 : vector<256x1024xi1>, vector<256x1024xi32>
    %select_n3A_78 = arith.select %lt3A, %broadcast_in_dim3A_71, %select_n3A_77 : vector<256x1024xi1>, vector<256x1024xi32>
    %select_n3A_79 = arith.select %lt3A, %add3A_19, %add3A_13 : vector<256x1024xi1>, vector<256x1024xf32>
    %jit3A_80 = arith.constant 1 : i32
    %broadcast_in_dim3A_81 = vector.broadcast %jit3A_80 : i32 to vector<256x1024xi32>
    %select_n3A_82 = arith.select %lt3A, %broadcast_in_dim3A_81, %broadcast_in_dim3A_71 : vector<256x1024xi1>, vector<256x1024xi32>
    %lt3A_83 = arith.cmpf olt, %add3A_25, %select_n3A_79 : vector<256x1024xf32>
    %lt3A_84 = arith.cmpf olt, %add3A_25, %select_n3A_75 : vector<256x1024xf32>
    %select_n3A_85 = arith.select %lt3A_84, %add3A_25, %select_n3A_75 : vector<256x1024xi1>, vector<256x1024xf32>
    %select_n3A_86 = arith.select %lt3A_83, %select_n3A_79, %select_n3A_85 : vector<256x1024xi1>, vector<256x1024xf32>
    %jit3A_87 = arith.constant 2 : i32
    %broadcast_in_dim3A_88 = vector.broadcast %jit3A_87 : i32 to vector<256x1024xi32>
    %select_n3A_89 = arith.select %lt3A_84, %broadcast_in_dim3A_88, %select_n3A_78 : vector<256x1024xi1>, vector<256x1024xi32>
    %select_n3A_90 = arith.select %lt3A_83, %select_n3A_82, %select_n3A_89 : vector<256x1024xi1>, vector<256x1024xi32>
    %select_n3A_91 = arith.select %lt3A_83, %add3A_25, %select_n3A_79 : vector<256x1024xi1>, vector<256x1024xf32>
    %jit3A_92 = arith.constant 2 : i32
    %broadcast_in_dim3A_93 = vector.broadcast %jit3A_92 : i32 to vector<256x1024xi32>
    %select_n3A_94 = arith.select %lt3A_83, %broadcast_in_dim3A_93, %select_n3A_82 : vector<256x1024xi1>, vector<256x1024xi32>
    %lt3A_95 = arith.cmpf olt, %add3A_31, %select_n3A_91 : vector<256x1024xf32>
    %lt3A_96 = arith.cmpf olt, %add3A_31, %select_n3A_86 : vector<256x1024xf32>
    %select_n3A_97 = arith.select %lt3A_96, %add3A_31, %select_n3A_86 : vector<256x1024xi1>, vector<256x1024xf32>
    %select_n3A_98 = arith.select %lt3A_95, %select_n3A_91, %select_n3A_97 : vector<256x1024xi1>, vector<256x1024xf32>
    %jit3A_99 = arith.constant 3 : i32
    %broadcast_in_dim3A_100 = vector.broadcast %jit3A_99 : i32 to vector<256x1024xi32>
    %select_n3A_101 = arith.select %lt3A_96, %broadcast_in_dim3A_100, %select_n3A_90 : vector<256x1024xi1>, vector<256x1024xi32>
    %select_n3A_102 = arith.select %lt3A_95, %select_n3A_94, %select_n3A_101 : vector<256x1024xi1>, vector<256x1024xi32>
    %select_n3A_103 = arith.select %lt3A_95, %add3A_31, %select_n3A_91 : vector<256x1024xi1>, vector<256x1024xf32>
    %jit3A_104 = arith.constant 3 : i32
    %broadcast_in_dim3A_105 = vector.broadcast %jit3A_104 : i32 to vector<256x1024xi32>
    %select_n3A_106 = arith.select %lt3A_95, %broadcast_in_dim3A_105, %select_n3A_94 : vector<256x1024xi1>, vector<256x1024xi32>
    %lt3A_107 = arith.cmpf olt, %add3A_37, %select_n3A_103 : vector<256x1024xf32>
    %lt3A_108 = arith.cmpf olt, %add3A_37, %select_n3A_98 : vector<256x1024xf32>
    %select_n3A_109 = arith.select %lt3A_108, %add3A_37, %select_n3A_98 : vector<256x1024xi1>, vector<256x1024xf32>
    %select_n3A_110 = arith.select %lt3A_107, %select_n3A_103, %select_n3A_109 : vector<256x1024xi1>, vector<256x1024xf32>
    %jit3A_111 = arith.constant 4 : i32
    %broadcast_in_dim3A_112 = vector.broadcast %jit3A_111 : i32 to vector<256x1024xi32>
    %select_n3A_113 = arith.select %lt3A_108, %broadcast_in_dim3A_112, %select_n3A_102 : vector<256x1024xi1>, vector<256x1024xi32>
    %select_n3A_114 = arith.select %lt3A_107, %select_n3A_106, %select_n3A_113 : vector<256x1024xi1>, vector<256x1024xi32>
    %select_n3A_115 = arith.select %lt3A_107, %add3A_37, %select_n3A_103 : vector<256x1024xi1>, vector<256x1024xf32>
    %jit3A_116 = arith.constant 4 : i32
    %broadcast_in_dim3A_117 = vector.broadcast %jit3A_116 : i32 to vector<256x1024xi32>
    %select_n3A_118 = arith.select %lt3A_107, %broadcast_in_dim3A_117, %select_n3A_106 : vector<256x1024xi1>, vector<256x1024xi32>
    %lt3A_119 = arith.cmpf olt, %add3A_43, %select_n3A_115 : vector<256x1024xf32>
    %lt3A_120 = arith.cmpf olt, %add3A_43, %select_n3A_110 : vector<256x1024xf32>
    %select_n3A_121 = arith.select %lt3A_120, %add3A_43, %select_n3A_110 : vector<256x1024xi1>, vector<256x1024xf32>
    %select_n3A_122 = arith.select %lt3A_119, %select_n3A_115, %select_n3A_121 : vector<256x1024xi1>, vector<256x1024xf32>
    %jit3A_123 = arith.constant 5 : i32
    %broadcast_in_dim3A_124 = vector.broadcast %jit3A_123 : i32 to vector<256x1024xi32>
    %select_n3A_125 = arith.select %lt3A_120, %broadcast_in_dim3A_124, %select_n3A_114 : vector<256x1024xi1>, vector<256x1024xi32>
    %select_n3A_126 = arith.select %lt3A_119, %select_n3A_118, %select_n3A_125 : vector<256x1024xi1>, vector<256x1024xi32>
    %select_n3A_127 = arith.select %lt3A_119, %add3A_43, %select_n3A_115 : vector<256x1024xi1>, vector<256x1024xf32>
    %jit3A_128 = arith.constant 5 : i32
    %broadcast_in_dim3A_129 = vector.broadcast %jit3A_128 : i32 to vector<256x1024xi32>
    %select_n3A_130 = arith.select %lt3A_119, %broadcast_in_dim3A_129, %select_n3A_118 : vector<256x1024xi1>, vector<256x1024xi32>
    %lt3A_131 = arith.cmpf olt, %add3A_49, %select_n3A_127 : vector<256x1024xf32>
    %lt3A_132 = arith.cmpf olt, %add3A_49, %select_n3A_122 : vector<256x1024xf32>
    %select_n3A_133 = arith.select %lt3A_132, %add3A_49, %select_n3A_122 : vector<256x1024xi1>, vector<256x1024xf32>
    %select_n3A_134 = arith.select %lt3A_131, %select_n3A_127, %select_n3A_133 : vector<256x1024xi1>, vector<256x1024xf32>
    %jit3A_135 = arith.constant 6 : i32
    %broadcast_in_dim3A_136 = vector.broadcast %jit3A_135 : i32 to vector<256x1024xi32>
    %select_n3A_137 = arith.select %lt3A_132, %broadcast_in_dim3A_136, %select_n3A_126 : vector<256x1024xi1>, vector<256x1024xi32>
    %select_n3A_138 = arith.select %lt3A_131, %select_n3A_130, %select_n3A_137 : vector<256x1024xi1>, vector<256x1024xi32>
    %select_n3A_139 = arith.select %lt3A_131, %add3A_49, %select_n3A_127 : vector<256x1024xi1>, vector<256x1024xf32>
    %jit3A_140 = arith.constant 6 : i32
    %broadcast_in_dim3A_141 = vector.broadcast %jit3A_140 : i32 to vector<256x1024xi32>
    %select_n3A_142 = arith.select %lt3A_131, %broadcast_in_dim3A_141, %select_n3A_130 : vector<256x1024xi1>, vector<256x1024xi32>
    %lt3A_143 = arith.cmpf olt, %add3A_55, %select_n3A_139 : vector<256x1024xf32>
    %lt3A_144 = arith.cmpf olt, %add3A_55, %select_n3A_134 : vector<256x1024xf32>
    %select_n3A_145 = arith.select %lt3A_144, %add3A_55, %select_n3A_134 : vector<256x1024xi1>, vector<256x1024xf32>
    %select_n3A_146 = arith.select %lt3A_143, %select_n3A_139, %select_n3A_145 : vector<256x1024xi1>, vector<256x1024xf32>
    %jit3A_147 = arith.constant 7 : i32
    %broadcast_in_dim3A_148 = vector.broadcast %jit3A_147 : i32 to vector<256x1024xi32>
    %select_n3A_149 = arith.select %lt3A_144, %broadcast_in_dim3A_148, %select_n3A_138 : vector<256x1024xi1>, vector<256x1024xi32>
    %select_n3A_150 = arith.select %lt3A_143, %select_n3A_142, %select_n3A_149 : vector<256x1024xi1>, vector<256x1024xi32>
    %select_n3A_151 = arith.select %lt3A_143, %add3A_55, %select_n3A_139 : vector<256x1024xi1>, vector<256x1024xf32>
    %jit3A_152 = arith.constant 7 : i32
    %broadcast_in_dim3A_153 = vector.broadcast %jit3A_152 : i32 to vector<256x1024xi32>
    %select_n3A_154 = arith.select %lt3A_143, %broadcast_in_dim3A_153, %select_n3A_142 : vector<256x1024xi1>, vector<256x1024xi32>
    %lt3A_155 = arith.cmpf olt, %add3A_61, %select_n3A_151 : vector<256x1024xf32>
    %lt3A_156 = arith.cmpf olt, %add3A_61, %select_n3A_146 : vector<256x1024xf32>
    %select_n3A_157 = arith.select %lt3A_156, %add3A_61, %select_n3A_146 : vector<256x1024xi1>, vector<256x1024xf32>
    %select_n3A_158 = arith.select %lt3A_155, %select_n3A_151, %select_n3A_157 : vector<256x1024xi1>, vector<256x1024xf32>
    %jit3A_159 = arith.constant 8 : i32
    %broadcast_in_dim3A_160 = vector.broadcast %jit3A_159 : i32 to vector<256x1024xi32>
    %select_n3A_161 = arith.select %lt3A_156, %broadcast_in_dim3A_160, %select_n3A_150 : vector<256x1024xi1>, vector<256x1024xi32>
    %select_n3A_162 = arith.select %lt3A_155, %select_n3A_154, %select_n3A_161 : vector<256x1024xi1>, vector<256x1024xi32>
    %select_n3A_163 = arith.select %lt3A_155, %add3A_61, %select_n3A_151 : vector<256x1024xi1>, vector<256x1024xf32>
    %jit3A_164 = arith.constant 8 : i32
    %broadcast_in_dim3A_165 = vector.broadcast %jit3A_164 : i32 to vector<256x1024xi32>
    %select_n3A_166 = arith.select %lt3A_155, %broadcast_in_dim3A_165, %select_n3A_154 : vector<256x1024xi1>, vector<256x1024xi32>
    %lt3A_167 = arith.cmpf olt, %concatenate3A, %select_n3A_163 : vector<256x1024xf32>
    %lt3A_168 = arith.cmpf olt, %concatenate3A, %select_n3A_158 : vector<256x1024xf32>
    %select_n3A_169 = arith.select %lt3A_168, %concatenate3A, %select_n3A_158 : vector<256x1024xi1>, vector<256x1024xf32>
    %select_n3A_170 = arith.select %lt3A_167, %select_n3A_163, %select_n3A_169 : vector<256x1024xi1>, vector<256x1024xf32>
    %jit3A_171 = arith.constant 9 : i32
    %broadcast_in_dim3A_172 = vector.broadcast %jit3A_171 : i32 to vector<256x1024xi32>
    %select_n3A_173 = arith.select %lt3A_168, %broadcast_in_dim3A_172, %select_n3A_162 : vector<256x1024xi1>, vector<256x1024xi32>
    %select_n3A_174 = arith.select %lt3A_167, %select_n3A_166, %select_n3A_173 : vector<256x1024xi1>, vector<256x1024xi32>
    %select_n3A_175 = arith.select %lt3A_167, %concatenate3A, %select_n3A_163 : vector<256x1024xi1>, vector<256x1024xf32>
    %jit3A_176 = arith.constant 9 : i32
    %broadcast_in_dim3A_177 = vector.broadcast %jit3A_176 : i32 to vector<256x1024xi32>
    %select_n3A_178 = arith.select %lt3A_167, %broadcast_in_dim3A_177, %select_n3A_166 : vector<256x1024xi1>, vector<256x1024xi32>
    %iota3A = tpu.iota {dimensions = array<i32: 1>} : vector<256x1024xi32>
    %concatenate3A_179 = tpu.concatenate %select_n3A_175, %select_n3A_170 in 1 : vector<256x1024xf32>, vector<256x1024xf32> -> vector<256x2048xf32>
    %mul3A_180 = arith.constant 1024 : i32
    %mul3A_181 = vector.broadcast %mul3A_180 : i32 to vector<256x1024xi32>
    %mul3A_182 = arith.muli %select_n3A_178, %mul3A_181 : vector<256x1024xi32>
    %add3A_183 = arith.addi %mul3A_182, %iota3A : vector<256x1024xi32>
    %mul3A_184 = arith.constant 1024 : i32
    %mul3A_185 = vector.broadcast %mul3A_184 : i32 to vector<256x1024xi32>
    %mul3A_186 = arith.muli %select_n3A_174, %mul3A_185 : vector<256x1024xi32>
    %add3A_187 = arith.addi %mul3A_186, %iota3A : vector<256x1024xi32>
    %concatenate3A_188 = tpu.concatenate %add3A_183, %add3A_187 in 1 : vector<256x1024xi32>, vector<256x1024xi32> -> vector<256x2048xi32>
    %mul3A_189 = arith.constant 256 : i32
    %mul3A_190 = arith.muli %mul3A_189, %arg0 : i32
    %iota3A_191 = tpu.iota {dimensions = array<i32: 0>} : vector<256x1xi32>
    %add3A_192 = vector.broadcast %mul3A_190 : i32 to vector<256x1xi32>
    %add3A_193 = arith.addi %add3A_192, %iota3A_191 : vector<256x1xi32>
    %reduce_min3A = arith.constant dense<0x7F800000> : vector<256xf32>
    %reduce_min3A_194 = vector.multi_reduction <minimumf>, %concatenate3A_179, %reduce_min3A [1] : vector<256x2048xf32> to vector<256xf32>
    %broadcast_in_dim3A_195 = vector.shape_cast %reduce_min3A_194 : vector<256xf32> to vector<256x1xf32>
    %eq3A = vector.broadcast %broadcast_in_dim3A_195 : vector<256x1xf32> to vector<256x2048xf32>
    %eq3A_196 = arith.cmpf oeq, %concatenate3A_179, %eq3A : vector<256x2048xf32>
    %jit3A_197 = arith.constant 1073741824 : i32
    %broadcast_in_dim3A_198 = vector.broadcast %jit3A_197 : i32 to vector<256x2048xi32>
    %select_n3A_199 = arith.select %eq3A_196, %concatenate3A_188, %broadcast_in_dim3A_198 : vector<256x2048xi1>, vector<256x2048xi32>
    %reduce_min3A_200 = arith.constant dense<2147483647> : vector<256xi32>
    %reduce_min3A_201 = vector.multi_reduction <minsi>, %select_n3A_199, %reduce_min3A_200 [1] : vector<256x2048xi32> to vector<256xi32>
    %broadcast_in_dim3A_202 = vector.shape_cast %reduce_min3A_201 : vector<256xi32> to vector<256x1xi32>
    %eq3A_203 = vector.broadcast %broadcast_in_dim3A_202 : vector<256x1xi32> to vector<256x2048xi32>
    %eq3A_204 = arith.cmpi eq, %concatenate3A_188, %eq3A_203 : vector<256x2048xi32>
    %jit3A_205 = arith.constant 0x7F800000 : f32
    %broadcast_in_dim3A_206 = vector.broadcast %jit3A_205 : f32 to vector<256x2048xf32>
    %select_n3A_207 = arith.select %eq3A_204, %broadcast_in_dim3A_206, %concatenate3A_179 : vector<256x2048xi1>, vector<256x2048xf32>
    %reduce_min3A_208 = arith.constant dense<0x7F800000> : vector<256xf32>
    %reduce_min3A_209 = vector.multi_reduction <minimumf>, %select_n3A_207, %reduce_min3A_208 [1] : vector<256x2048xf32> to vector<256xf32>
    %broadcast_in_dim3A_210 = vector.shape_cast %reduce_min3A_209 : vector<256xf32> to vector<256x1xf32>
    %eq3A_211 = vector.broadcast %broadcast_in_dim3A_210 : vector<256x1xf32> to vector<256x2048xf32>
    %eq3A_212 = arith.cmpf oeq, %select_n3A_207, %eq3A_211 : vector<256x2048xf32>
    %jit3A_213 = arith.constant 1073741824 : i32
    %broadcast_in_dim3A_214 = vector.broadcast %jit3A_213 : i32 to vector<256x2048xi32>
    %select_n3A_215 = arith.select %eq3A_212, %concatenate3A_188, %broadcast_in_dim3A_214 : vector<256x2048xi1>, vector<256x2048xi32>
    %reduce_min3A_216 = arith.constant dense<2147483647> : vector<256xi32>
    %reduce_min3A_217 = vector.multi_reduction <minsi>, %select_n3A_215, %reduce_min3A_216 [1] : vector<256x2048xi32> to vector<256xi32>
    %broadcast_in_dim3A_218 = vector.shape_cast %reduce_min3A_217 : vector<256xi32> to vector<256x1xi32>
    %eq3A_219 = vector.broadcast %broadcast_in_dim3A_218 : vector<256x1xi32> to vector<256x2048xi32>
    %eq3A_220 = arith.cmpi eq, %concatenate3A_188, %eq3A_219 : vector<256x2048xi32>
    %jit3A_221 = arith.constant 0x7F800000 : f32
    %broadcast_in_dim3A_222 = vector.broadcast %jit3A_221 : f32 to vector<256x2048xf32>
    %select_n3A_223 = arith.select %eq3A_220, %broadcast_in_dim3A_222, %select_n3A_207 : vector<256x2048xi1>, vector<256x2048xf32>
    %reduce_min3A_224 = arith.constant dense<0x7F800000> : vector<256xf32>
    %reduce_min3A_225 = vector.multi_reduction <minimumf>, %select_n3A_223, %reduce_min3A_224 [1] : vector<256x2048xf32> to vector<256xf32>
    %broadcast_in_dim3A_226 = vector.shape_cast %reduce_min3A_225 : vector<256xf32> to vector<256x1xf32>
    %eq3A_227 = vector.broadcast %broadcast_in_dim3A_226 : vector<256x1xf32> to vector<256x2048xf32>
    %eq3A_228 = arith.cmpf oeq, %select_n3A_223, %eq3A_227 : vector<256x2048xf32>
    %jit3A_229 = arith.constant 1073741824 : i32
    %broadcast_in_dim3A_230 = vector.broadcast %jit3A_229 : i32 to vector<256x2048xi32>
    %select_n3A_231 = arith.select %eq3A_228, %concatenate3A_188, %broadcast_in_dim3A_230 : vector<256x2048xi1>, vector<256x2048xi32>
    %reduce_min3A_232 = arith.constant dense<2147483647> : vector<256xi32>
    %reduce_min3A_233 = vector.multi_reduction <minsi>, %select_n3A_231, %reduce_min3A_232 [1] : vector<256x2048xi32> to vector<256xi32>
    %broadcast_in_dim3A_234 = vector.shape_cast %reduce_min3A_233 : vector<256xi32> to vector<256x1xi32>
    %eq3A_235 = vector.broadcast %broadcast_in_dim3A_234 : vector<256x1xi32> to vector<256x2048xi32>
    %eq3A_236 = arith.cmpi eq, %concatenate3A_188, %eq3A_235 : vector<256x2048xi32>
    %jit3A_237 = arith.constant 0x7F800000 : f32
    %broadcast_in_dim3A_238 = vector.broadcast %jit3A_237 : f32 to vector<256x2048xf32>
    %select_n3A_239 = arith.select %eq3A_236, %broadcast_in_dim3A_238, %select_n3A_223 : vector<256x2048xi1>, vector<256x2048xf32>
    %reduce_min3A_240 = arith.constant dense<0x7F800000> : vector<256xf32>
    %reduce_min3A_241 = vector.multi_reduction <minimumf>, %select_n3A_239, %reduce_min3A_240 [1] : vector<256x2048xf32> to vector<256xf32>
    %broadcast_in_dim3A_242 = vector.shape_cast %reduce_min3A_241 : vector<256xf32> to vector<256x1xf32>
    %eq3A_243 = vector.broadcast %broadcast_in_dim3A_242 : vector<256x1xf32> to vector<256x2048xf32>
    %eq3A_244 = arith.cmpf oeq, %select_n3A_239, %eq3A_243 : vector<256x2048xf32>
    %jit3A_245 = arith.constant 1073741824 : i32
    %broadcast_in_dim3A_246 = vector.broadcast %jit3A_245 : i32 to vector<256x2048xi32>
    %select_n3A_247 = arith.select %eq3A_244, %concatenate3A_188, %broadcast_in_dim3A_246 : vector<256x2048xi1>, vector<256x2048xi32>
    %reduce_min3A_248 = arith.constant dense<2147483647> : vector<256xi32>
    %reduce_min3A_249 = vector.multi_reduction <minsi>, %select_n3A_247, %reduce_min3A_248 [1] : vector<256x2048xi32> to vector<256xi32>
    %broadcast_in_dim3A_250 = vector.shape_cast %reduce_min3A_249 : vector<256xi32> to vector<256x1xi32>
    %eq3A_251 = vector.broadcast %broadcast_in_dim3A_250 : vector<256x1xi32> to vector<256x2048xi32>
    %eq3A_252 = arith.cmpi eq, %concatenate3A_188, %eq3A_251 : vector<256x2048xi32>
    %jit3A_253 = arith.constant 0x7F800000 : f32
    %broadcast_in_dim3A_254 = vector.broadcast %jit3A_253 : f32 to vector<256x2048xf32>
    %select_n3A_255 = arith.select %eq3A_252, %broadcast_in_dim3A_254, %select_n3A_239 : vector<256x2048xi1>, vector<256x2048xf32>
    %reduce_min3A_256 = arith.constant dense<0x7F800000> : vector<256xf32>
    %reduce_min3A_257 = vector.multi_reduction <minimumf>, %select_n3A_255, %reduce_min3A_256 [1] : vector<256x2048xf32> to vector<256xf32>
    %broadcast_in_dim3A_258 = vector.shape_cast %reduce_min3A_257 : vector<256xf32> to vector<256x1xf32>
    %eq3A_259 = vector.broadcast %broadcast_in_dim3A_258 : vector<256x1xf32> to vector<256x2048xf32>
    %eq3A_260 = arith.cmpf oeq, %select_n3A_255, %eq3A_259 : vector<256x2048xf32>
    %jit3A_261 = arith.constant 1073741824 : i32
    %broadcast_in_dim3A_262 = vector.broadcast %jit3A_261 : i32 to vector<256x2048xi32>
    %select_n3A_263 = arith.select %eq3A_260, %concatenate3A_188, %broadcast_in_dim3A_262 : vector<256x2048xi1>, vector<256x2048xi32>
    %reduce_min3A_264 = arith.constant dense<2147483647> : vector<256xi32>
    %reduce_min3A_265 = vector.multi_reduction <minsi>, %select_n3A_263, %reduce_min3A_264 [1] : vector<256x2048xi32> to vector<256xi32>
    %broadcast_in_dim3A_266 = vector.shape_cast %reduce_min3A_265 : vector<256xi32> to vector<256x1xi32>
    %broadcast_in_dim3A_267 = arith.constant 0 : i32
    %broadcast_in_dim3A_268 = vector.broadcast %broadcast_in_dim3A_267 : i32 to vector<256x1xi32>
    %eq3A_269 = arith.cmpi eq, %broadcast_in_dim3A_202, %add3A_193 : vector<256x1xi32>
    %jit3A_270 = arith.constant 0 : i32
    %jit3A_271 = arith.constant 0 : i32
    %broadcast_in_dim3A_272 = vector.broadcast %jit3A_270 : i32 to vector<256x1xi32>
    %broadcast_in_dim3A_273 = vector.broadcast %jit3A_271 : i32 to vector<256x1xi32>
    %select_n3A_274 = arith.select %eq3A_269, %broadcast_in_dim3A_272, %broadcast_in_dim3A_273 : vector<256x1xi1>, vector<256x1xi32>
    %add3A_275 = arith.addi %broadcast_in_dim3A_268, %select_n3A_274 : vector<256x1xi32>
    %eq3A_276 = arith.cmpi eq, %broadcast_in_dim3A_218, %add3A_193 : vector<256x1xi32>
    %jit3A_277 = arith.constant 1 : i32
    %jit3A_278 = arith.constant 0 : i32
    %broadcast_in_dim3A_279 = vector.broadcast %jit3A_277 : i32 to vector<256x1xi32>
    %broadcast_in_dim3A_280 = vector.broadcast %jit3A_278 : i32 to vector<256x1xi32>
    %select_n3A_281 = arith.select %eq3A_276, %broadcast_in_dim3A_279, %broadcast_in_dim3A_280 : vector<256x1xi1>, vector<256x1xi32>
    %add3A_282 = arith.addi %add3A_275, %select_n3A_281 : vector<256x1xi32>
    %eq3A_283 = arith.cmpi eq, %broadcast_in_dim3A_234, %add3A_193 : vector<256x1xi32>
    %jit3A_284 = arith.constant 2 : i32
    %jit3A_285 = arith.constant 0 : i32
    %broadcast_in_dim3A_286 = vector.broadcast %jit3A_284 : i32 to vector<256x1xi32>
    %broadcast_in_dim3A_287 = vector.broadcast %jit3A_285 : i32 to vector<256x1xi32>
    %select_n3A_288 = arith.select %eq3A_283, %broadcast_in_dim3A_286, %broadcast_in_dim3A_287 : vector<256x1xi1>, vector<256x1xi32>
    %add3A_289 = arith.addi %add3A_282, %select_n3A_288 : vector<256x1xi32>
    %eq3A_290 = arith.cmpi eq, %broadcast_in_dim3A_250, %add3A_193 : vector<256x1xi32>
    %jit3A_291 = arith.constant 3 : i32
    %jit3A_292 = arith.constant 0 : i32
    %broadcast_in_dim3A_293 = vector.broadcast %jit3A_291 : i32 to vector<256x1xi32>
    %broadcast_in_dim3A_294 = vector.broadcast %jit3A_292 : i32 to vector<256x1xi32>
    %select_n3A_295 = arith.select %eq3A_290, %broadcast_in_dim3A_293, %broadcast_in_dim3A_294 : vector<256x1xi1>, vector<256x1xi32>
    %add3A_296 = arith.addi %add3A_289, %select_n3A_295 : vector<256x1xi32>
    %eq3A_297 = arith.cmpi eq, %broadcast_in_dim3A_266, %add3A_193 : vector<256x1xi32>
    %jit3A_298 = arith.constant 4 : i32
    %jit3A_299 = arith.constant 0 : i32
    %broadcast_in_dim3A_300 = vector.broadcast %jit3A_298 : i32 to vector<256x1xi32>
    %broadcast_in_dim3A_301 = vector.broadcast %jit3A_299 : i32 to vector<256x1xi32>
    %select_n3A_302 = arith.select %eq3A_297, %broadcast_in_dim3A_300, %broadcast_in_dim3A_301 : vector<256x1xi1>, vector<256x1xi32>
    %add3A_303 = arith.addi %add3A_296, %select_n3A_302 : vector<256x1xi32>
    %le3A = arith.constant 0 : i32
    %le3A_304 = vector.broadcast %le3A : i32 to vector<256x1xi32>
    %le3A_305 = arith.cmpi sle, %add3A_303, %le3A_304 : vector<256x1xi32>
    %jit3A_306 = arith.constant 1 : i32
    %jit3A_307 = arith.constant 0 : i32
    %broadcast_in_dim3A_308 = vector.broadcast %jit3A_306 : i32 to vector<256x1xi32>
    %broadcast_in_dim3A_309 = vector.broadcast %jit3A_307 : i32 to vector<256x1xi32>
    %select_n3A_310 = arith.select %le3A_305, %broadcast_in_dim3A_308, %broadcast_in_dim3A_309 : vector<256x1xi1>, vector<256x1xi32>
    %broadcast_in_dim3A_311 = arith.constant 0 : i32
    %broadcast_in_dim3A_312 = vector.broadcast %broadcast_in_dim3A_311 : i32 to vector<256x1xi32>
    %eq3A_313 = arith.constant 0 : i32
    %eq3A_314 = vector.broadcast %eq3A_313 : i32 to vector<256x1xi32>
    %eq3A_315 = arith.cmpi eq, %select_n3A_310, %eq3A_314 : vector<256x1xi32>
    %jit3A_316 = arith.constant 0 : i32
    %broadcast_in_dim3A_317 = vector.broadcast %jit3A_316 : i32 to vector<256x1xi32>
    %select_n3A_318 = arith.select %eq3A_315, %broadcast_in_dim3A_202, %broadcast_in_dim3A_317 : vector<256x1xi1>, vector<256x1xi32>
    %add3A_319 = arith.addi %broadcast_in_dim3A_312, %select_n3A_318 : vector<256x1xi32>
    %eq3A_320 = arith.constant 1 : i32
    %eq3A_321 = vector.broadcast %eq3A_320 : i32 to vector<256x1xi32>
    %eq3A_322 = arith.cmpi eq, %select_n3A_310, %eq3A_321 : vector<256x1xi32>
    %jit3A_323 = arith.constant 0 : i32
    %broadcast_in_dim3A_324 = vector.broadcast %jit3A_323 : i32 to vector<256x1xi32>
    %select_n3A_325 = arith.select %eq3A_322, %broadcast_in_dim3A_218, %broadcast_in_dim3A_324 : vector<256x1xi1>, vector<256x1xi32>
    %add3A_326 = arith.addi %add3A_319, %select_n3A_325 : vector<256x1xi32>
    %eq3A_327 = arith.constant 2 : i32
    %eq3A_328 = vector.broadcast %eq3A_327 : i32 to vector<256x1xi32>
    %eq3A_329 = arith.cmpi eq, %select_n3A_310, %eq3A_328 : vector<256x1xi32>
    %jit3A_330 = arith.constant 0 : i32
    %broadcast_in_dim3A_331 = vector.broadcast %jit3A_330 : i32 to vector<256x1xi32>
    %select_n3A_332 = arith.select %eq3A_329, %broadcast_in_dim3A_234, %broadcast_in_dim3A_331 : vector<256x1xi1>, vector<256x1xi32>
    %add3A_333 = arith.addi %add3A_326, %select_n3A_332 : vector<256x1xi32>
    %eq3A_334 = arith.constant 3 : i32
    %eq3A_335 = vector.broadcast %eq3A_334 : i32 to vector<256x1xi32>
    %eq3A_336 = arith.cmpi eq, %select_n3A_310, %eq3A_335 : vector<256x1xi32>
    %jit3A_337 = arith.constant 0 : i32
    %broadcast_in_dim3A_338 = vector.broadcast %jit3A_337 : i32 to vector<256x1xi32>
    %select_n3A_339 = arith.select %eq3A_336, %broadcast_in_dim3A_250, %broadcast_in_dim3A_338 : vector<256x1xi1>, vector<256x1xi32>
    %add3A_340 = arith.addi %add3A_333, %select_n3A_339 : vector<256x1xi32>
    %eq3A_341 = arith.constant 4 : i32
    %eq3A_342 = vector.broadcast %eq3A_341 : i32 to vector<256x1xi32>
    %eq3A_343 = arith.cmpi eq, %select_n3A_310, %eq3A_342 : vector<256x1xi32>
    %jit3A_344 = arith.constant 0 : i32
    %broadcast_in_dim3A_345 = vector.broadcast %jit3A_344 : i32 to vector<256x1xi32>
    %select_n3A_346 = arith.select %eq3A_343, %broadcast_in_dim3A_266, %broadcast_in_dim3A_345 : vector<256x1xi1>, vector<256x1xi32>
    %add3A_347 = arith.addi %add3A_340, %select_n3A_346 : vector<256x1xi32>
    %le3A_348 = arith.constant 1 : i32
    %le3A_349 = vector.broadcast %le3A_348 : i32 to vector<256x1xi32>
    %le3A_350 = arith.cmpi sle, %add3A_303, %le3A_349 : vector<256x1xi32>
    %jit3A_351 = arith.constant 2 : i32
    %jit3A_352 = arith.constant 1 : i32
    %broadcast_in_dim3A_353 = vector.broadcast %jit3A_351 : i32 to vector<256x1xi32>
    %broadcast_in_dim3A_354 = vector.broadcast %jit3A_352 : i32 to vector<256x1xi32>
    %select_n3A_355 = arith.select %le3A_350, %broadcast_in_dim3A_353, %broadcast_in_dim3A_354 : vector<256x1xi1>, vector<256x1xi32>
    %broadcast_in_dim3A_356 = arith.constant 0 : i32
    %broadcast_in_dim3A_357 = vector.broadcast %broadcast_in_dim3A_356 : i32 to vector<256x1xi32>
    %eq3A_358 = arith.constant 0 : i32
    %eq3A_359 = vector.broadcast %eq3A_358 : i32 to vector<256x1xi32>
    %eq3A_360 = arith.cmpi eq, %select_n3A_355, %eq3A_359 : vector<256x1xi32>
    %jit3A_361 = arith.constant 0 : i32
    %broadcast_in_dim3A_362 = vector.broadcast %jit3A_361 : i32 to vector<256x1xi32>
    %select_n3A_363 = arith.select %eq3A_360, %broadcast_in_dim3A_202, %broadcast_in_dim3A_362 : vector<256x1xi1>, vector<256x1xi32>
    %add3A_364 = arith.addi %broadcast_in_dim3A_357, %select_n3A_363 : vector<256x1xi32>
    %eq3A_365 = arith.constant 1 : i32
    %eq3A_366 = vector.broadcast %eq3A_365 : i32 to vector<256x1xi32>
    %eq3A_367 = arith.cmpi eq, %select_n3A_355, %eq3A_366 : vector<256x1xi32>
    %jit3A_368 = arith.constant 0 : i32
    %broadcast_in_dim3A_369 = vector.broadcast %jit3A_368 : i32 to vector<256x1xi32>
    %select_n3A_370 = arith.select %eq3A_367, %broadcast_in_dim3A_218, %broadcast_in_dim3A_369 : vector<256x1xi1>, vector<256x1xi32>
    %add3A_371 = arith.addi %add3A_364, %select_n3A_370 : vector<256x1xi32>
    %eq3A_372 = arith.constant 2 : i32
    %eq3A_373 = vector.broadcast %eq3A_372 : i32 to vector<256x1xi32>
    %eq3A_374 = arith.cmpi eq, %select_n3A_355, %eq3A_373 : vector<256x1xi32>
    %jit3A_375 = arith.constant 0 : i32
    %broadcast_in_dim3A_376 = vector.broadcast %jit3A_375 : i32 to vector<256x1xi32>
    %select_n3A_377 = arith.select %eq3A_374, %broadcast_in_dim3A_234, %broadcast_in_dim3A_376 : vector<256x1xi1>, vector<256x1xi32>
    %add3A_378 = arith.addi %add3A_371, %select_n3A_377 : vector<256x1xi32>
    %eq3A_379 = arith.constant 3 : i32
    %eq3A_380 = vector.broadcast %eq3A_379 : i32 to vector<256x1xi32>
    %eq3A_381 = arith.cmpi eq, %select_n3A_355, %eq3A_380 : vector<256x1xi32>
    %jit3A_382 = arith.constant 0 : i32
    %broadcast_in_dim3A_383 = vector.broadcast %jit3A_382 : i32 to vector<256x1xi32>
    %select_n3A_384 = arith.select %eq3A_381, %broadcast_in_dim3A_250, %broadcast_in_dim3A_383 : vector<256x1xi1>, vector<256x1xi32>
    %add3A_385 = arith.addi %add3A_378, %select_n3A_384 : vector<256x1xi32>
    %eq3A_386 = arith.constant 4 : i32
    %eq3A_387 = vector.broadcast %eq3A_386 : i32 to vector<256x1xi32>
    %eq3A_388 = arith.cmpi eq, %select_n3A_355, %eq3A_387 : vector<256x1xi32>
    %jit3A_389 = arith.constant 0 : i32
    %broadcast_in_dim3A_390 = vector.broadcast %jit3A_389 : i32 to vector<256x1xi32>
    %select_n3A_391 = arith.select %eq3A_388, %broadcast_in_dim3A_266, %broadcast_in_dim3A_390 : vector<256x1xi1>, vector<256x1xi32>
    %add3A_392 = arith.addi %add3A_385, %select_n3A_391 : vector<256x1xi32>
    %le3A_393 = arith.constant 2 : i32
    %le3A_394 = vector.broadcast %le3A_393 : i32 to vector<256x1xi32>
    %le3A_395 = arith.cmpi sle, %add3A_303, %le3A_394 : vector<256x1xi32>
    %jit3A_396 = arith.constant 3 : i32
    %jit3A_397 = arith.constant 2 : i32
    %broadcast_in_dim3A_398 = vector.broadcast %jit3A_396 : i32 to vector<256x1xi32>
    %broadcast_in_dim3A_399 = vector.broadcast %jit3A_397 : i32 to vector<256x1xi32>
    %select_n3A_400 = arith.select %le3A_395, %broadcast_in_dim3A_398, %broadcast_in_dim3A_399 : vector<256x1xi1>, vector<256x1xi32>
    %broadcast_in_dim3A_401 = arith.constant 0 : i32
    %broadcast_in_dim3A_402 = vector.broadcast %broadcast_in_dim3A_401 : i32 to vector<256x1xi32>
    %eq3A_403 = arith.constant 0 : i32
    %eq3A_404 = vector.broadcast %eq3A_403 : i32 to vector<256x1xi32>
    %eq3A_405 = arith.cmpi eq, %select_n3A_400, %eq3A_404 : vector<256x1xi32>
    %jit3A_406 = arith.constant 0 : i32
    %broadcast_in_dim3A_407 = vector.broadcast %jit3A_406 : i32 to vector<256x1xi32>
    %select_n3A_408 = arith.select %eq3A_405, %broadcast_in_dim3A_202, %broadcast_in_dim3A_407 : vector<256x1xi1>, vector<256x1xi32>
    %add3A_409 = arith.addi %broadcast_in_dim3A_402, %select_n3A_408 : vector<256x1xi32>
    %eq3A_410 = arith.constant 1 : i32
    %eq3A_411 = vector.broadcast %eq3A_410 : i32 to vector<256x1xi32>
    %eq3A_412 = arith.cmpi eq, %select_n3A_400, %eq3A_411 : vector<256x1xi32>
    %jit3A_413 = arith.constant 0 : i32
    %broadcast_in_dim3A_414 = vector.broadcast %jit3A_413 : i32 to vector<256x1xi32>
    %select_n3A_415 = arith.select %eq3A_412, %broadcast_in_dim3A_218, %broadcast_in_dim3A_414 : vector<256x1xi1>, vector<256x1xi32>
    %add3A_416 = arith.addi %add3A_409, %select_n3A_415 : vector<256x1xi32>
    %eq3A_417 = arith.constant 2 : i32
    %eq3A_418 = vector.broadcast %eq3A_417 : i32 to vector<256x1xi32>
    %eq3A_419 = arith.cmpi eq, %select_n3A_400, %eq3A_418 : vector<256x1xi32>
    %jit3A_420 = arith.constant 0 : i32
    %broadcast_in_dim3A_421 = vector.broadcast %jit3A_420 : i32 to vector<256x1xi32>
    %select_n3A_422 = arith.select %eq3A_419, %broadcast_in_dim3A_234, %broadcast_in_dim3A_421 : vector<256x1xi1>, vector<256x1xi32>
    %add3A_423 = arith.addi %add3A_416, %select_n3A_422 : vector<256x1xi32>
    %eq3A_424 = arith.constant 3 : i32
    %eq3A_425 = vector.broadcast %eq3A_424 : i32 to vector<256x1xi32>
    %eq3A_426 = arith.cmpi eq, %select_n3A_400, %eq3A_425 : vector<256x1xi32>
    %jit3A_427 = arith.constant 0 : i32
    %broadcast_in_dim3A_428 = vector.broadcast %jit3A_427 : i32 to vector<256x1xi32>
    %select_n3A_429 = arith.select %eq3A_426, %broadcast_in_dim3A_250, %broadcast_in_dim3A_428 : vector<256x1xi1>, vector<256x1xi32>
    %add3A_430 = arith.addi %add3A_423, %select_n3A_429 : vector<256x1xi32>
    %eq3A_431 = arith.constant 4 : i32
    %eq3A_432 = vector.broadcast %eq3A_431 : i32 to vector<256x1xi32>
    %eq3A_433 = arith.cmpi eq, %select_n3A_400, %eq3A_432 : vector<256x1xi32>
    %jit3A_434 = arith.constant 0 : i32
    %broadcast_in_dim3A_435 = vector.broadcast %jit3A_434 : i32 to vector<256x1xi32>
    %select_n3A_436 = arith.select %eq3A_433, %broadcast_in_dim3A_266, %broadcast_in_dim3A_435 : vector<256x1xi1>, vector<256x1xi32>
    %add3A_437 = arith.addi %add3A_430, %select_n3A_436 : vector<256x1xi32>
    %le3A_438 = arith.constant 3 : i32
    %le3A_439 = vector.broadcast %le3A_438 : i32 to vector<256x1xi32>
    %le3A_440 = arith.cmpi sle, %add3A_303, %le3A_439 : vector<256x1xi32>
    %jit3A_441 = arith.constant 4 : i32
    %jit3A_442 = arith.constant 3 : i32
    %broadcast_in_dim3A_443 = vector.broadcast %jit3A_441 : i32 to vector<256x1xi32>
    %broadcast_in_dim3A_444 = vector.broadcast %jit3A_442 : i32 to vector<256x1xi32>
    %select_n3A_445 = arith.select %le3A_440, %broadcast_in_dim3A_443, %broadcast_in_dim3A_444 : vector<256x1xi1>, vector<256x1xi32>
    %broadcast_in_dim3A_446 = arith.constant 0 : i32
    %broadcast_in_dim3A_447 = vector.broadcast %broadcast_in_dim3A_446 : i32 to vector<256x1xi32>
    %eq3A_448 = arith.constant 0 : i32
    %eq3A_449 = vector.broadcast %eq3A_448 : i32 to vector<256x1xi32>
    %eq3A_450 = arith.cmpi eq, %select_n3A_445, %eq3A_449 : vector<256x1xi32>
    %jit3A_451 = arith.constant 0 : i32
    %broadcast_in_dim3A_452 = vector.broadcast %jit3A_451 : i32 to vector<256x1xi32>
    %select_n3A_453 = arith.select %eq3A_450, %broadcast_in_dim3A_202, %broadcast_in_dim3A_452 : vector<256x1xi1>, vector<256x1xi32>
    %add3A_454 = arith.addi %broadcast_in_dim3A_447, %select_n3A_453 : vector<256x1xi32>
    %eq3A_455 = arith.constant 1 : i32
    %eq3A_456 = vector.broadcast %eq3A_455 : i32 to vector<256x1xi32>
    %eq3A_457 = arith.cmpi eq, %select_n3A_445, %eq3A_456 : vector<256x1xi32>
    %jit3A_458 = arith.constant 0 : i32
    %broadcast_in_dim3A_459 = vector.broadcast %jit3A_458 : i32 to vector<256x1xi32>
    %select_n3A_460 = arith.select %eq3A_457, %broadcast_in_dim3A_218, %broadcast_in_dim3A_459 : vector<256x1xi1>, vector<256x1xi32>
    %add3A_461 = arith.addi %add3A_454, %select_n3A_460 : vector<256x1xi32>
    %eq3A_462 = arith.constant 2 : i32
    %eq3A_463 = vector.broadcast %eq3A_462 : i32 to vector<256x1xi32>
    %eq3A_464 = arith.cmpi eq, %select_n3A_445, %eq3A_463 : vector<256x1xi32>
    %jit3A_465 = arith.constant 0 : i32
    %broadcast_in_dim3A_466 = vector.broadcast %jit3A_465 : i32 to vector<256x1xi32>
    %select_n3A_467 = arith.select %eq3A_464, %broadcast_in_dim3A_234, %broadcast_in_dim3A_466 : vector<256x1xi1>, vector<256x1xi32>
    %add3A_468 = arith.addi %add3A_461, %select_n3A_467 : vector<256x1xi32>
    %eq3A_469 = arith.constant 3 : i32
    %eq3A_470 = vector.broadcast %eq3A_469 : i32 to vector<256x1xi32>
    %eq3A_471 = arith.cmpi eq, %select_n3A_445, %eq3A_470 : vector<256x1xi32>
    %jit3A_472 = arith.constant 0 : i32
    %broadcast_in_dim3A_473 = vector.broadcast %jit3A_472 : i32 to vector<256x1xi32>
    %select_n3A_474 = arith.select %eq3A_471, %broadcast_in_dim3A_250, %broadcast_in_dim3A_473 : vector<256x1xi1>, vector<256x1xi32>
    %add3A_475 = arith.addi %add3A_468, %select_n3A_474 : vector<256x1xi32>
    %eq3A_476 = arith.constant 4 : i32
    %eq3A_477 = vector.broadcast %eq3A_476 : i32 to vector<256x1xi32>
    %eq3A_478 = arith.cmpi eq, %select_n3A_445, %eq3A_477 : vector<256x1xi32>
    %jit3A_479 = arith.constant 0 : i32
    %broadcast_in_dim3A_480 = vector.broadcast %jit3A_479 : i32 to vector<256x1xi32>
    %select_n3A_481 = arith.select %eq3A_478, %broadcast_in_dim3A_266, %broadcast_in_dim3A_480 : vector<256x1xi1>, vector<256x1xi32>
    %add3A_482 = arith.addi %add3A_475, %select_n3A_481 : vector<256x1xi32>
    %concatenate3A_483 = tpu.concatenate %add3A_347, %add3A_392, %add3A_437, %add3A_482 in 1 : vector<256x1xi32>, vector<256x1xi32>, vector<256x1xi32>, vector<256x1xi32> -> vector<256x4xi32>
    %swap3A = arith.constant 0 : index
    %swap3A_484 = arith.constant 0 : index
    %swap3A_485 = vector.load %arg3[%swap3A, %swap3A_484] : memref<256x4xi32, #tpu.memory_space<vmem>>, vector<256x4xi32>
    tpu.vector_store %arg3[%swap3A, %swap3A_484], %concatenate3A_483 {strides = array<i32>} : memref<256x4xi32, #tpu.memory_space<vmem>>, vector<256x4xi32>,
    return
  }
  func.func @transform_0(%arg0: i32) -> (i32, i32) {
    %c0_i32 = arith.constant 0 : i32
    %c0_i32_0 = arith.constant 0 : i32
    return %arg0, %c0_i32 : i32, i32
  }
  func.func @transform_1(%arg0: i32) -> (i32, i32) {
    %c0_i32 = arith.constant 0 : i32
    %c0_i32_0 = arith.constant 0 : i32
    %c0_i32_1 = arith.constant 0 : i32
    return %c0_i32, %c0_i32_0 : i32, i32
  }
  func.func @transform_2(%arg0: i32) -> (i32, i32) {
    %c0_i32 = arith.constant 0 : i32
    %c0_i32_0 = arith.constant 0 : i32
    return %arg0, %c0_i32 : i32, i32
  }
}

module attributes {stable_mosaic.version = 14 : i64} {
  func.func @_pre_body(%arg0: i32, %arg1: memref<1000x128xf32, #tpu.memory_space<vmem>>, %arg2: memref<1000x16xf32, #tpu.memory_space<vmem>>, %arg3: memref<128x128xf32, #tpu.memory_space<vmem>>, %arg4: memref<128x128xf32, #tpu.memory_space<vmem>>, %arg5: memref<128x32xf32, #tpu.memory_space<vmem>>, %arg6: memref<16x32xf32, #tpu.memory_space<vmem>>, %arg7: memref<128x32xf32, #tpu.memory_space<vmem>>, %arg8: memref<16x32xf32, #tpu.memory_space<vmem>>, %arg9: memref<1x32xf32, #tpu.memory_space<vmem>>, %arg10: memref<1x128xf32, #tpu.memory_space<vmem>>, %arg11: memref<16x32xf32, #tpu.memory_space<vmem>>, %arg12: memref<1x32xf32, #tpu.memory_space<vmem>>, %arg13: memref<32x64xf32, #tpu.memory_space<vmem>>, %arg14: memref<1x64xf32, #tpu.memory_space<vmem>>, %arg15: memref<64x64xf32, #tpu.memory_space<vmem>>, %arg16: memref<1x64xf32, #tpu.memory_space<vmem>>, %arg17: memref<64x64xf32, #tpu.memory_space<vmem>>, %arg18: memref<1x64xf32, #tpu.memory_space<vmem>>, %arg19: memref<64x32xf32, #tpu.memory_space<vmem>>, %arg20: memref<1x32xf32, #tpu.memory_space<vmem>>, %arg21: memref<32x16xf32, #tpu.memory_space<vmem>>, %arg22: memref<1x16xf32, #tpu.memory_space<vmem>>, %arg23: memref<1000x256xf32, #tpu.memory_space<vmem>>, %arg24: memref<1000x128xf32, #tpu.memory_space<vmem>>, %arg25: memref<1000x16xf32, #tpu.memory_space<vmem>>, %arg26: memref<1000x32xf32, #tpu.memory_space<vmem>>) attributes {dimension_semantics = [#tpu.dimension_semantics<arbitrary>], iteration_bounds = array<i64: 10>, scalar_prefetch = 0 : i64, scratch_operands = 0 : i64, tpu.core_type = #tpu.core_type<tc>, window_params = [{transform_indices = @transform_0, window_bounds = array<i64: 1000, 128>}, {transform_indices = @transform_1, window_bounds = array<i64: 1000, 16>}, {pipeline_mode = #tpu.pipeline_mode<synchronous>, transform_indices = @transform_2, window_bounds = array<i64: 128, 128>}, {pipeline_mode = #tpu.pipeline_mode<synchronous>, transform_indices = @transform_3, window_bounds = array<i64: 128, 128>}, {pipeline_mode = #tpu.pipeline_mode<synchronous>, transform_indices = @transform_4, window_bounds = array<i64: 128, 32>}, {pipeline_mode = #tpu.pipeline_mode<synchronous>, transform_indices = @transform_5, window_bounds = array<i64: 16, 32>}, {pipeline_mode = #tpu.pipeline_mode<synchronous>, transform_indices = @transform_6, window_bounds = array<i64: 128, 32>}, {pipeline_mode = #tpu.pipeline_mode<synchronous>, transform_indices = @transform_7, window_bounds = array<i64: 16, 32>}, {pipeline_mode = #tpu.pipeline_mode<synchronous>, transform_indices = @transform_8, window_bounds = array<i64: 1, 32>}, {pipeline_mode = #tpu.pipeline_mode<synchronous>, transform_indices = @transform_9, window_bounds = array<i64: 1, 128>}, {pipeline_mode = #tpu.pipeline_mode<synchronous>, transform_indices = @transform_10, window_bounds = array<i64: 16, 32>}, {pipeline_mode = #tpu.pipeline_mode<synchronous>, transform_indices = @transform_11, window_bounds = array<i64: 1, 32>}, {pipeline_mode = #tpu.pipeline_mode<synchronous>, transform_indices = @transform_12, window_bounds = array<i64: 32, 64>}, {pipeline_mode = #tpu.pipeline_mode<synchronous>, transform_indices = @transform_13, window_bounds = array<i64: 1, 64>}, {pipeline_mode = #tpu.pipeline_mode<synchronous>, transform_indices = @transform_14, window_bounds = array<i64: 64, 64>}, {pipeline_mode = #tpu.pipeline_mode<synchronous>, transform_indices = @transform_15, window_bounds = array<i64: 1, 64>}, {pipeline_mode = #tpu.pipeline_mode<synchronous>, transform_indices = @transform_16, window_bounds = array<i64: 64, 64>}, {pipeline_mode = #tpu.pipeline_mode<synchronous>, transform_indices = @transform_17, window_bounds = array<i64: 1, 64>}, {pipeline_mode = #tpu.pipeline_mode<synchronous>, transform_indices = @transform_18, window_bounds = array<i64: 64, 32>}, {pipeline_mode = #tpu.pipeline_mode<synchronous>, transform_indices = @transform_19, window_bounds = array<i64: 1, 32>}, {pipeline_mode = #tpu.pipeline_mode<synchronous>, transform_indices = @transform_20, window_bounds = array<i64: 32, 16>}, {pipeline_mode = #tpu.pipeline_mode<synchronous>, transform_indices = @transform_21, window_bounds = array<i64: 1, 16>}, {transform_indices = @transform_22, window_bounds = array<i64: 1000, 256>}, {transform_indices = @transform_23, window_bounds = array<i64: 1000, 128>}, {transform_indices = @transform_24, window_bounds = array<i64: 1000, 16>}, {transform_indices = @transform_25, window_bounds = array<i64: 1000, 32>}]} {
    %get3A = arith.constant 0 : index
    %get3A_0 = arith.constant 0 : index
    %get3A_1 = vector.load %arg1[%get3A, %get3A_0] : memref<1000x128xf32, #tpu.memory_space<vmem>>, vector<1000x128xf32>
    %get3A_2 = arith.constant 0 : index
    %get3A_3 = arith.constant 0 : index
    %get3A_4 = vector.load %arg2[%get3A_2, %get3A_3] : memref<1000x16xf32, #tpu.memory_space<vmem>>, vector<1000x16xf32>
    %get3A_5 = arith.constant 0 : index
    %get3A_6 = arith.constant 0 : index
    %get3A_7 = vector.load %arg3[%get3A_5, %get3A_6] : memref<128x128xf32, #tpu.memory_space<vmem>>, vector<128x128xf32>
    %dot_general3A = arith.constant dense<0.000000e+00> : vector<1000x128xf32>
    %dot_general3A_8 = tpu.matmul %get3A_1, %get3A_7, %dot_general3A {dimension_numbers = #tpu.dot_dimension_numbers<[1], [0], [0], [1], [0, 0, 1, 1], [], []>, transpose_lhs_hint = false} : vector<1000x128xf32>, vector<128x128xf32>, vector<1000x128xf32> -> vector<1000x128xf32>
    %get3A_9 = arith.constant 0 : index
    %get3A_10 = arith.constant 0 : index
    %get3A_11 = vector.load %arg5[%get3A_9, %get3A_10] : memref<128x32xf32, #tpu.memory_space<vmem>>, vector<128x32xf32>
    %dot_general3A_12 = arith.constant dense<0.000000e+00> : vector<1000x32xf32>
    %dot_general3A_13 = tpu.matmul %get3A_1, %get3A_11, %dot_general3A_12 {dimension_numbers = #tpu.dot_dimension_numbers<[1], [0], [0], [1], [0, 0, 1, 1], [], []>, transpose_lhs_hint = false} : vector<1000x128xf32>, vector<128x32xf32>, vector<1000x32xf32> -> vector<1000x32xf32>
    %get3A_14 = arith.constant 0 : index
    %get3A_15 = arith.constant 0 : index
    %get3A_16 = vector.load %arg6[%get3A_14, %get3A_15] : memref<16x32xf32, #tpu.memory_space<vmem>>, vector<16x32xf32>
    %dot_general3A_17 = arith.constant dense<0.000000e+00> : vector<1000x32xf32>
    %dot_general3A_18 = tpu.matmul %get3A_4, %get3A_16, %dot_general3A_17 {dimension_numbers = #tpu.dot_dimension_numbers<[1], [0], [0], [1], [0, 0, 1, 1], [], []>, transpose_lhs_hint = false} : vector<1000x16xf32>, vector<16x32xf32>, vector<1000x32xf32> -> vector<1000x32xf32>
    %add3A = arith.addf %dot_general3A_13, %dot_general3A_18 : vector<1000x32xf32>
    %broadcast_in_dim3A = arith.constant 0.000000e+00 : f32
    %broadcast_in_dim3A_19 = vector.broadcast %broadcast_in_dim3A : f32 to vector<1000x80xf32>
    %concatenate3A = tpu.concatenate %dot_general3A_8, %get3A_4, %add3A, %broadcast_in_dim3A_19 in 1 : vector<1000x128xf32>, vector<1000x16xf32>, vector<1000x32xf32>, vector<1000x80xf32> -> vector<1000x256xf32>
    %swap3A = arith.constant 0 : index
    %swap3A_20 = arith.constant 0 : index
    %swap3A_21 = vector.load %arg23[%swap3A, %swap3A_20] : memref<1000x256xf32, #tpu.memory_space<vmem>>, vector<1000x256xf32>
    tpu.vector_store %arg23[%swap3A, %swap3A_20], %concatenate3A {strides = array<i32>} : memref<1000x256xf32, #tpu.memory_space<vmem>>, vector<1000x256xf32>,
    %get3A_22 = arith.constant 0 : index
    %get3A_23 = arith.constant 0 : index
    %get3A_24 = vector.load %arg4[%get3A_22, %get3A_23] : memref<128x128xf32, #tpu.memory_space<vmem>>, vector<128x128xf32>
    %dot_general3A_25 = arith.constant dense<0.000000e+00> : vector<1000x128xf32>
    %dot_general3A_26 = tpu.matmul %get3A_1, %get3A_24, %dot_general3A_25 {dimension_numbers = #tpu.dot_dimension_numbers<[1], [0], [0], [1], [0, 0, 1, 1], [], []>, transpose_lhs_hint = false} : vector<1000x128xf32>, vector<128x128xf32>, vector<1000x128xf32> -> vector<1000x128xf32>
    %add3A_27 = arith.addf %dot_general3A_8, %dot_general3A_26 : vector<1000x128xf32>
    %get3A_28 = arith.constant 0 : index
    %get3A_29 = arith.constant 0 : index
    %get3A_30 = vector.load %arg10[%get3A_28, %get3A_29] : memref<1x128xf32, #tpu.memory_space<vmem>>, vector<1x128xf32>
    %add3A_31 = vector.broadcast %get3A_30 : vector<1x128xf32> to vector<1000x128xf32>
    %add3A_32 = arith.addf %add3A_27, %add3A_31 : vector<1000x128xf32>
    %swap3A_33 = arith.constant 0 : index
    %swap3A_34 = arith.constant 0 : index
    %swap3A_35 = vector.load %arg24[%swap3A_33, %swap3A_34] : memref<1000x128xf32, #tpu.memory_space<vmem>>, vector<1000x128xf32>
    tpu.vector_store %arg24[%swap3A_33, %swap3A_34], %add3A_32 {strides = array<i32>} : memref<1000x128xf32, #tpu.memory_space<vmem>>, vector<1000x128xf32>,
    %get3A_36 = arith.constant 0 : index
    %get3A_37 = arith.constant 0 : index
    %get3A_38 = vector.load %arg11[%get3A_36, %get3A_37] : memref<16x32xf32, #tpu.memory_space<vmem>>, vector<16x32xf32>
    %dot_general3A_39 = arith.constant dense<0.000000e+00> : vector<1000x32xf32>
    %dot_general3A_40 = tpu.matmul %get3A_4, %get3A_38, %dot_general3A_39 {dimension_numbers = #tpu.dot_dimension_numbers<[1], [0], [0], [1], [0, 0, 1, 1], [], []>, transpose_lhs_hint = false} : vector<1000x16xf32>, vector<16x32xf32>, vector<1000x32xf32> -> vector<1000x32xf32>
    %get3A_41 = arith.constant 0 : index
    %get3A_42 = arith.constant 0 : index
    %get3A_43 = vector.load %arg12[%get3A_41, %get3A_42] : memref<1x32xf32, #tpu.memory_space<vmem>>, vector<1x32xf32>
    %add3A_44 = vector.broadcast %get3A_43 : vector<1x32xf32> to vector<1000x32xf32>
    %add3A_45 = arith.addf %dot_general3A_40, %add3A_44 : vector<1000x32xf32>
    %max3A = arith.constant 0.000000e+00 : f32
    %max3A_46 = vector.broadcast %max3A : f32 to vector<1000x32xf32>
    %max3A_47 = arith.maximumf %add3A_45, %max3A_46 : vector<1000x32xf32>
    %get3A_48 = arith.constant 0 : index
    %get3A_49 = arith.constant 0 : index
    %get3A_50 = vector.load %arg13[%get3A_48, %get3A_49] : memref<32x64xf32, #tpu.memory_space<vmem>>, vector<32x64xf32>
    %dot_general3A_51 = arith.constant dense<0.000000e+00> : vector<1000x64xf32>
    %dot_general3A_52 = tpu.matmul %max3A_47, %get3A_50, %dot_general3A_51 {dimension_numbers = #tpu.dot_dimension_numbers<[1], [0], [0], [1], [0, 0, 1, 1], [], []>, transpose_lhs_hint = false} : vector<1000x32xf32>, vector<32x64xf32>, vector<1000x64xf32> -> vector<1000x64xf32>
    %get3A_53 = arith.constant 0 : index
    %get3A_54 = arith.constant 0 : index
    %get3A_55 = vector.load %arg14[%get3A_53, %get3A_54] : memref<1x64xf32, #tpu.memory_space<vmem>>, vector<1x64xf32>
    %add3A_56 = vector.broadcast %get3A_55 : vector<1x64xf32> to vector<1000x64xf32>
    %add3A_57 = arith.addf %dot_general3A_52, %add3A_56 : vector<1000x64xf32>
    %max3A_58 = arith.constant 0.000000e+00 : f32
    %max3A_59 = vector.broadcast %max3A_58 : f32 to vector<1000x64xf32>
    %max3A_60 = arith.maximumf %add3A_57, %max3A_59 : vector<1000x64xf32>
    %get3A_61 = arith.constant 0 : index
    %get3A_62 = arith.constant 0 : index
    %get3A_63 = vector.load %arg15[%get3A_61, %get3A_62] : memref<64x64xf32, #tpu.memory_space<vmem>>, vector<64x64xf32>
    %dot_general3A_64 = arith.constant dense<0.000000e+00> : vector<1000x64xf32>
    %dot_general3A_65 = tpu.matmul %max3A_60, %get3A_63, %dot_general3A_64 {dimension_numbers = #tpu.dot_dimension_numbers<[1], [0], [0], [1], [0, 0, 1, 1], [], []>, transpose_lhs_hint = false} : vector<1000x64xf32>, vector<64x64xf32>, vector<1000x64xf32> -> vector<1000x64xf32>
    %get3A_66 = arith.constant 0 : index
    %get3A_67 = arith.constant 0 : index
    %get3A_68 = vector.load %arg16[%get3A_66, %get3A_67] : memref<1x64xf32, #tpu.memory_space<vmem>>, vector<1x64xf32>
    %add3A_69 = vector.broadcast %get3A_68 : vector<1x64xf32> to vector<1000x64xf32>
    %add3A_70 = arith.addf %dot_general3A_65, %add3A_69 : vector<1000x64xf32>
    %max3A_71 = arith.constant 0.000000e+00 : f32
    %max3A_72 = vector.broadcast %max3A_71 : f32 to vector<1000x64xf32>
    %max3A_73 = arith.maximumf %add3A_70, %max3A_72 : vector<1000x64xf32>
    %get3A_74 = arith.constant 0 : index
    %get3A_75 = arith.constant 0 : index
    %get3A_76 = vector.load %arg17[%get3A_74, %get3A_75] : memref<64x64xf32, #tpu.memory_space<vmem>>, vector<64x64xf32>
    %dot_general3A_77 = arith.constant dense<0.000000e+00> : vector<1000x64xf32>
    %dot_general3A_78 = tpu.matmul %max3A_73, %get3A_76, %dot_general3A_77 {dimension_numbers = #tpu.dot_dimension_numbers<[1], [0], [0], [1], [0, 0, 1, 1], [], []>, transpose_lhs_hint = false} : vector<1000x64xf32>, vector<64x64xf32>, vector<1000x64xf32> -> vector<1000x64xf32>
    %get3A_79 = arith.constant 0 : index
    %get3A_80 = arith.constant 0 : index
    %get3A_81 = vector.load %arg18[%get3A_79, %get3A_80] : memref<1x64xf32, #tpu.memory_space<vmem>>, vector<1x64xf32>
    %add3A_82 = vector.broadcast %get3A_81 : vector<1x64xf32> to vector<1000x64xf32>
    %add3A_83 = arith.addf %dot_general3A_78, %add3A_82 : vector<1000x64xf32>
    %max3A_84 = arith.constant 0.000000e+00 : f32
    %max3A_85 = vector.broadcast %max3A_84 : f32 to vector<1000x64xf32>
    %max3A_86 = arith.maximumf %add3A_83, %max3A_85 : vector<1000x64xf32>
    %get3A_87 = arith.constant 0 : index
    %get3A_88 = arith.constant 0 : index
    %get3A_89 = vector.load %arg19[%get3A_87, %get3A_88] : memref<64x32xf32, #tpu.memory_space<vmem>>, vector<64x32xf32>
    %dot_general3A_90 = arith.constant dense<0.000000e+00> : vector<1000x32xf32>
    %dot_general3A_91 = tpu.matmul %max3A_86, %get3A_89, %dot_general3A_90 {dimension_numbers = #tpu.dot_dimension_numbers<[1], [0], [0], [1], [0, 0, 1, 1], [], []>, transpose_lhs_hint = false} : vector<1000x64xf32>, vector<64x32xf32>, vector<1000x32xf32> -> vector<1000x32xf32>
    %get3A_92 = arith.constant 0 : index
    %get3A_93 = arith.constant 0 : index
    %get3A_94 = vector.load %arg20[%get3A_92, %get3A_93] : memref<1x32xf32, #tpu.memory_space<vmem>>, vector<1x32xf32>
    %add3A_95 = vector.broadcast %get3A_94 : vector<1x32xf32> to vector<1000x32xf32>
    %add3A_96 = arith.addf %dot_general3A_91, %add3A_95 : vector<1000x32xf32>
    %max3A_97 = arith.constant 0.000000e+00 : f32
    %max3A_98 = vector.broadcast %max3A_97 : f32 to vector<1000x32xf32>
    %max3A_99 = arith.maximumf %add3A_96, %max3A_98 : vector<1000x32xf32>
    %get3A_100 = arith.constant 0 : index
    %get3A_101 = arith.constant 0 : index
    %get3A_102 = vector.load %arg21[%get3A_100, %get3A_101] : memref<32x16xf32, #tpu.memory_space<vmem>>, vector<32x16xf32>
    %dot_general3A_103 = arith.constant dense<0.000000e+00> : vector<1000x16xf32>
    %dot_general3A_104 = tpu.matmul %max3A_99, %get3A_102, %dot_general3A_103 {dimension_numbers = #tpu.dot_dimension_numbers<[1], [0], [0], [1], [0, 0, 1, 1], [], []>, transpose_lhs_hint = false} : vector<1000x32xf32>, vector<32x16xf32>, vector<1000x16xf32> -> vector<1000x16xf32>
    %get3A_105 = arith.constant 0 : index
    %get3A_106 = arith.constant 0 : index
    %get3A_107 = vector.load %arg22[%get3A_105, %get3A_106] : memref<1x16xf32, #tpu.memory_space<vmem>>, vector<1x16xf32>
    %add3A_108 = vector.broadcast %get3A_107 : vector<1x16xf32> to vector<1000x16xf32>
    %add3A_109 = arith.addf %dot_general3A_104, %add3A_108 : vector<1000x16xf32>
    %swap3A_110 = arith.constant 0 : index
    %swap3A_111 = arith.constant 0 : index
    %swap3A_112 = vector.load %arg25[%swap3A_110, %swap3A_111] : memref<1000x16xf32, #tpu.memory_space<vmem>>, vector<1000x16xf32>
    tpu.vector_store %arg25[%swap3A_110, %swap3A_111], %add3A_109 {strides = array<i32>} : memref<1000x16xf32, #tpu.memory_space<vmem>>, vector<1000x16xf32>,
    %get3A_113 = arith.constant 0 : index
    %get3A_114 = arith.constant 0 : index
    %get3A_115 = vector.load %arg7[%get3A_113, %get3A_114] : memref<128x32xf32, #tpu.memory_space<vmem>>, vector<128x32xf32>
    %dot_general3A_116 = arith.constant dense<0.000000e+00> : vector<1000x32xf32>
    %dot_general3A_117 = tpu.matmul %get3A_1, %get3A_115, %dot_general3A_116 {dimension_numbers = #tpu.dot_dimension_numbers<[1], [0], [0], [1], [0, 0, 1, 1], [], []>, transpose_lhs_hint = false} : vector<1000x128xf32>, vector<128x32xf32>, vector<1000x32xf32> -> vector<1000x32xf32>
    %get3A_118 = arith.constant 0 : index
    %get3A_119 = arith.constant 0 : index
    %get3A_120 = vector.load %arg8[%get3A_118, %get3A_119] : memref<16x32xf32, #tpu.memory_space<vmem>>, vector<16x32xf32>
    %dot_general3A_121 = arith.constant dense<0.000000e+00> : vector<1000x32xf32>
    %dot_general3A_122 = tpu.matmul %get3A_4, %get3A_120, %dot_general3A_121 {dimension_numbers = #tpu.dot_dimension_numbers<[1], [0], [0], [1], [0, 0, 1, 1], [], []>, transpose_lhs_hint = false} : vector<1000x16xf32>, vector<16x32xf32>, vector<1000x32xf32> -> vector<1000x32xf32>
    %add3A_123 = arith.addf %dot_general3A_117, %dot_general3A_122 : vector<1000x32xf32>
    %get3A_124 = arith.constant 0 : index
    %get3A_125 = arith.constant 0 : index
    %get3A_126 = vector.load %arg9[%get3A_124, %get3A_125] : memref<1x32xf32, #tpu.memory_space<vmem>>, vector<1x32xf32>
    %add3A_127 = vector.broadcast %get3A_126 : vector<1x32xf32> to vector<1000x32xf32>
    %add3A_128 = arith.addf %add3A_123, %add3A_127 : vector<1000x32xf32>
    %swap3A_129 = arith.constant 0 : index
    %swap3A_130 = arith.constant 0 : index
    %swap3A_131 = vector.load %arg26[%swap3A_129, %swap3A_130] : memref<1000x32xf32, #tpu.memory_space<vmem>>, vector<1000x32xf32>
    tpu.vector_store %arg26[%swap3A_129, %swap3A_130], %add3A_128 {strides = array<i32>} : memref<1000x32xf32, #tpu.memory_space<vmem>>, vector<1000x32xf32>,
    return
  }
  func.func @transform_0(%arg0: i32) -> (i32, i32) {
    %c0_i32 = arith.constant 0 : i32
    %c0_i32_0 = arith.constant 0 : i32
    return %arg0, %c0_i32 : i32, i32
  }
  func.func @transform_1(%arg0: i32) -> (i32, i32) {
    %c0_i32 = arith.constant 0 : i32
    %c0_i32_0 = arith.constant 0 : i32
    return %arg0, %c0_i32 : i32, i32
  }
  func.func @transform_2(%arg0: i32) -> (i32, i32) {
    %c0_i32 = arith.constant 0 : i32
    %c0_i32_0 = arith.constant 0 : i32
    %c0_i32_1 = arith.constant 0 : i32
    return %c0_i32, %c0_i32_0 : i32, i32
  }
  func.func @transform_3(%arg0: i32) -> (i32, i32) {
    %c0_i32 = arith.constant 0 : i32
    %c0_i32_0 = arith.constant 0 : i32
    %c0_i32_1 = arith.constant 0 : i32
    return %c0_i32, %c0_i32_0 : i32, i32
  }
  func.func @transform_4(%arg0: i32) -> (i32, i32) {
    %c0_i32 = arith.constant 0 : i32
    %c0_i32_0 = arith.constant 0 : i32
    %c0_i32_1 = arith.constant 0 : i32
    return %c0_i32, %c0_i32_0 : i32, i32
  }
  func.func @transform_5(%arg0: i32) -> (i32, i32) {
    %c0_i32 = arith.constant 0 : i32
    %c0_i32_0 = arith.constant 0 : i32
    %c0_i32_1 = arith.constant 0 : i32
    return %c0_i32, %c0_i32_0 : i32, i32
  }
  func.func @transform_6(%arg0: i32) -> (i32, i32) {
    %c0_i32 = arith.constant 0 : i32
    %c0_i32_0 = arith.constant 0 : i32
    %c0_i32_1 = arith.constant 0 : i32
    return %c0_i32, %c0_i32_0 : i32, i32
  }
  func.func @transform_7(%arg0: i32) -> (i32, i32) {
    %c0_i32 = arith.constant 0 : i32
    %c0_i32_0 = arith.constant 0 : i32
    %c0_i32_1 = arith.constant 0 : i32
    return %c0_i32, %c0_i32_0 : i32, i32
  }
  func.func @transform_8(%arg0: i32) -> (i32, i32) {
    %c0_i32 = arith.constant 0 : i32
    %c0_i32_0 = arith.constant 0 : i32
    %c0_i32_1 = arith.constant 0 : i32
    return %c0_i32, %c0_i32_0 : i32, i32
  }
  func.func @transform_9(%arg0: i32) -> (i32, i32) {
    %c0_i32 = arith.constant 0 : i32
    %c0_i32_0 = arith.constant 0 : i32
    %c0_i32_1 = arith.constant 0 : i32
    return %c0_i32, %c0_i32_0 : i32, i32
  }
  func.func @transform_10(%arg0: i32) -> (i32, i32) {
    %c0_i32 = arith.constant 0 : i32
    %c0_i32_0 = arith.constant 0 : i32
    %c0_i32_1 = arith.constant 0 : i32
    return %c0_i32, %c0_i32_0 : i32, i32
  }
  func.func @transform_11(%arg0: i32) -> (i32, i32) {
    %c0_i32 = arith.constant 0 : i32
    %c0_i32_0 = arith.constant 0 : i32
    %c0_i32_1 = arith.constant 0 : i32
    return %c0_i32, %c0_i32_0 : i32, i32
  }
  func.func @transform_12(%arg0: i32) -> (i32, i32) {
    %c0_i32 = arith.constant 0 : i32
    %c0_i32_0 = arith.constant 0 : i32
    %c0_i32_1 = arith.constant 0 : i32
    return %c0_i32, %c0_i32_0 : i32, i32
  }
  func.func @transform_13(%arg0: i32) -> (i32, i32) {
    %c0_i32 = arith.constant 0 : i32
    %c0_i32_0 = arith.constant 0 : i32
    %c0_i32_1 = arith.constant 0 : i32
    return %c0_i32, %c0_i32_0 : i32, i32
  }
  func.func @transform_14(%arg0: i32) -> (i32, i32) {
    %c0_i32 = arith.constant 0 : i32
    %c0_i32_0 = arith.constant 0 : i32
    %c0_i32_1 = arith.constant 0 : i32
    return %c0_i32, %c0_i32_0 : i32, i32
  }
  func.func @transform_15(%arg0: i32) -> (i32, i32) {
    %c0_i32 = arith.constant 0 : i32
    %c0_i32_0 = arith.constant 0 : i32
    %c0_i32_1 = arith.constant 0 : i32
    return %c0_i32, %c0_i32_0 : i32, i32
  }
  func.func @transform_16(%arg0: i32) -> (i32, i32) {
    %c0_i32 = arith.constant 0 : i32
    %c0_i32_0 = arith.constant 0 : i32
    %c0_i32_1 = arith.constant 0 : i32
    return %c0_i32, %c0_i32_0 : i32, i32
  }
  func.func @transform_17(%arg0: i32) -> (i32, i32) {
    %c0_i32 = arith.constant 0 : i32
    %c0_i32_0 = arith.constant 0 : i32
    %c0_i32_1 = arith.constant 0 : i32
    return %c0_i32, %c0_i32_0 : i32, i32
  }
  func.func @transform_18(%arg0: i32) -> (i32, i32) {
    %c0_i32 = arith.constant 0 : i32
    %c0_i32_0 = arith.constant 0 : i32
    %c0_i32_1 = arith.constant 0 : i32
    return %c0_i32, %c0_i32_0 : i32, i32
  }
  func.func @transform_19(%arg0: i32) -> (i32, i32) {
    %c0_i32 = arith.constant 0 : i32
    %c0_i32_0 = arith.constant 0 : i32
    %c0_i32_1 = arith.constant 0 : i32
    return %c0_i32, %c0_i32_0 : i32, i32
  }
  func.func @transform_20(%arg0: i32) -> (i32, i32) {
    %c0_i32 = arith.constant 0 : i32
    %c0_i32_0 = arith.constant 0 : i32
    %c0_i32_1 = arith.constant 0 : i32
    return %c0_i32, %c0_i32_0 : i32, i32
  }
  func.func @transform_21(%arg0: i32) -> (i32, i32) {
    %c0_i32 = arith.constant 0 : i32
    %c0_i32_0 = arith.constant 0 : i32
    %c0_i32_1 = arith.constant 0 : i32
    return %c0_i32, %c0_i32_0 : i32, i32
  }
  func.func @transform_22(%arg0: i32) -> (i32, i32) {
    %c0_i32 = arith.constant 0 : i32
    %c0_i32_0 = arith.constant 0 : i32
    return %arg0, %c0_i32 : i32, i32
  }
  func.func @transform_23(%arg0: i32) -> (i32, i32) {
    %c0_i32 = arith.constant 0 : i32
    %c0_i32_0 = arith.constant 0 : i32
    return %arg0, %c0_i32 : i32, i32
  }
  func.func @transform_24(%arg0: i32) -> (i32, i32) {
    %c0_i32 = arith.constant 0 : i32
    %c0_i32_0 = arith.constant 0 : i32
    return %arg0, %c0_i32 : i32, i32
  }
  func.func @transform_25(%arg0: i32) -> (i32, i32) {
    %c0_i32 = arith.constant 0 : i32
    %c0_i32_0 = arith.constant 0 : i32
    return %arg0, %c0_i32 : i32, i32
  }
}

module attributes {stable_mosaic.version = 14 : i64} {
  func.func @_edge_body(%arg0: i32, %arg1: memref<4000x256xf32, #tpu.memory_space<vmem>>, %arg2: memref<1000x16xf32, #tpu.memory_space<vmem>>, %arg3: memref<1000x128xf32, #tpu.memory_space<vmem>>, %arg4: memref<1000x16xf32, #tpu.memory_space<vmem>>, %arg5: memref<1000x32xf32, #tpu.memory_space<vmem>>, %arg6: memref<16x32xf32, #tpu.memory_space<vmem>>, %arg7: memref<1x32xf32, #tpu.memory_space<vmem>>, %arg8: memref<32x64xf32, #tpu.memory_space<vmem>>, %arg9: memref<1x64xf32, #tpu.memory_space<vmem>>, %arg10: memref<64x64xf32, #tpu.memory_space<vmem>>, %arg11: memref<1x64xf32, #tpu.memory_space<vmem>>, %arg12: memref<64x64xf32, #tpu.memory_space<vmem>>, %arg13: memref<1x64xf32, #tpu.memory_space<vmem>>, %arg14: memref<64x32xf32, #tpu.memory_space<vmem>>, %arg15: memref<1x32xf32, #tpu.memory_space<vmem>>, %arg16: memref<32x16xf32, #tpu.memory_space<vmem>>, %arg17: memref<1x16xf32, #tpu.memory_space<vmem>>, %arg18: memref<32x64xf32, #tpu.memory_space<vmem>>, %arg19: memref<1x64xf32, #tpu.memory_space<vmem>>, %arg20: memref<64x64xf32, #tpu.memory_space<vmem>>, %arg21: memref<1x64xf32, #tpu.memory_space<vmem>>, %arg22: memref<64x64xf32, #tpu.memory_space<vmem>>, %arg23: memref<1x64xf32, #tpu.memory_space<vmem>>, %arg24: memref<64x32xf32, #tpu.memory_space<vmem>>, %arg25: memref<1x32xf32, #tpu.memory_space<vmem>>, %arg26: memref<32x1xf32, #tpu.memory_space<vmem>>, %arg27: memref<1x1xf32, #tpu.memory_space<vmem>>, %arg28: memref<1000x128xf32, #tpu.memory_space<vmem>>, %arg29: memref<1000x16xf32, #tpu.memory_space<vmem>>, %arg30: memref<1000x4xf32, #tpu.memory_space<vmem>>) attributes {dimension_semantics = [#tpu.dimension_semantics<arbitrary>], iteration_bounds = array<i64: 5>, scalar_prefetch = 0 : i64, scratch_operands = 0 : i64, tpu.core_type = #tpu.core_type<tc>, window_params = [{transform_indices = @transform_0, window_bounds = array<i64: 4000, 256>}, {transform_indices = @transform_1, window_bounds = array<i64: 1000, 16>}, {transform_indices = @transform_2, window_bounds = array<i64: 1000, 128>}, {transform_indices = @transform_3, window_bounds = array<i64: 1000, 16>}, {transform_indices = @transform_4, window_bounds = array<i64: 1000, 32>}, {pipeline_mode = #tpu.pipeline_mode<synchronous>, transform_indices = @transform_5, window_bounds = array<i64: 16, 32>}, {pipeline_mode = #tpu.pipeline_mode<synchronous>, transform_indices = @transform_6, window_bounds = array<i64: 1, 32>}, {pipeline_mode = #tpu.pipeline_mode<synchronous>, transform_indices = @transform_7, window_bounds = array<i64: 32, 64>}, {pipeline_mode = #tpu.pipeline_mode<synchronous>, transform_indices = @transform_8, window_bounds = array<i64: 1, 64>}, {pipeline_mode = #tpu.pipeline_mode<synchronous>, transform_indices = @transform_9, window_bounds = array<i64: 64, 64>}, {pipeline_mode = #tpu.pipeline_mode<synchronous>, transform_indices = @transform_10, window_bounds = array<i64: 1, 64>}, {pipeline_mode = #tpu.pipeline_mode<synchronous>, transform_indices = @transform_11, window_bounds = array<i64: 64, 64>}, {pipeline_mode = #tpu.pipeline_mode<synchronous>, transform_indices = @transform_12, window_bounds = array<i64: 1, 64>}, {pipeline_mode = #tpu.pipeline_mode<synchronous>, transform_indices = @transform_13, window_bounds = array<i64: 64, 32>}, {pipeline_mode = #tpu.pipeline_mode<synchronous>, transform_indices = @transform_14, window_bounds = array<i64: 1, 32>}, {pipeline_mode = #tpu.pipeline_mode<synchronous>, transform_indices = @transform_15, window_bounds = array<i64: 32, 16>}, {pipeline_mode = #tpu.pipeline_mode<synchronous>, transform_indices = @transform_16, window_bounds = array<i64: 1, 16>}, {pipeline_mode = #tpu.pipeline_mode<synchronous>, transform_indices = @transform_17, window_bounds = array<i64: 32, 64>}, {pipeline_mode = #tpu.pipeline_mode<synchronous>, transform_indices = @transform_18, window_bounds = array<i64: 1, 64>}, {pipeline_mode = #tpu.pipeline_mode<synchronous>, transform_indices = @transform_19, window_bounds = array<i64: 64, 64>}, {pipeline_mode = #tpu.pipeline_mode<synchronous>, transform_indices = @transform_20, window_bounds = array<i64: 1, 64>}, {pipeline_mode = #tpu.pipeline_mode<synchronous>, transform_indices = @transform_21, window_bounds = array<i64: 64, 64>}, {pipeline_mode = #tpu.pipeline_mode<synchronous>, transform_indices = @transform_22, window_bounds = array<i64: 1, 64>}, {pipeline_mode = #tpu.pipeline_mode<synchronous>, transform_indices = @transform_23, window_bounds = array<i64: 64, 32>}, {pipeline_mode = #tpu.pipeline_mode<synchronous>, transform_indices = @transform_24, window_bounds = array<i64: 1, 32>}, {pipeline_mode = #tpu.pipeline_mode<synchronous>, transform_indices = @transform_25, window_bounds = array<i64: 32, 1>}, {pipeline_mode = #tpu.pipeline_mode<synchronous>, transform_indices = @transform_26, window_bounds = array<i64: 1, 1>}, {transform_indices = @transform_27, window_bounds = array<i64: 1000, 128>}, {transform_indices = @transform_28, window_bounds = array<i64: 1000, 16>}, {transform_indices = @transform_29, window_bounds = array<i64: 1000, 4>}]} {
    %get3A = arith.constant 0 : index
    %get3A_0 = arith.constant 0 : index
    %get3A_1 = vector.load %arg2[%get3A, %get3A_0] : memref<1000x16xf32, #tpu.memory_space<vmem>>, vector<1000x16xf32>
    %get3A_2 = arith.constant 0 : index
    %get3A_3 = arith.constant 0 : index
    %get3A_4 = vector.load %arg5[%get3A_2, %get3A_3] : memref<1000x32xf32, #tpu.memory_space<vmem>>, vector<1000x32xf32>
    %get3A_5 = arith.constant 0 : index
    %get3A_6 = arith.constant 0 : index
    %get3A_7 = vector.load %arg1[%get3A_5, %get3A_6] : memref<4000x256xf32, #tpu.memory_space<vmem>>, vector<4000x256xf32>
    %reshape3A = vector.shape_cast %get3A_7 : vector<4000x256xf32> to vector<1000x4x256xf32>
    %broadcast_in_dim3A = arith.constant 0.000000e+00 : f32
    %broadcast_in_dim3A_8 = vector.broadcast %broadcast_in_dim3A : f32 to vector<1000x128xf32>
    %broadcast_in_dim3A_9 = arith.constant 0.000000e+00 : f32
    %broadcast_in_dim3A_10 = vector.broadcast %broadcast_in_dim3A_9 : f32 to vector<1000x16xf32>
    %slice3A = vector.extract_strided_slice %reshape3A {offsets = [0, 0, 0], sizes = [1000, 1, 256], strides = [1, 1, 1]} : vector<1000x4x256xf32> to vector<1000x1x256xf32>
    %squeeze3A = vector.shape_cast %slice3A : vector<1000x1x256xf32> to vector<1000x256xf32>
    %slice3A_11 = vector.extract_strided_slice %squeeze3A {offsets = [0, 0], sizes = [1000, 128], strides = [1, 1]} : vector<1000x256xf32> to vector<1000x128xf32>
    %slice3A_12 = vector.extract_strided_slice %squeeze3A {offsets = [0, 128], sizes = [1000, 16], strides = [1, 1]} : vector<1000x256xf32> to vector<1000x16xf32>
    %slice3A_13 = vector.extract_strided_slice %squeeze3A {offsets = [0, 144], sizes = [1000, 32], strides = [1, 1]} : vector<1000x256xf32> to vector<1000x32xf32>
    %add3A = arith.addf %broadcast_in_dim3A_8, %slice3A_11 : vector<1000x128xf32>
    %sub3A = arith.subf %get3A_1, %slice3A_12 : vector<1000x16xf32>
    %get3A_14 = arith.constant 0 : index
    %get3A_15 = arith.constant 0 : index
    %get3A_16 = vector.load %arg6[%get3A_14, %get3A_15] : memref<16x32xf32, #tpu.memory_space<vmem>>, vector<16x32xf32>
    %dot_general3A = arith.constant dense<0.000000e+00> : vector<1000x32xf32>
    %dot_general3A_17 = tpu.matmul %sub3A, %get3A_16, %dot_general3A {dimension_numbers = #tpu.dot_dimension_numbers<[1], [0], [0], [1], [0, 0, 1, 1], [], []>, transpose_lhs_hint = false} : vector<1000x16xf32>, vector<16x32xf32>, vector<1000x32xf32> -> vector<1000x32xf32>
    %get3A_18 = arith.constant 0 : index
    %get3A_19 = arith.constant 0 : index
    %get3A_20 = vector.load %arg7[%get3A_18, %get3A_19] : memref<1x32xf32, #tpu.memory_space<vmem>>, vector<1x32xf32>
    %add3A_21 = vector.broadcast %get3A_20 : vector<1x32xf32> to vector<1000x32xf32>
    %add3A_22 = arith.addf %dot_general3A_17, %add3A_21 : vector<1000x32xf32>
    %max3A = arith.constant 0.000000e+00 : f32
    %max3A_23 = vector.broadcast %max3A : f32 to vector<1000x32xf32>
    %max3A_24 = arith.maximumf %add3A_22, %max3A_23 : vector<1000x32xf32>
    %get3A_25 = arith.constant 0 : index
    %get3A_26 = arith.constant 0 : index
    %get3A_27 = vector.load %arg8[%get3A_25, %get3A_26] : memref<32x64xf32, #tpu.memory_space<vmem>>, vector<32x64xf32>
    %dot_general3A_28 = arith.constant dense<0.000000e+00> : vector<1000x64xf32>
    %dot_general3A_29 = tpu.matmul %max3A_24, %get3A_27, %dot_general3A_28 {dimension_numbers = #tpu.dot_dimension_numbers<[1], [0], [0], [1], [0, 0, 1, 1], [], []>, transpose_lhs_hint = false} : vector<1000x32xf32>, vector<32x64xf32>, vector<1000x64xf32> -> vector<1000x64xf32>
    %get3A_30 = arith.constant 0 : index
    %get3A_31 = arith.constant 0 : index
    %get3A_32 = vector.load %arg9[%get3A_30, %get3A_31] : memref<1x64xf32, #tpu.memory_space<vmem>>, vector<1x64xf32>
    %add3A_33 = vector.broadcast %get3A_32 : vector<1x64xf32> to vector<1000x64xf32>
    %add3A_34 = arith.addf %dot_general3A_29, %add3A_33 : vector<1000x64xf32>
    %max3A_35 = arith.constant 0.000000e+00 : f32
    %max3A_36 = vector.broadcast %max3A_35 : f32 to vector<1000x64xf32>
    %max3A_37 = arith.maximumf %add3A_34, %max3A_36 : vector<1000x64xf32>
    %get3A_38 = arith.constant 0 : index
    %get3A_39 = arith.constant 0 : index
    %get3A_40 = vector.load %arg10[%get3A_38, %get3A_39] : memref<64x64xf32, #tpu.memory_space<vmem>>, vector<64x64xf32>
    %dot_general3A_41 = arith.constant dense<0.000000e+00> : vector<1000x64xf32>
    %dot_general3A_42 = tpu.matmul %max3A_37, %get3A_40, %dot_general3A_41 {dimension_numbers = #tpu.dot_dimension_numbers<[1], [0], [0], [1], [0, 0, 1, 1], [], []>, transpose_lhs_hint = false} : vector<1000x64xf32>, vector<64x64xf32>, vector<1000x64xf32> -> vector<1000x64xf32>
    %get3A_43 = arith.constant 0 : index
    %get3A_44 = arith.constant 0 : index
    %get3A_45 = vector.load %arg11[%get3A_43, %get3A_44] : memref<1x64xf32, #tpu.memory_space<vmem>>, vector<1x64xf32>
    %add3A_46 = vector.broadcast %get3A_45 : vector<1x64xf32> to vector<1000x64xf32>
    %add3A_47 = arith.addf %dot_general3A_42, %add3A_46 : vector<1000x64xf32>
    %max3A_48 = arith.constant 0.000000e+00 : f32
    %max3A_49 = vector.broadcast %max3A_48 : f32 to vector<1000x64xf32>
    %max3A_50 = arith.maximumf %add3A_47, %max3A_49 : vector<1000x64xf32>
    %get3A_51 = arith.constant 0 : index
    %get3A_52 = arith.constant 0 : index
    %get3A_53 = vector.load %arg12[%get3A_51, %get3A_52] : memref<64x64xf32, #tpu.memory_space<vmem>>, vector<64x64xf32>
    %dot_general3A_54 = arith.constant dense<0.000000e+00> : vector<1000x64xf32>
    %dot_general3A_55 = tpu.matmul %max3A_50, %get3A_53, %dot_general3A_54 {dimension_numbers = #tpu.dot_dimension_numbers<[1], [0], [0], [1], [0, 0, 1, 1], [], []>, transpose_lhs_hint = false} : vector<1000x64xf32>, vector<64x64xf32>, vector<1000x64xf32> -> vector<1000x64xf32>
    %get3A_56 = arith.constant 0 : index
    %get3A_57 = arith.constant 0 : index
    %get3A_58 = vector.load %arg13[%get3A_56, %get3A_57] : memref<1x64xf32, #tpu.memory_space<vmem>>, vector<1x64xf32>
    %add3A_59 = vector.broadcast %get3A_58 : vector<1x64xf32> to vector<1000x64xf32>
    %add3A_60 = arith.addf %dot_general3A_55, %add3A_59 : vector<1000x64xf32>
    %max3A_61 = arith.constant 0.000000e+00 : f32
    %max3A_62 = vector.broadcast %max3A_61 : f32 to vector<1000x64xf32>
    %max3A_63 = arith.maximumf %add3A_60, %max3A_62 : vector<1000x64xf32>
    %get3A_64 = arith.constant 0 : index
    %get3A_65 = arith.constant 0 : index
    %get3A_66 = vector.load %arg14[%get3A_64, %get3A_65] : memref<64x32xf32, #tpu.memory_space<vmem>>, vector<64x32xf32>
    %dot_general3A_67 = arith.constant dense<0.000000e+00> : vector<1000x32xf32>
    %dot_general3A_68 = tpu.matmul %max3A_63, %get3A_66, %dot_general3A_67 {dimension_numbers = #tpu.dot_dimension_numbers<[1], [0], [0], [1], [0, 0, 1, 1], [], []>, transpose_lhs_hint = false} : vector<1000x64xf32>, vector<64x32xf32>, vector<1000x32xf32> -> vector<1000x32xf32>
    %get3A_69 = arith.constant 0 : index
    %get3A_70 = arith.constant 0 : index
    %get3A_71 = vector.load %arg15[%get3A_69, %get3A_70] : memref<1x32xf32, #tpu.memory_space<vmem>>, vector<1x32xf32>
    %add3A_72 = vector.broadcast %get3A_71 : vector<1x32xf32> to vector<1000x32xf32>
    %add3A_73 = arith.addf %dot_general3A_68, %add3A_72 : vector<1000x32xf32>
    %max3A_74 = arith.constant 0.000000e+00 : f32
    %max3A_75 = vector.broadcast %max3A_74 : f32 to vector<1000x32xf32>
    %max3A_76 = arith.maximumf %add3A_73, %max3A_75 : vector<1000x32xf32>
    %get3A_77 = arith.constant 0 : index
    %get3A_78 = arith.constant 0 : index
    %get3A_79 = vector.load %arg16[%get3A_77, %get3A_78] : memref<32x16xf32, #tpu.memory_space<vmem>>, vector<32x16xf32>
    %dot_general3A_80 = arith.constant dense<0.000000e+00> : vector<1000x16xf32>
    %dot_general3A_81 = tpu.matmul %max3A_76, %get3A_79, %dot_general3A_80 {dimension_numbers = #tpu.dot_dimension_numbers<[1], [0], [0], [1], [0, 0, 1, 1], [], []>, transpose_lhs_hint = false} : vector<1000x32xf32>, vector<32x16xf32>, vector<1000x16xf32> -> vector<1000x16xf32>
    %get3A_82 = arith.constant 0 : index
    %get3A_83 = arith.constant 0 : index
    %get3A_84 = vector.load %arg17[%get3A_82, %get3A_83] : memref<1x16xf32, #tpu.memory_space<vmem>>, vector<1x16xf32>
    %add3A_85 = vector.broadcast %get3A_84 : vector<1x16xf32> to vector<1000x16xf32>
    %add3A_86 = arith.addf %dot_general3A_81, %add3A_85 : vector<1000x16xf32>
    %add3A_87 = arith.addf %broadcast_in_dim3A_10, %add3A_86 : vector<1000x16xf32>
    %add3A_88 = arith.addf %slice3A_13, %get3A_4 : vector<1000x32xf32>
    %max3A_89 = arith.constant 0.000000e+00 : f32
    %max3A_90 = vector.broadcast %max3A_89 : f32 to vector<1000x32xf32>
    %max3A_91 = arith.maximumf %add3A_88, %max3A_90 : vector<1000x32xf32>
    %get3A_92 = arith.constant 0 : index
    %get3A_93 = arith.constant 0 : index
    %get3A_94 = vector.load %arg18[%get3A_92, %get3A_93] : memref<32x64xf32, #tpu.memory_space<vmem>>, vector<32x64xf32>
    %dot_general3A_95 = arith.constant dense<0.000000e+00> : vector<1000x64xf32>
    %dot_general3A_96 = tpu.matmul %max3A_91, %get3A_94, %dot_general3A_95 {dimension_numbers = #tpu.dot_dimension_numbers<[1], [0], [0], [1], [0, 0, 1, 1], [], []>, transpose_lhs_hint = false} : vector<1000x32xf32>, vector<32x64xf32>, vector<1000x64xf32> -> vector<1000x64xf32>
    %get3A_97 = arith.constant 0 : index
    %get3A_98 = arith.constant 0 : index
    %get3A_99 = vector.load %arg19[%get3A_97, %get3A_98] : memref<1x64xf32, #tpu.memory_space<vmem>>, vector<1x64xf32>
    %add3A_100 = vector.broadcast %get3A_99 : vector<1x64xf32> to vector<1000x64xf32>
    %add3A_101 = arith.addf %dot_general3A_96, %add3A_100 : vector<1000x64xf32>
    %max3A_102 = arith.constant 0.000000e+00 : f32
    %max3A_103 = vector.broadcast %max3A_102 : f32 to vector<1000x64xf32>
    %max3A_104 = arith.maximumf %add3A_101, %max3A_103 : vector<1000x64xf32>
    %get3A_105 = arith.constant 0 : index
    %get3A_106 = arith.constant 0 : index
    %get3A_107 = vector.load %arg20[%get3A_105, %get3A_106] : memref<64x64xf32, #tpu.memory_space<vmem>>, vector<64x64xf32>
    %dot_general3A_108 = arith.constant dense<0.000000e+00> : vector<1000x64xf32>
    %dot_general3A_109 = tpu.matmul %max3A_104, %get3A_107, %dot_general3A_108 {dimension_numbers = #tpu.dot_dimension_numbers<[1], [0], [0], [1], [0, 0, 1, 1], [], []>, transpose_lhs_hint = false} : vector<1000x64xf32>, vector<64x64xf32>, vector<1000x64xf32> -> vector<1000x64xf32>
    %get3A_110 = arith.constant 0 : index
    %get3A_111 = arith.constant 0 : index
    %get3A_112 = vector.load %arg21[%get3A_110, %get3A_111] : memref<1x64xf32, #tpu.memory_space<vmem>>, vector<1x64xf32>
    %add3A_113 = vector.broadcast %get3A_112 : vector<1x64xf32> to vector<1000x64xf32>
    %add3A_114 = arith.addf %dot_general3A_109, %add3A_113 : vector<1000x64xf32>
    %max3A_115 = arith.constant 0.000000e+00 : f32
    %max3A_116 = vector.broadcast %max3A_115 : f32 to vector<1000x64xf32>
    %max3A_117 = arith.maximumf %add3A_114, %max3A_116 : vector<1000x64xf32>
    %get3A_118 = arith.constant 0 : index
    %get3A_119 = arith.constant 0 : index
    %get3A_120 = vector.load %arg22[%get3A_118, %get3A_119] : memref<64x64xf32, #tpu.memory_space<vmem>>, vector<64x64xf32>
    %dot_general3A_121 = arith.constant dense<0.000000e+00> : vector<1000x64xf32>
    %dot_general3A_122 = tpu.matmul %max3A_117, %get3A_120, %dot_general3A_121 {dimension_numbers = #tpu.dot_dimension_numbers<[1], [0], [0], [1], [0, 0, 1, 1], [], []>, transpose_lhs_hint = false} : vector<1000x64xf32>, vector<64x64xf32>, vector<1000x64xf32> -> vector<1000x64xf32>
    %get3A_123 = arith.constant 0 : index
    %get3A_124 = arith.constant 0 : index
    %get3A_125 = vector.load %arg23[%get3A_123, %get3A_124] : memref<1x64xf32, #tpu.memory_space<vmem>>, vector<1x64xf32>
    %add3A_126 = vector.broadcast %get3A_125 : vector<1x64xf32> to vector<1000x64xf32>
    %add3A_127 = arith.addf %dot_general3A_122, %add3A_126 : vector<1000x64xf32>
    %max3A_128 = arith.constant 0.000000e+00 : f32
    %max3A_129 = vector.broadcast %max3A_128 : f32 to vector<1000x64xf32>
    %max3A_130 = arith.maximumf %add3A_127, %max3A_129 : vector<1000x64xf32>
    %get3A_131 = arith.constant 0 : index
    %get3A_132 = arith.constant 0 : index
    %get3A_133 = vector.load %arg24[%get3A_131, %get3A_132] : memref<64x32xf32, #tpu.memory_space<vmem>>, vector<64x32xf32>
    %dot_general3A_134 = arith.constant dense<0.000000e+00> : vector<1000x32xf32>
    %dot_general3A_135 = tpu.matmul %max3A_130, %get3A_133, %dot_general3A_134 {dimension_numbers = #tpu.dot_dimension_numbers<[1], [0], [0], [1], [0, 0, 1, 1], [], []>, transpose_lhs_hint = false} : vector<1000x64xf32>, vector<64x32xf32>, vector<1000x32xf32> -> vector<1000x32xf32>
    %get3A_136 = arith.constant 0 : index
    %get3A_137 = arith.constant 0 : index
    %get3A_138 = vector.load %arg25[%get3A_136, %get3A_137] : memref<1x32xf32, #tpu.memory_space<vmem>>, vector<1x32xf32>
    %add3A_139 = vector.broadcast %get3A_138 : vector<1x32xf32> to vector<1000x32xf32>
    %add3A_140 = arith.addf %dot_general3A_135, %add3A_139 : vector<1000x32xf32>
    %max3A_141 = arith.constant 0.000000e+00 : f32
    %max3A_142 = vector.broadcast %max3A_141 : f32 to vector<1000x32xf32>
    %max3A_143 = arith.maximumf %add3A_140, %max3A_142 : vector<1000x32xf32>
    %get3A_144 = arith.constant 0 : index
    %get3A_145 = arith.constant 0 : index
    %get3A_146 = vector.load %arg26[%get3A_144, %get3A_145] : memref<32x1xf32, #tpu.memory_space<vmem>>, vector<32x1xf32>
    %dot_general3A_147 = arith.constant dense<0.000000e+00> : vector<1000x1xf32>
    %dot_general3A_148 = tpu.matmul %max3A_143, %get3A_146, %dot_general3A_147 {dimension_numbers = #tpu.dot_dimension_numbers<[1], [0], [0], [1], [0, 0, 1, 1], [], []>, transpose_lhs_hint = false} : vector<1000x32xf32>, vector<32x1xf32>, vector<1000x1xf32> -> vector<1000x1xf32>
    %get3A_149 = arith.constant 0 : index
    %get3A_150 = arith.constant 0 : index
    %get3A_151 = vector.load %arg27[%get3A_149, %get3A_150] : memref<1x1xf32, #tpu.memory_space<vmem>>, vector<1x1xf32>
    %add3A_152 = vector.broadcast %get3A_151 : vector<1x1xf32> to vector<1000x1xf32>
    %add3A_153 = arith.addf %dot_general3A_148, %add3A_152 : vector<1000x1xf32>
    %slice3A_154 = vector.extract_strided_slice %reshape3A {offsets = [0, 1, 0], sizes = [1000, 1, 256], strides = [1, 1, 1]} : vector<1000x4x256xf32> to vector<1000x1x256xf32>
    %squeeze3A_155 = vector.shape_cast %slice3A_154 : vector<1000x1x256xf32> to vector<1000x256xf32>
    %slice3A_156 = vector.extract_strided_slice %squeeze3A_155 {offsets = [0, 0], sizes = [1000, 128], strides = [1, 1]} : vector<1000x256xf32> to vector<1000x128xf32>
    %slice3A_157 = vector.extract_strided_slice %squeeze3A_155 {offsets = [0, 128], sizes = [1000, 16], strides = [1, 1]} : vector<1000x256xf32> to vector<1000x16xf32>
    %slice3A_158 = vector.extract_strided_slice %squeeze3A_155 {offsets = [0, 144], sizes = [1000, 32], strides = [1, 1]} : vector<1000x256xf32> to vector<1000x32xf32>
    %add3A_159 = arith.addf %add3A, %slice3A_156 : vector<1000x128xf32>
    %sub3A_160 = arith.subf %get3A_1, %slice3A_157 : vector<1000x16xf32>
    %get3A_161 = arith.constant 0 : index
    %get3A_162 = arith.constant 0 : index
    %get3A_163 = vector.load %arg6[%get3A_161, %get3A_162] : memref<16x32xf32, #tpu.memory_space<vmem>>, vector<16x32xf32>
    %dot_general3A_164 = arith.constant dense<0.000000e+00> : vector<1000x32xf32>
    %dot_general3A_165 = tpu.matmul %sub3A_160, %get3A_163, %dot_general3A_164 {dimension_numbers = #tpu.dot_dimension_numbers<[1], [0], [0], [1], [0, 0, 1, 1], [], []>, transpose_lhs_hint = false} : vector<1000x16xf32>, vector<16x32xf32>, vector<1000x32xf32> -> vector<1000x32xf32>
    %get3A_166 = arith.constant 0 : index
    %get3A_167 = arith.constant 0 : index
    %get3A_168 = vector.load %arg7[%get3A_166, %get3A_167] : memref<1x32xf32, #tpu.memory_space<vmem>>, vector<1x32xf32>
    %add3A_169 = vector.broadcast %get3A_168 : vector<1x32xf32> to vector<1000x32xf32>
    %add3A_170 = arith.addf %dot_general3A_165, %add3A_169 : vector<1000x32xf32>
    %max3A_171 = arith.constant 0.000000e+00 : f32
    %max3A_172 = vector.broadcast %max3A_171 : f32 to vector<1000x32xf32>
    %max3A_173 = arith.maximumf %add3A_170, %max3A_172 : vector<1000x32xf32>
    %get3A_174 = arith.constant 0 : index
    %get3A_175 = arith.constant 0 : index
    %get3A_176 = vector.load %arg8[%get3A_174, %get3A_175] : memref<32x64xf32, #tpu.memory_space<vmem>>, vector<32x64xf32>
    %dot_general3A_177 = arith.constant dense<0.000000e+00> : vector<1000x64xf32>
    %dot_general3A_178 = tpu.matmul %max3A_173, %get3A_176, %dot_general3A_177 {dimension_numbers = #tpu.dot_dimension_numbers<[1], [0], [0], [1], [0, 0, 1, 1], [], []>, transpose_lhs_hint = false} : vector<1000x32xf32>, vector<32x64xf32>, vector<1000x64xf32> -> vector<1000x64xf32>
    %get3A_179 = arith.constant 0 : index
    %get3A_180 = arith.constant 0 : index
    %get3A_181 = vector.load %arg9[%get3A_179, %get3A_180] : memref<1x64xf32, #tpu.memory_space<vmem>>, vector<1x64xf32>
    %add3A_182 = vector.broadcast %get3A_181 : vector<1x64xf32> to vector<1000x64xf32>
    %add3A_183 = arith.addf %dot_general3A_178, %add3A_182 : vector<1000x64xf32>
    %max3A_184 = arith.constant 0.000000e+00 : f32
    %max3A_185 = vector.broadcast %max3A_184 : f32 to vector<1000x64xf32>
    %max3A_186 = arith.maximumf %add3A_183, %max3A_185 : vector<1000x64xf32>
    %get3A_187 = arith.constant 0 : index
    %get3A_188 = arith.constant 0 : index
    %get3A_189 = vector.load %arg10[%get3A_187, %get3A_188] : memref<64x64xf32, #tpu.memory_space<vmem>>, vector<64x64xf32>
    %dot_general3A_190 = arith.constant dense<0.000000e+00> : vector<1000x64xf32>
    %dot_general3A_191 = tpu.matmul %max3A_186, %get3A_189, %dot_general3A_190 {dimension_numbers = #tpu.dot_dimension_numbers<[1], [0], [0], [1], [0, 0, 1, 1], [], []>, transpose_lhs_hint = false} : vector<1000x64xf32>, vector<64x64xf32>, vector<1000x64xf32> -> vector<1000x64xf32>
    %get3A_192 = arith.constant 0 : index
    %get3A_193 = arith.constant 0 : index
    %get3A_194 = vector.load %arg11[%get3A_192, %get3A_193] : memref<1x64xf32, #tpu.memory_space<vmem>>, vector<1x64xf32>
    %add3A_195 = vector.broadcast %get3A_194 : vector<1x64xf32> to vector<1000x64xf32>
    %add3A_196 = arith.addf %dot_general3A_191, %add3A_195 : vector<1000x64xf32>
    %max3A_197 = arith.constant 0.000000e+00 : f32
    %max3A_198 = vector.broadcast %max3A_197 : f32 to vector<1000x64xf32>
    %max3A_199 = arith.maximumf %add3A_196, %max3A_198 : vector<1000x64xf32>
    %get3A_200 = arith.constant 0 : index
    %get3A_201 = arith.constant 0 : index
    %get3A_202 = vector.load %arg12[%get3A_200, %get3A_201] : memref<64x64xf32, #tpu.memory_space<vmem>>, vector<64x64xf32>
    %dot_general3A_203 = arith.constant dense<0.000000e+00> : vector<1000x64xf32>
    %dot_general3A_204 = tpu.matmul %max3A_199, %get3A_202, %dot_general3A_203 {dimension_numbers = #tpu.dot_dimension_numbers<[1], [0], [0], [1], [0, 0, 1, 1], [], []>, transpose_lhs_hint = false} : vector<1000x64xf32>, vector<64x64xf32>, vector<1000x64xf32> -> vector<1000x64xf32>
    %get3A_205 = arith.constant 0 : index
    %get3A_206 = arith.constant 0 : index
    %get3A_207 = vector.load %arg13[%get3A_205, %get3A_206] : memref<1x64xf32, #tpu.memory_space<vmem>>, vector<1x64xf32>
    %add3A_208 = vector.broadcast %get3A_207 : vector<1x64xf32> to vector<1000x64xf32>
    %add3A_209 = arith.addf %dot_general3A_204, %add3A_208 : vector<1000x64xf32>
    %max3A_210 = arith.constant 0.000000e+00 : f32
    %max3A_211 = vector.broadcast %max3A_210 : f32 to vector<1000x64xf32>
    %max3A_212 = arith.maximumf %add3A_209, %max3A_211 : vector<1000x64xf32>
    %get3A_213 = arith.constant 0 : index
    %get3A_214 = arith.constant 0 : index
    %get3A_215 = vector.load %arg14[%get3A_213, %get3A_214] : memref<64x32xf32, #tpu.memory_space<vmem>>, vector<64x32xf32>
    %dot_general3A_216 = arith.constant dense<0.000000e+00> : vector<1000x32xf32>
    %dot_general3A_217 = tpu.matmul %max3A_212, %get3A_215, %dot_general3A_216 {dimension_numbers = #tpu.dot_dimension_numbers<[1], [0], [0], [1], [0, 0, 1, 1], [], []>, transpose_lhs_hint = false} : vector<1000x64xf32>, vector<64x32xf32>, vector<1000x32xf32> -> vector<1000x32xf32>
    %get3A_218 = arith.constant 0 : index
    %get3A_219 = arith.constant 0 : index
    %get3A_220 = vector.load %arg15[%get3A_218, %get3A_219] : memref<1x32xf32, #tpu.memory_space<vmem>>, vector<1x32xf32>
    %add3A_221 = vector.broadcast %get3A_220 : vector<1x32xf32> to vector<1000x32xf32>
    %add3A_222 = arith.addf %dot_general3A_217, %add3A_221 : vector<1000x32xf32>
    %max3A_223 = arith.constant 0.000000e+00 : f32
    %max3A_224 = vector.broadcast %max3A_223 : f32 to vector<1000x32xf32>
    %max3A_225 = arith.maximumf %add3A_222, %max3A_224 : vector<1000x32xf32>
    %get3A_226 = arith.constant 0 : index
    %get3A_227 = arith.constant 0 : index
    %get3A_228 = vector.load %arg16[%get3A_226, %get3A_227] : memref<32x16xf32, #tpu.memory_space<vmem>>, vector<32x16xf32>
    %dot_general3A_229 = arith.constant dense<0.000000e+00> : vector<1000x16xf32>
    %dot_general3A_230 = tpu.matmul %max3A_225, %get3A_228, %dot_general3A_229 {dimension_numbers = #tpu.dot_dimension_numbers<[1], [0], [0], [1], [0, 0, 1, 1], [], []>, transpose_lhs_hint = false} : vector<1000x32xf32>, vector<32x16xf32>, vector<1000x16xf32> -> vector<1000x16xf32>
    %get3A_231 = arith.constant 0 : index
    %get3A_232 = arith.constant 0 : index
    %get3A_233 = vector.load %arg17[%get3A_231, %get3A_232] : memref<1x16xf32, #tpu.memory_space<vmem>>, vector<1x16xf32>
    %add3A_234 = vector.broadcast %get3A_233 : vector<1x16xf32> to vector<1000x16xf32>
    %add3A_235 = arith.addf %dot_general3A_230, %add3A_234 : vector<1000x16xf32>
    %add3A_236 = arith.addf %add3A_87, %add3A_235 : vector<1000x16xf32>
    %add3A_237 = arith.addf %slice3A_158, %get3A_4 : vector<1000x32xf32>
    %max3A_238 = arith.constant 0.000000e+00 : f32
    %max3A_239 = vector.broadcast %max3A_238 : f32 to vector<1000x32xf32>
    %max3A_240 = arith.maximumf %add3A_237, %max3A_239 : vector<1000x32xf32>
    %get3A_241 = arith.constant 0 : index
    %get3A_242 = arith.constant 0 : index
    %get3A_243 = vector.load %arg18[%get3A_241, %get3A_242] : memref<32x64xf32, #tpu.memory_space<vmem>>, vector<32x64xf32>
    %dot_general3A_244 = arith.constant dense<0.000000e+00> : vector<1000x64xf32>
    %dot_general3A_245 = tpu.matmul %max3A_240, %get3A_243, %dot_general3A_244 {dimension_numbers = #tpu.dot_dimension_numbers<[1], [0], [0], [1], [0, 0, 1, 1], [], []>, transpose_lhs_hint = false} : vector<1000x32xf32>, vector<32x64xf32>, vector<1000x64xf32> -> vector<1000x64xf32>
    %get3A_246 = arith.constant 0 : index
    %get3A_247 = arith.constant 0 : index
    %get3A_248 = vector.load %arg19[%get3A_246, %get3A_247] : memref<1x64xf32, #tpu.memory_space<vmem>>, vector<1x64xf32>
    %add3A_249 = vector.broadcast %get3A_248 : vector<1x64xf32> to vector<1000x64xf32>
    %add3A_250 = arith.addf %dot_general3A_245, %add3A_249 : vector<1000x64xf32>
    %max3A_251 = arith.constant 0.000000e+00 : f32
    %max3A_252 = vector.broadcast %max3A_251 : f32 to vector<1000x64xf32>
    %max3A_253 = arith.maximumf %add3A_250, %max3A_252 : vector<1000x64xf32>
    %get3A_254 = arith.constant 0 : index
    %get3A_255 = arith.constant 0 : index
    %get3A_256 = vector.load %arg20[%get3A_254, %get3A_255] : memref<64x64xf32, #tpu.memory_space<vmem>>, vector<64x64xf32>
    %dot_general3A_257 = arith.constant dense<0.000000e+00> : vector<1000x64xf32>
    %dot_general3A_258 = tpu.matmul %max3A_253, %get3A_256, %dot_general3A_257 {dimension_numbers = #tpu.dot_dimension_numbers<[1], [0], [0], [1], [0, 0, 1, 1], [], []>, transpose_lhs_hint = false} : vector<1000x64xf32>, vector<64x64xf32>, vector<1000x64xf32> -> vector<1000x64xf32>
    %get3A_259 = arith.constant 0 : index
    %get3A_260 = arith.constant 0 : index
    %get3A_261 = vector.load %arg21[%get3A_259, %get3A_260] : memref<1x64xf32, #tpu.memory_space<vmem>>, vector<1x64xf32>
    %add3A_262 = vector.broadcast %get3A_261 : vector<1x64xf32> to vector<1000x64xf32>
    %add3A_263 = arith.addf %dot_general3A_258, %add3A_262 : vector<1000x64xf32>
    %max3A_264 = arith.constant 0.000000e+00 : f32
    %max3A_265 = vector.broadcast %max3A_264 : f32 to vector<1000x64xf32>
    %max3A_266 = arith.maximumf %add3A_263, %max3A_265 : vector<1000x64xf32>
    %get3A_267 = arith.constant 0 : index
    %get3A_268 = arith.constant 0 : index
    %get3A_269 = vector.load %arg22[%get3A_267, %get3A_268] : memref<64x64xf32, #tpu.memory_space<vmem>>, vector<64x64xf32>
    %dot_general3A_270 = arith.constant dense<0.000000e+00> : vector<1000x64xf32>
    %dot_general3A_271 = tpu.matmul %max3A_266, %get3A_269, %dot_general3A_270 {dimension_numbers = #tpu.dot_dimension_numbers<[1], [0], [0], [1], [0, 0, 1, 1], [], []>, transpose_lhs_hint = false} : vector<1000x64xf32>, vector<64x64xf32>, vector<1000x64xf32> -> vector<1000x64xf32>
    %get3A_272 = arith.constant 0 : index
    %get3A_273 = arith.constant 0 : index
    %get3A_274 = vector.load %arg23[%get3A_272, %get3A_273] : memref<1x64xf32, #tpu.memory_space<vmem>>, vector<1x64xf32>
    %add3A_275 = vector.broadcast %get3A_274 : vector<1x64xf32> to vector<1000x64xf32>
    %add3A_276 = arith.addf %dot_general3A_271, %add3A_275 : vector<1000x64xf32>
    %max3A_277 = arith.constant 0.000000e+00 : f32
    %max3A_278 = vector.broadcast %max3A_277 : f32 to vector<1000x64xf32>
    %max3A_279 = arith.maximumf %add3A_276, %max3A_278 : vector<1000x64xf32>
    %get3A_280 = arith.constant 0 : index
    %get3A_281 = arith.constant 0 : index
    %get3A_282 = vector.load %arg24[%get3A_280, %get3A_281] : memref<64x32xf32, #tpu.memory_space<vmem>>, vector<64x32xf32>
    %dot_general3A_283 = arith.constant dense<0.000000e+00> : vector<1000x32xf32>
    %dot_general3A_284 = tpu.matmul %max3A_279, %get3A_282, %dot_general3A_283 {dimension_numbers = #tpu.dot_dimension_numbers<[1], [0], [0], [1], [0, 0, 1, 1], [], []>, transpose_lhs_hint = false} : vector<1000x64xf32>, vector<64x32xf32>, vector<1000x32xf32> -> vector<1000x32xf32>
    %get3A_285 = arith.constant 0 : index
    %get3A_286 = arith.constant 0 : index
    %get3A_287 = vector.load %arg25[%get3A_285, %get3A_286] : memref<1x32xf32, #tpu.memory_space<vmem>>, vector<1x32xf32>
    %add3A_288 = vector.broadcast %get3A_287 : vector<1x32xf32> to vector<1000x32xf32>
    %add3A_289 = arith.addf %dot_general3A_284, %add3A_288 : vector<1000x32xf32>
    %max3A_290 = arith.constant 0.000000e+00 : f32
    %max3A_291 = vector.broadcast %max3A_290 : f32 to vector<1000x32xf32>
    %max3A_292 = arith.maximumf %add3A_289, %max3A_291 : vector<1000x32xf32>
    %get3A_293 = arith.constant 0 : index
    %get3A_294 = arith.constant 0 : index
    %get3A_295 = vector.load %arg26[%get3A_293, %get3A_294] : memref<32x1xf32, #tpu.memory_space<vmem>>, vector<32x1xf32>
    %dot_general3A_296 = arith.constant dense<0.000000e+00> : vector<1000x1xf32>
    %dot_general3A_297 = tpu.matmul %max3A_292, %get3A_295, %dot_general3A_296 {dimension_numbers = #tpu.dot_dimension_numbers<[1], [0], [0], [1], [0, 0, 1, 1], [], []>, transpose_lhs_hint = false} : vector<1000x32xf32>, vector<32x1xf32>, vector<1000x1xf32> -> vector<1000x1xf32>
    %get3A_298 = arith.constant 0 : index
    %get3A_299 = arith.constant 0 : index
    %get3A_300 = vector.load %arg27[%get3A_298, %get3A_299] : memref<1x1xf32, #tpu.memory_space<vmem>>, vector<1x1xf32>
    %add3A_301 = vector.broadcast %get3A_300 : vector<1x1xf32> to vector<1000x1xf32>
    %add3A_302 = arith.addf %dot_general3A_297, %add3A_301 : vector<1000x1xf32>
    %slice3A_303 = vector.extract_strided_slice %reshape3A {offsets = [0, 2, 0], sizes = [1000, 1, 256], strides = [1, 1, 1]} : vector<1000x4x256xf32> to vector<1000x1x256xf32>
    %squeeze3A_304 = vector.shape_cast %slice3A_303 : vector<1000x1x256xf32> to vector<1000x256xf32>
    %slice3A_305 = vector.extract_strided_slice %squeeze3A_304 {offsets = [0, 0], sizes = [1000, 128], strides = [1, 1]} : vector<1000x256xf32> to vector<1000x128xf32>
    %slice3A_306 = vector.extract_strided_slice %squeeze3A_304 {offsets = [0, 128], sizes = [1000, 16], strides = [1, 1]} : vector<1000x256xf32> to vector<1000x16xf32>
    %slice3A_307 = vector.extract_strided_slice %squeeze3A_304 {offsets = [0, 144], sizes = [1000, 32], strides = [1, 1]} : vector<1000x256xf32> to vector<1000x32xf32>
    %add3A_308 = arith.addf %add3A_159, %slice3A_305 : vector<1000x128xf32>
    %sub3A_309 = arith.subf %get3A_1, %slice3A_306 : vector<1000x16xf32>
    %get3A_310 = arith.constant 0 : index
    %get3A_311 = arith.constant 0 : index
    %get3A_312 = vector.load %arg6[%get3A_310, %get3A_311] : memref<16x32xf32, #tpu.memory_space<vmem>>, vector<16x32xf32>
    %dot_general3A_313 = arith.constant dense<0.000000e+00> : vector<1000x32xf32>
    %dot_general3A_314 = tpu.matmul %sub3A_309, %get3A_312, %dot_general3A_313 {dimension_numbers = #tpu.dot_dimension_numbers<[1], [0], [0], [1], [0, 0, 1, 1], [], []>, transpose_lhs_hint = false} : vector<1000x16xf32>, vector<16x32xf32>, vector<1000x32xf32> -> vector<1000x32xf32>
    %get3A_315 = arith.constant 0 : index
    %get3A_316 = arith.constant 0 : index
    %get3A_317 = vector.load %arg7[%get3A_315, %get3A_316] : memref<1x32xf32, #tpu.memory_space<vmem>>, vector<1x32xf32>
    %add3A_318 = vector.broadcast %get3A_317 : vector<1x32xf32> to vector<1000x32xf32>
    %add3A_319 = arith.addf %dot_general3A_314, %add3A_318 : vector<1000x32xf32>
    %max3A_320 = arith.constant 0.000000e+00 : f32
    %max3A_321 = vector.broadcast %max3A_320 : f32 to vector<1000x32xf32>
    %max3A_322 = arith.maximumf %add3A_319, %max3A_321 : vector<1000x32xf32>
    %get3A_323 = arith.constant 0 : index
    %get3A_324 = arith.constant 0 : index
    %get3A_325 = vector.load %arg8[%get3A_323, %get3A_324] : memref<32x64xf32, #tpu.memory_space<vmem>>, vector<32x64xf32>
    %dot_general3A_326 = arith.constant dense<0.000000e+00> : vector<1000x64xf32>
    %dot_general3A_327 = tpu.matmul %max3A_322, %get3A_325, %dot_general3A_326 {dimension_numbers = #tpu.dot_dimension_numbers<[1], [0], [0], [1], [0, 0, 1, 1], [], []>, transpose_lhs_hint = false} : vector<1000x32xf32>, vector<32x64xf32>, vector<1000x64xf32> -> vector<1000x64xf32>
    %get3A_328 = arith.constant 0 : index
    %get3A_329 = arith.constant 0 : index
    %get3A_330 = vector.load %arg9[%get3A_328, %get3A_329] : memref<1x64xf32, #tpu.memory_space<vmem>>, vector<1x64xf32>
    %add3A_331 = vector.broadcast %get3A_330 : vector<1x64xf32> to vector<1000x64xf32>
    %add3A_332 = arith.addf %dot_general3A_327, %add3A_331 : vector<1000x64xf32>
    %max3A_333 = arith.constant 0.000000e+00 : f32
    %max3A_334 = vector.broadcast %max3A_333 : f32 to vector<1000x64xf32>
    %max3A_335 = arith.maximumf %add3A_332, %max3A_334 : vector<1000x64xf32>
    %get3A_336 = arith.constant 0 : index
    %get3A_337 = arith.constant 0 : index
    %get3A_338 = vector.load %arg10[%get3A_336, %get3A_337] : memref<64x64xf32, #tpu.memory_space<vmem>>, vector<64x64xf32>
    %dot_general3A_339 = arith.constant dense<0.000000e+00> : vector<1000x64xf32>
    %dot_general3A_340 = tpu.matmul %max3A_335, %get3A_338, %dot_general3A_339 {dimension_numbers = #tpu.dot_dimension_numbers<[1], [0], [0], [1], [0, 0, 1, 1], [], []>, transpose_lhs_hint = false} : vector<1000x64xf32>, vector<64x64xf32>, vector<1000x64xf32> -> vector<1000x64xf32>
    %get3A_341 = arith.constant 0 : index
    %get3A_342 = arith.constant 0 : index
    %get3A_343 = vector.load %arg11[%get3A_341, %get3A_342] : memref<1x64xf32, #tpu.memory_space<vmem>>, vector<1x64xf32>
    %add3A_344 = vector.broadcast %get3A_343 : vector<1x64xf32> to vector<1000x64xf32>
    %add3A_345 = arith.addf %dot_general3A_340, %add3A_344 : vector<1000x64xf32>
    %max3A_346 = arith.constant 0.000000e+00 : f32
    %max3A_347 = vector.broadcast %max3A_346 : f32 to vector<1000x64xf32>
    %max3A_348 = arith.maximumf %add3A_345, %max3A_347 : vector<1000x64xf32>
    %get3A_349 = arith.constant 0 : index
    %get3A_350 = arith.constant 0 : index
    %get3A_351 = vector.load %arg12[%get3A_349, %get3A_350] : memref<64x64xf32, #tpu.memory_space<vmem>>, vector<64x64xf32>
    %dot_general3A_352 = arith.constant dense<0.000000e+00> : vector<1000x64xf32>
    %dot_general3A_353 = tpu.matmul %max3A_348, %get3A_351, %dot_general3A_352 {dimension_numbers = #tpu.dot_dimension_numbers<[1], [0], [0], [1], [0, 0, 1, 1], [], []>, transpose_lhs_hint = false} : vector<1000x64xf32>, vector<64x64xf32>, vector<1000x64xf32> -> vector<1000x64xf32>
    %get3A_354 = arith.constant 0 : index
    %get3A_355 = arith.constant 0 : index
    %get3A_356 = vector.load %arg13[%get3A_354, %get3A_355] : memref<1x64xf32, #tpu.memory_space<vmem>>, vector<1x64xf32>
    %add3A_357 = vector.broadcast %get3A_356 : vector<1x64xf32> to vector<1000x64xf32>
    %add3A_358 = arith.addf %dot_general3A_353, %add3A_357 : vector<1000x64xf32>
    %max3A_359 = arith.constant 0.000000e+00 : f32
    %max3A_360 = vector.broadcast %max3A_359 : f32 to vector<1000x64xf32>
    %max3A_361 = arith.maximumf %add3A_358, %max3A_360 : vector<1000x64xf32>
    %get3A_362 = arith.constant 0 : index
    %get3A_363 = arith.constant 0 : index
    %get3A_364 = vector.load %arg14[%get3A_362, %get3A_363] : memref<64x32xf32, #tpu.memory_space<vmem>>, vector<64x32xf32>
    %dot_general3A_365 = arith.constant dense<0.000000e+00> : vector<1000x32xf32>
    %dot_general3A_366 = tpu.matmul %max3A_361, %get3A_364, %dot_general3A_365 {dimension_numbers = #tpu.dot_dimension_numbers<[1], [0], [0], [1], [0, 0, 1, 1], [], []>, transpose_lhs_hint = false} : vector<1000x64xf32>, vector<64x32xf32>, vector<1000x32xf32> -> vector<1000x32xf32>
    %get3A_367 = arith.constant 0 : index
    %get3A_368 = arith.constant 0 : index
    %get3A_369 = vector.load %arg15[%get3A_367, %get3A_368] : memref<1x32xf32, #tpu.memory_space<vmem>>, vector<1x32xf32>
    %add3A_370 = vector.broadcast %get3A_369 : vector<1x32xf32> to vector<1000x32xf32>
    %add3A_371 = arith.addf %dot_general3A_366, %add3A_370 : vector<1000x32xf32>
    %max3A_372 = arith.constant 0.000000e+00 : f32
    %max3A_373 = vector.broadcast %max3A_372 : f32 to vector<1000x32xf32>
    %max3A_374 = arith.maximumf %add3A_371, %max3A_373 : vector<1000x32xf32>
    %get3A_375 = arith.constant 0 : index
    %get3A_376 = arith.constant 0 : index
    %get3A_377 = vector.load %arg16[%get3A_375, %get3A_376] : memref<32x16xf32, #tpu.memory_space<vmem>>, vector<32x16xf32>
    %dot_general3A_378 = arith.constant dense<0.000000e+00> : vector<1000x16xf32>
    %dot_general3A_379 = tpu.matmul %max3A_374, %get3A_377, %dot_general3A_378 {dimension_numbers = #tpu.dot_dimension_numbers<[1], [0], [0], [1], [0, 0, 1, 1], [], []>, transpose_lhs_hint = false} : vector<1000x32xf32>, vector<32x16xf32>, vector<1000x16xf32> -> vector<1000x16xf32>
    %get3A_380 = arith.constant 0 : index
    %get3A_381 = arith.constant 0 : index
    %get3A_382 = vector.load %arg17[%get3A_380, %get3A_381] : memref<1x16xf32, #tpu.memory_space<vmem>>, vector<1x16xf32>
    %add3A_383 = vector.broadcast %get3A_382 : vector<1x16xf32> to vector<1000x16xf32>
    %add3A_384 = arith.addf %dot_general3A_379, %add3A_383 : vector<1000x16xf32>
    %add3A_385 = arith.addf %add3A_236, %add3A_384 : vector<1000x16xf32>
    %add3A_386 = arith.addf %slice3A_307, %get3A_4 : vector<1000x32xf32>
    %max3A_387 = arith.constant 0.000000e+00 : f32
    %max3A_388 = vector.broadcast %max3A_387 : f32 to vector<1000x32xf32>
    %max3A_389 = arith.maximumf %add3A_386, %max3A_388 : vector<1000x32xf32>
    %get3A_390 = arith.constant 0 : index
    %get3A_391 = arith.constant 0 : index
    %get3A_392 = vector.load %arg18[%get3A_390, %get3A_391] : memref<32x64xf32, #tpu.memory_space<vmem>>, vector<32x64xf32>
    %dot_general3A_393 = arith.constant dense<0.000000e+00> : vector<1000x64xf32>
    %dot_general3A_394 = tpu.matmul %max3A_389, %get3A_392, %dot_general3A_393 {dimension_numbers = #tpu.dot_dimension_numbers<[1], [0], [0], [1], [0, 0, 1, 1], [], []>, transpose_lhs_hint = false} : vector<1000x32xf32>, vector<32x64xf32>, vector<1000x64xf32> -> vector<1000x64xf32>
    %get3A_395 = arith.constant 0 : index
    %get3A_396 = arith.constant 0 : index
    %get3A_397 = vector.load %arg19[%get3A_395, %get3A_396] : memref<1x64xf32, #tpu.memory_space<vmem>>, vector<1x64xf32>
    %add3A_398 = vector.broadcast %get3A_397 : vector<1x64xf32> to vector<1000x64xf32>
    %add3A_399 = arith.addf %dot_general3A_394, %add3A_398 : vector<1000x64xf32>
    %max3A_400 = arith.constant 0.000000e+00 : f32
    %max3A_401 = vector.broadcast %max3A_400 : f32 to vector<1000x64xf32>
    %max3A_402 = arith.maximumf %add3A_399, %max3A_401 : vector<1000x64xf32>
    %get3A_403 = arith.constant 0 : index
    %get3A_404 = arith.constant 0 : index
    %get3A_405 = vector.load %arg20[%get3A_403, %get3A_404] : memref<64x64xf32, #tpu.memory_space<vmem>>, vector<64x64xf32>
    %dot_general3A_406 = arith.constant dense<0.000000e+00> : vector<1000x64xf32>
    %dot_general3A_407 = tpu.matmul %max3A_402, %get3A_405, %dot_general3A_406 {dimension_numbers = #tpu.dot_dimension_numbers<[1], [0], [0], [1], [0, 0, 1, 1], [], []>, transpose_lhs_hint = false} : vector<1000x64xf32>, vector<64x64xf32>, vector<1000x64xf32> -> vector<1000x64xf32>
    %get3A_408 = arith.constant 0 : index
    %get3A_409 = arith.constant 0 : index
    %get3A_410 = vector.load %arg21[%get3A_408, %get3A_409] : memref<1x64xf32, #tpu.memory_space<vmem>>, vector<1x64xf32>
    %add3A_411 = vector.broadcast %get3A_410 : vector<1x64xf32> to vector<1000x64xf32>
    %add3A_412 = arith.addf %dot_general3A_407, %add3A_411 : vector<1000x64xf32>
    %max3A_413 = arith.constant 0.000000e+00 : f32
    %max3A_414 = vector.broadcast %max3A_413 : f32 to vector<1000x64xf32>
    %max3A_415 = arith.maximumf %add3A_412, %max3A_414 : vector<1000x64xf32>
    %get3A_416 = arith.constant 0 : index
    %get3A_417 = arith.constant 0 : index
    %get3A_418 = vector.load %arg22[%get3A_416, %get3A_417] : memref<64x64xf32, #tpu.memory_space<vmem>>, vector<64x64xf32>
    %dot_general3A_419 = arith.constant dense<0.000000e+00> : vector<1000x64xf32>
    %dot_general3A_420 = tpu.matmul %max3A_415, %get3A_418, %dot_general3A_419 {dimension_numbers = #tpu.dot_dimension_numbers<[1], [0], [0], [1], [0, 0, 1, 1], [], []>, transpose_lhs_hint = false} : vector<1000x64xf32>, vector<64x64xf32>, vector<1000x64xf32> -> vector<1000x64xf32>
    %get3A_421 = arith.constant 0 : index
    %get3A_422 = arith.constant 0 : index
    %get3A_423 = vector.load %arg23[%get3A_421, %get3A_422] : memref<1x64xf32, #tpu.memory_space<vmem>>, vector<1x64xf32>
    %add3A_424 = vector.broadcast %get3A_423 : vector<1x64xf32> to vector<1000x64xf32>
    %add3A_425 = arith.addf %dot_general3A_420, %add3A_424 : vector<1000x64xf32>
    %max3A_426 = arith.constant 0.000000e+00 : f32
    %max3A_427 = vector.broadcast %max3A_426 : f32 to vector<1000x64xf32>
    %max3A_428 = arith.maximumf %add3A_425, %max3A_427 : vector<1000x64xf32>
    %get3A_429 = arith.constant 0 : index
    %get3A_430 = arith.constant 0 : index
    %get3A_431 = vector.load %arg24[%get3A_429, %get3A_430] : memref<64x32xf32, #tpu.memory_space<vmem>>, vector<64x32xf32>
    %dot_general3A_432 = arith.constant dense<0.000000e+00> : vector<1000x32xf32>
    %dot_general3A_433 = tpu.matmul %max3A_428, %get3A_431, %dot_general3A_432 {dimension_numbers = #tpu.dot_dimension_numbers<[1], [0], [0], [1], [0, 0, 1, 1], [], []>, transpose_lhs_hint = false} : vector<1000x64xf32>, vector<64x32xf32>, vector<1000x32xf32> -> vector<1000x32xf32>
    %get3A_434 = arith.constant 0 : index
    %get3A_435 = arith.constant 0 : index
    %get3A_436 = vector.load %arg25[%get3A_434, %get3A_435] : memref<1x32xf32, #tpu.memory_space<vmem>>, vector<1x32xf32>
    %add3A_437 = vector.broadcast %get3A_436 : vector<1x32xf32> to vector<1000x32xf32>
    %add3A_438 = arith.addf %dot_general3A_433, %add3A_437 : vector<1000x32xf32>
    %max3A_439 = arith.constant 0.000000e+00 : f32
    %max3A_440 = vector.broadcast %max3A_439 : f32 to vector<1000x32xf32>
    %max3A_441 = arith.maximumf %add3A_438, %max3A_440 : vector<1000x32xf32>
    %get3A_442 = arith.constant 0 : index
    %get3A_443 = arith.constant 0 : index
    %get3A_444 = vector.load %arg26[%get3A_442, %get3A_443] : memref<32x1xf32, #tpu.memory_space<vmem>>, vector<32x1xf32>
    %dot_general3A_445 = arith.constant dense<0.000000e+00> : vector<1000x1xf32>
    %dot_general3A_446 = tpu.matmul %max3A_441, %get3A_444, %dot_general3A_445 {dimension_numbers = #tpu.dot_dimension_numbers<[1], [0], [0], [1], [0, 0, 1, 1], [], []>, transpose_lhs_hint = false} : vector<1000x32xf32>, vector<32x1xf32>, vector<1000x1xf32> -> vector<1000x1xf32>
    %get3A_447 = arith.constant 0 : index
    %get3A_448 = arith.constant 0 : index
    %get3A_449 = vector.load %arg27[%get3A_447, %get3A_448] : memref<1x1xf32, #tpu.memory_space<vmem>>, vector<1x1xf32>
    %add3A_450 = vector.broadcast %get3A_449 : vector<1x1xf32> to vector<1000x1xf32>
    %add3A_451 = arith.addf %dot_general3A_446, %add3A_450 : vector<1000x1xf32>
    %slice3A_452 = vector.extract_strided_slice %reshape3A {offsets = [0, 3, 0], sizes = [1000, 1, 256], strides = [1, 1, 1]} : vector<1000x4x256xf32> to vector<1000x1x256xf32>
    %squeeze3A_453 = vector.shape_cast %slice3A_452 : vector<1000x1x256xf32> to vector<1000x256xf32>
    %slice3A_454 = vector.extract_strided_slice %squeeze3A_453 {offsets = [0, 0], sizes = [1000, 128], strides = [1, 1]} : vector<1000x256xf32> to vector<1000x128xf32>
    %slice3A_455 = vector.extract_strided_slice %squeeze3A_453 {offsets = [0, 128], sizes = [1000, 16], strides = [1, 1]} : vector<1000x256xf32> to vector<1000x16xf32>
    %slice3A_456 = vector.extract_strided_slice %squeeze3A_453 {offsets = [0, 144], sizes = [1000, 32], strides = [1, 1]} : vector<1000x256xf32> to vector<1000x32xf32>
    %add3A_457 = arith.addf %add3A_308, %slice3A_454 : vector<1000x128xf32>
    %sub3A_458 = arith.subf %get3A_1, %slice3A_455 : vector<1000x16xf32>
    %get3A_459 = arith.constant 0 : index
    %get3A_460 = arith.constant 0 : index
    %get3A_461 = vector.load %arg6[%get3A_459, %get3A_460] : memref<16x32xf32, #tpu.memory_space<vmem>>, vector<16x32xf32>
    %dot_general3A_462 = arith.constant dense<0.000000e+00> : vector<1000x32xf32>
    %dot_general3A_463 = tpu.matmul %sub3A_458, %get3A_461, %dot_general3A_462 {dimension_numbers = #tpu.dot_dimension_numbers<[1], [0], [0], [1], [0, 0, 1, 1], [], []>, transpose_lhs_hint = false} : vector<1000x16xf32>, vector<16x32xf32>, vector<1000x32xf32> -> vector<1000x32xf32>
    %get3A_464 = arith.constant 0 : index
    %get3A_465 = arith.constant 0 : index
    %get3A_466 = vector.load %arg7[%get3A_464, %get3A_465] : memref<1x32xf32, #tpu.memory_space<vmem>>, vector<1x32xf32>
    %add3A_467 = vector.broadcast %get3A_466 : vector<1x32xf32> to vector<1000x32xf32>
    %add3A_468 = arith.addf %dot_general3A_463, %add3A_467 : vector<1000x32xf32>
    %max3A_469 = arith.constant 0.000000e+00 : f32
    %max3A_470 = vector.broadcast %max3A_469 : f32 to vector<1000x32xf32>
    %max3A_471 = arith.maximumf %add3A_468, %max3A_470 : vector<1000x32xf32>
    %get3A_472 = arith.constant 0 : index
    %get3A_473 = arith.constant 0 : index
    %get3A_474 = vector.load %arg8[%get3A_472, %get3A_473] : memref<32x64xf32, #tpu.memory_space<vmem>>, vector<32x64xf32>
    %dot_general3A_475 = arith.constant dense<0.000000e+00> : vector<1000x64xf32>
    %dot_general3A_476 = tpu.matmul %max3A_471, %get3A_474, %dot_general3A_475 {dimension_numbers = #tpu.dot_dimension_numbers<[1], [0], [0], [1], [0, 0, 1, 1], [], []>, transpose_lhs_hint = false} : vector<1000x32xf32>, vector<32x64xf32>, vector<1000x64xf32> -> vector<1000x64xf32>
    %get3A_477 = arith.constant 0 : index
    %get3A_478 = arith.constant 0 : index
    %get3A_479 = vector.load %arg9[%get3A_477, %get3A_478] : memref<1x64xf32, #tpu.memory_space<vmem>>, vector<1x64xf32>
    %add3A_480 = vector.broadcast %get3A_479 : vector<1x64xf32> to vector<1000x64xf32>
    %add3A_481 = arith.addf %dot_general3A_476, %add3A_480 : vector<1000x64xf32>
    %max3A_482 = arith.constant 0.000000e+00 : f32
    %max3A_483 = vector.broadcast %max3A_482 : f32 to vector<1000x64xf32>
    %max3A_484 = arith.maximumf %add3A_481, %max3A_483 : vector<1000x64xf32>
    %get3A_485 = arith.constant 0 : index
    %get3A_486 = arith.constant 0 : index
    %get3A_487 = vector.load %arg10[%get3A_485, %get3A_486] : memref<64x64xf32, #tpu.memory_space<vmem>>, vector<64x64xf32>
    %dot_general3A_488 = arith.constant dense<0.000000e+00> : vector<1000x64xf32>
    %dot_general3A_489 = tpu.matmul %max3A_484, %get3A_487, %dot_general3A_488 {dimension_numbers = #tpu.dot_dimension_numbers<[1], [0], [0], [1], [0, 0, 1, 1], [], []>, transpose_lhs_hint = false} : vector<1000x64xf32>, vector<64x64xf32>, vector<1000x64xf32> -> vector<1000x64xf32>
    %get3A_490 = arith.constant 0 : index
    %get3A_491 = arith.constant 0 : index
    %get3A_492 = vector.load %arg11[%get3A_490, %get3A_491] : memref<1x64xf32, #tpu.memory_space<vmem>>, vector<1x64xf32>
    %add3A_493 = vector.broadcast %get3A_492 : vector<1x64xf32> to vector<1000x64xf32>
    %add3A_494 = arith.addf %dot_general3A_489, %add3A_493 : vector<1000x64xf32>
    %max3A_495 = arith.constant 0.000000e+00 : f32
    %max3A_496 = vector.broadcast %max3A_495 : f32 to vector<1000x64xf32>
    %max3A_497 = arith.maximumf %add3A_494, %max3A_496 : vector<1000x64xf32>
    %get3A_498 = arith.constant 0 : index
    %get3A_499 = arith.constant 0 : index
    %get3A_500 = vector.load %arg12[%get3A_498, %get3A_499] : memref<64x64xf32, #tpu.memory_space<vmem>>, vector<64x64xf32>
    %dot_general3A_501 = arith.constant dense<0.000000e+00> : vector<1000x64xf32>
    %dot_general3A_502 = tpu.matmul %max3A_497, %get3A_500, %dot_general3A_501 {dimension_numbers = #tpu.dot_dimension_numbers<[1], [0], [0], [1], [0, 0, 1, 1], [], []>, transpose_lhs_hint = false} : vector<1000x64xf32>, vector<64x64xf32>, vector<1000x64xf32> -> vector<1000x64xf32>
    %get3A_503 = arith.constant 0 : index
    %get3A_504 = arith.constant 0 : index
    %get3A_505 = vector.load %arg13[%get3A_503, %get3A_504] : memref<1x64xf32, #tpu.memory_space<vmem>>, vector<1x64xf32>
    %add3A_506 = vector.broadcast %get3A_505 : vector<1x64xf32> to vector<1000x64xf32>
    %add3A_507 = arith.addf %dot_general3A_502, %add3A_506 : vector<1000x64xf32>
    %max3A_508 = arith.constant 0.000000e+00 : f32
    %max3A_509 = vector.broadcast %max3A_508 : f32 to vector<1000x64xf32>
    %max3A_510 = arith.maximumf %add3A_507, %max3A_509 : vector<1000x64xf32>
    %get3A_511 = arith.constant 0 : index
    %get3A_512 = arith.constant 0 : index
    %get3A_513 = vector.load %arg14[%get3A_511, %get3A_512] : memref<64x32xf32, #tpu.memory_space<vmem>>, vector<64x32xf32>
    %dot_general3A_514 = arith.constant dense<0.000000e+00> : vector<1000x32xf32>
    %dot_general3A_515 = tpu.matmul %max3A_510, %get3A_513, %dot_general3A_514 {dimension_numbers = #tpu.dot_dimension_numbers<[1], [0], [0], [1], [0, 0, 1, 1], [], []>, transpose_lhs_hint = false} : vector<1000x64xf32>, vector<64x32xf32>, vector<1000x32xf32> -> vector<1000x32xf32>
    %get3A_516 = arith.constant 0 : index
    %get3A_517 = arith.constant 0 : index
    %get3A_518 = vector.load %arg15[%get3A_516, %get3A_517] : memref<1x32xf32, #tpu.memory_space<vmem>>, vector<1x32xf32>
    %add3A_519 = vector.broadcast %get3A_518 : vector<1x32xf32> to vector<1000x32xf32>
    %add3A_520 = arith.addf %dot_general3A_515, %add3A_519 : vector<1000x32xf32>
    %max3A_521 = arith.constant 0.000000e+00 : f32
    %max3A_522 = vector.broadcast %max3A_521 : f32 to vector<1000x32xf32>
    %max3A_523 = arith.maximumf %add3A_520, %max3A_522 : vector<1000x32xf32>
    %get3A_524 = arith.constant 0 : index
    %get3A_525 = arith.constant 0 : index
    %get3A_526 = vector.load %arg16[%get3A_524, %get3A_525] : memref<32x16xf32, #tpu.memory_space<vmem>>, vector<32x16xf32>
    %dot_general3A_527 = arith.constant dense<0.000000e+00> : vector<1000x16xf32>
    %dot_general3A_528 = tpu.matmul %max3A_523, %get3A_526, %dot_general3A_527 {dimension_numbers = #tpu.dot_dimension_numbers<[1], [0], [0], [1], [0, 0, 1, 1], [], []>, transpose_lhs_hint = false} : vector<1000x32xf32>, vector<32x16xf32>, vector<1000x16xf32> -> vector<1000x16xf32>
    %get3A_529 = arith.constant 0 : index
    %get3A_530 = arith.constant 0 : index
    %get3A_531 = vector.load %arg17[%get3A_529, %get3A_530] : memref<1x16xf32, #tpu.memory_space<vmem>>, vector<1x16xf32>
    %add3A_532 = vector.broadcast %get3A_531 : vector<1x16xf32> to vector<1000x16xf32>
    %add3A_533 = arith.addf %dot_general3A_528, %add3A_532 : vector<1000x16xf32>
    %add3A_534 = arith.addf %add3A_385, %add3A_533 : vector<1000x16xf32>
    %add3A_535 = arith.addf %slice3A_456, %get3A_4 : vector<1000x32xf32>
    %max3A_536 = arith.constant 0.000000e+00 : f32
    %max3A_537 = vector.broadcast %max3A_536 : f32 to vector<1000x32xf32>
    %max3A_538 = arith.maximumf %add3A_535, %max3A_537 : vector<1000x32xf32>
    %get3A_539 = arith.constant 0 : index
    %get3A_540 = arith.constant 0 : index
    %get3A_541 = vector.load %arg18[%get3A_539, %get3A_540] : memref<32x64xf32, #tpu.memory_space<vmem>>, vector<32x64xf32>
    %dot_general3A_542 = arith.constant dense<0.000000e+00> : vector<1000x64xf32>
    %dot_general3A_543 = tpu.matmul %max3A_538, %get3A_541, %dot_general3A_542 {dimension_numbers = #tpu.dot_dimension_numbers<[1], [0], [0], [1], [0, 0, 1, 1], [], []>, transpose_lhs_hint = false} : vector<1000x32xf32>, vector<32x64xf32>, vector<1000x64xf32> -> vector<1000x64xf32>
    %get3A_544 = arith.constant 0 : index
    %get3A_545 = arith.constant 0 : index
    %get3A_546 = vector.load %arg19[%get3A_544, %get3A_545] : memref<1x64xf32, #tpu.memory_space<vmem>>, vector<1x64xf32>
    %add3A_547 = vector.broadcast %get3A_546 : vector<1x64xf32> to vector<1000x64xf32>
    %add3A_548 = arith.addf %dot_general3A_543, %add3A_547 : vector<1000x64xf32>
    %max3A_549 = arith.constant 0.000000e+00 : f32
    %max3A_550 = vector.broadcast %max3A_549 : f32 to vector<1000x64xf32>
    %max3A_551 = arith.maximumf %add3A_548, %max3A_550 : vector<1000x64xf32>
    %get3A_552 = arith.constant 0 : index
    %get3A_553 = arith.constant 0 : index
    %get3A_554 = vector.load %arg20[%get3A_552, %get3A_553] : memref<64x64xf32, #tpu.memory_space<vmem>>, vector<64x64xf32>
    %dot_general3A_555 = arith.constant dense<0.000000e+00> : vector<1000x64xf32>
    %dot_general3A_556 = tpu.matmul %max3A_551, %get3A_554, %dot_general3A_555 {dimension_numbers = #tpu.dot_dimension_numbers<[1], [0], [0], [1], [0, 0, 1, 1], [], []>, transpose_lhs_hint = false} : vector<1000x64xf32>, vector<64x64xf32>, vector<1000x64xf32> -> vector<1000x64xf32>
    %get3A_557 = arith.constant 0 : index
    %get3A_558 = arith.constant 0 : index
    %get3A_559 = vector.load %arg21[%get3A_557, %get3A_558] : memref<1x64xf32, #tpu.memory_space<vmem>>, vector<1x64xf32>
    %add3A_560 = vector.broadcast %get3A_559 : vector<1x64xf32> to vector<1000x64xf32>
    %add3A_561 = arith.addf %dot_general3A_556, %add3A_560 : vector<1000x64xf32>
    %max3A_562 = arith.constant 0.000000e+00 : f32
    %max3A_563 = vector.broadcast %max3A_562 : f32 to vector<1000x64xf32>
    %max3A_564 = arith.maximumf %add3A_561, %max3A_563 : vector<1000x64xf32>
    %get3A_565 = arith.constant 0 : index
    %get3A_566 = arith.constant 0 : index
    %get3A_567 = vector.load %arg22[%get3A_565, %get3A_566] : memref<64x64xf32, #tpu.memory_space<vmem>>, vector<64x64xf32>
    %dot_general3A_568 = arith.constant dense<0.000000e+00> : vector<1000x64xf32>
    %dot_general3A_569 = tpu.matmul %max3A_564, %get3A_567, %dot_general3A_568 {dimension_numbers = #tpu.dot_dimension_numbers<[1], [0], [0], [1], [0, 0, 1, 1], [], []>, transpose_lhs_hint = false} : vector<1000x64xf32>, vector<64x64xf32>, vector<1000x64xf32> -> vector<1000x64xf32>
    %get3A_570 = arith.constant 0 : index
    %get3A_571 = arith.constant 0 : index
    %get3A_572 = vector.load %arg23[%get3A_570, %get3A_571] : memref<1x64xf32, #tpu.memory_space<vmem>>, vector<1x64xf32>
    %add3A_573 = vector.broadcast %get3A_572 : vector<1x64xf32> to vector<1000x64xf32>
    %add3A_574 = arith.addf %dot_general3A_569, %add3A_573 : vector<1000x64xf32>
    %max3A_575 = arith.constant 0.000000e+00 : f32
    %max3A_576 = vector.broadcast %max3A_575 : f32 to vector<1000x64xf32>
    %max3A_577 = arith.maximumf %add3A_574, %max3A_576 : vector<1000x64xf32>
    %get3A_578 = arith.constant 0 : index
    %get3A_579 = arith.constant 0 : index
    %get3A_580 = vector.load %arg24[%get3A_578, %get3A_579] : memref<64x32xf32, #tpu.memory_space<vmem>>, vector<64x32xf32>
    %dot_general3A_581 = arith.constant dense<0.000000e+00> : vector<1000x32xf32>
    %dot_general3A_582 = tpu.matmul %max3A_577, %get3A_580, %dot_general3A_581 {dimension_numbers = #tpu.dot_dimension_numbers<[1], [0], [0], [1], [0, 0, 1, 1], [], []>, transpose_lhs_hint = false} : vector<1000x64xf32>, vector<64x32xf32>, vector<1000x32xf32> -> vector<1000x32xf32>
    %get3A_583 = arith.constant 0 : index
    %get3A_584 = arith.constant 0 : index
    %get3A_585 = vector.load %arg25[%get3A_583, %get3A_584] : memref<1x32xf32, #tpu.memory_space<vmem>>, vector<1x32xf32>
    %add3A_586 = vector.broadcast %get3A_585 : vector<1x32xf32> to vector<1000x32xf32>
    %add3A_587 = arith.addf %dot_general3A_582, %add3A_586 : vector<1000x32xf32>
    %max3A_588 = arith.constant 0.000000e+00 : f32
    %max3A_589 = vector.broadcast %max3A_588 : f32 to vector<1000x32xf32>
    %max3A_590 = arith.maximumf %add3A_587, %max3A_589 : vector<1000x32xf32>
    %get3A_591 = arith.constant 0 : index
    %get3A_592 = arith.constant 0 : index
    %get3A_593 = vector.load %arg26[%get3A_591, %get3A_592] : memref<32x1xf32, #tpu.memory_space<vmem>>, vector<32x1xf32>
    %dot_general3A_594 = arith.constant dense<0.000000e+00> : vector<1000x1xf32>
    %dot_general3A_595 = tpu.matmul %max3A_590, %get3A_593, %dot_general3A_594 {dimension_numbers = #tpu.dot_dimension_numbers<[1], [0], [0], [1], [0, 0, 1, 1], [], []>, transpose_lhs_hint = false} : vector<1000x32xf32>, vector<32x1xf32>, vector<1000x1xf32> -> vector<1000x1xf32>
    %get3A_596 = arith.constant 0 : index
    %get3A_597 = arith.constant 0 : index
    %get3A_598 = vector.load %arg27[%get3A_596, %get3A_597] : memref<1x1xf32, #tpu.memory_space<vmem>>, vector<1x1xf32>
    %add3A_599 = vector.broadcast %get3A_598 : vector<1x1xf32> to vector<1000x1xf32>
    %add3A_600 = arith.addf %dot_general3A_595, %add3A_599 : vector<1000x1xf32>
    %get3A_601 = arith.constant 0 : index
    %get3A_602 = arith.constant 0 : index
    %get3A_603 = vector.load %arg3[%get3A_601, %get3A_602] : memref<1000x128xf32, #tpu.memory_space<vmem>>, vector<1000x128xf32>
    %mul3A = arith.constant 2.500000e-01 : f32
    %mul3A_604 = vector.broadcast %mul3A : f32 to vector<1000x128xf32>
    %mul3A_605 = arith.mulf %mul3A_604, %add3A_457 : vector<1000x128xf32>
    %sub3A_606 = arith.subf %get3A_603, %mul3A_605 : vector<1000x128xf32>
    %swap3A = arith.constant 0 : index
    %swap3A_607 = arith.constant 0 : index
    %swap3A_608 = vector.load %arg28[%swap3A, %swap3A_607] : memref<1000x128xf32, #tpu.memory_space<vmem>>, vector<1000x128xf32>
    tpu.vector_store %arg28[%swap3A, %swap3A_607], %sub3A_606 {strides = array<i32>} : memref<1000x128xf32, #tpu.memory_space<vmem>>, vector<1000x128xf32>,
    %get3A_609 = arith.constant 0 : index
    %get3A_610 = arith.constant 0 : index
    %get3A_611 = vector.load %arg4[%get3A_609, %get3A_610] : memref<1000x16xf32, #tpu.memory_space<vmem>>, vector<1000x16xf32>
    %mul3A_612 = arith.constant 2.500000e-01 : f32
    %mul3A_613 = vector.broadcast %mul3A_612 : f32 to vector<1000x16xf32>
    %mul3A_614 = arith.mulf %mul3A_613, %add3A_534 : vector<1000x16xf32>
    %add3A_615 = arith.addf %get3A_611, %mul3A_614 : vector<1000x16xf32>
    %swap3A_616 = arith.constant 0 : index
    %swap3A_617 = arith.constant 0 : index
    %swap3A_618 = vector.load %arg29[%swap3A_616, %swap3A_617] : memref<1000x16xf32, #tpu.memory_space<vmem>>, vector<1000x16xf32>
    tpu.vector_store %arg29[%swap3A_616, %swap3A_617], %add3A_615 {strides = array<i32>} : memref<1000x16xf32, #tpu.memory_space<vmem>>, vector<1000x16xf32>,
    %concatenate3A = tpu.concatenate %add3A_153, %add3A_302, %add3A_451, %add3A_600 in 1 : vector<1000x1xf32>, vector<1000x1xf32>, vector<1000x1xf32>, vector<1000x1xf32> -> vector<1000x4xf32>
    %swap3A_619 = arith.constant 0 : index
    %swap3A_620 = arith.constant 0 : index
    %swap3A_621 = vector.load %arg30[%swap3A_619, %swap3A_620] : memref<1000x4xf32, #tpu.memory_space<vmem>>, vector<1000x4xf32>
    tpu.vector_store %arg30[%swap3A_619, %swap3A_620], %concatenate3A {strides = array<i32>} : memref<1000x4xf32, #tpu.memory_space<vmem>>, vector<1000x4xf32>,
    return
  }
  func.func @transform_0(%arg0: i32) -> (i32, i32) {
    %c0_i32 = arith.constant 0 : i32
    %c0_i32_0 = arith.constant 0 : i32
    return %arg0, %c0_i32 : i32, i32
  }
  func.func @transform_1(%arg0: i32) -> (i32, i32) {
    %c0_i32 = arith.constant 0 : i32
    %c0_i32_0 = arith.constant 0 : i32
    return %arg0, %c0_i32 : i32, i32
  }
  func.func @transform_2(%arg0: i32) -> (i32, i32) {
    %c0_i32 = arith.constant 0 : i32
    %c0_i32_0 = arith.constant 0 : i32
    return %arg0, %c0_i32 : i32, i32
  }
  func.func @transform_3(%arg0: i32) -> (i32, i32) {
    %c0_i32 = arith.constant 0 : i32
    %c0_i32_0 = arith.constant 0 : i32
    return %arg0, %c0_i32 : i32, i32
  }
  func.func @transform_4(%arg0: i32) -> (i32, i32) {
    %c0_i32 = arith.constant 0 : i32
    %c0_i32_0 = arith.constant 0 : i32
    return %arg0, %c0_i32 : i32, i32
  }
  func.func @transform_5(%arg0: i32) -> (i32, i32) {
    %c0_i32 = arith.constant 0 : i32
    %c0_i32_0 = arith.constant 0 : i32
    %c0_i32_1 = arith.constant 0 : i32
    return %c0_i32, %c0_i32_0 : i32, i32
  }
  func.func @transform_6(%arg0: i32) -> (i32, i32) {
    %c0_i32 = arith.constant 0 : i32
    %c0_i32_0 = arith.constant 0 : i32
    %c0_i32_1 = arith.constant 0 : i32
    return %c0_i32, %c0_i32_0 : i32, i32
  }
  func.func @transform_7(%arg0: i32) -> (i32, i32) {
    %c0_i32 = arith.constant 0 : i32
    %c0_i32_0 = arith.constant 0 : i32
    %c0_i32_1 = arith.constant 0 : i32
    return %c0_i32, %c0_i32_0 : i32, i32
  }
  func.func @transform_8(%arg0: i32) -> (i32, i32) {
    %c0_i32 = arith.constant 0 : i32
    %c0_i32_0 = arith.constant 0 : i32
    %c0_i32_1 = arith.constant 0 : i32
    return %c0_i32, %c0_i32_0 : i32, i32
  }
  func.func @transform_9(%arg0: i32) -> (i32, i32) {
    %c0_i32 = arith.constant 0 : i32
    %c0_i32_0 = arith.constant 0 : i32
    %c0_i32_1 = arith.constant 0 : i32
    return %c0_i32, %c0_i32_0 : i32, i32
  }
  func.func @transform_10(%arg0: i32) -> (i32, i32) {
    %c0_i32 = arith.constant 0 : i32
    %c0_i32_0 = arith.constant 0 : i32
    %c0_i32_1 = arith.constant 0 : i32
    return %c0_i32, %c0_i32_0 : i32, i32
  }
  func.func @transform_11(%arg0: i32) -> (i32, i32) {
    %c0_i32 = arith.constant 0 : i32
    %c0_i32_0 = arith.constant 0 : i32
    %c0_i32_1 = arith.constant 0 : i32
    return %c0_i32, %c0_i32_0 : i32, i32
  }
  func.func @transform_12(%arg0: i32) -> (i32, i32) {
    %c0_i32 = arith.constant 0 : i32
    %c0_i32_0 = arith.constant 0 : i32
    %c0_i32_1 = arith.constant 0 : i32
    return %c0_i32, %c0_i32_0 : i32, i32
  }
  func.func @transform_13(%arg0: i32) -> (i32, i32) {
    %c0_i32 = arith.constant 0 : i32
    %c0_i32_0 = arith.constant 0 : i32
    %c0_i32_1 = arith.constant 0 : i32
    return %c0_i32, %c0_i32_0 : i32, i32
  }
  func.func @transform_14(%arg0: i32) -> (i32, i32) {
    %c0_i32 = arith.constant 0 : i32
    %c0_i32_0 = arith.constant 0 : i32
    %c0_i32_1 = arith.constant 0 : i32
    return %c0_i32, %c0_i32_0 : i32, i32
  }
  func.func @transform_15(%arg0: i32) -> (i32, i32) {
    %c0_i32 = arith.constant 0 : i32
    %c0_i32_0 = arith.constant 0 : i32
    %c0_i32_1 = arith.constant 0 : i32
    return %c0_i32, %c0_i32_0 : i32, i32
  }
  func.func @transform_16(%arg0: i32) -> (i32, i32) {
    %c0_i32 = arith.constant 0 : i32
    %c0_i32_0 = arith.constant 0 : i32
    %c0_i32_1 = arith.constant 0 : i32
    return %c0_i32, %c0_i32_0 : i32, i32
  }
  func.func @transform_17(%arg0: i32) -> (i32, i32) {
    %c0_i32 = arith.constant 0 : i32
    %c0_i32_0 = arith.constant 0 : i32
    %c0_i32_1 = arith.constant 0 : i32
    return %c0_i32, %c0_i32_0 : i32, i32
  }
  func.func @transform_18(%arg0: i32) -> (i32, i32) {
    %c0_i32 = arith.constant 0 : i32
    %c0_i32_0 = arith.constant 0 : i32
    %c0_i32_1 = arith.constant 0 : i32
    return %c0_i32, %c0_i32_0 : i32, i32
  }
  func.func @transform_19(%arg0: i32) -> (i32, i32) {
    %c0_i32 = arith.constant 0 : i32
    %c0_i32_0 = arith.constant 0 : i32
    %c0_i32_1 = arith.constant 0 : i32
    return %c0_i32, %c0_i32_0 : i32, i32
  }
  func.func @transform_20(%arg0: i32) -> (i32, i32) {
    %c0_i32 = arith.constant 0 : i32
    %c0_i32_0 = arith.constant 0 : i32
    %c0_i32_1 = arith.constant 0 : i32
    return %c0_i32, %c0_i32_0 : i32, i32
  }
  func.func @transform_21(%arg0: i32) -> (i32, i32) {
    %c0_i32 = arith.constant 0 : i32
    %c0_i32_0 = arith.constant 0 : i32
    %c0_i32_1 = arith.constant 0 : i32
    return %c0_i32, %c0_i32_0 : i32, i32
  }
  func.func @transform_22(%arg0: i32) -> (i32, i32) {
    %c0_i32 = arith.constant 0 : i32
    %c0_i32_0 = arith.constant 0 : i32
    %c0_i32_1 = arith.constant 0 : i32
    return %c0_i32, %c0_i32_0 : i32, i32
  }
  func.func @transform_23(%arg0: i32) -> (i32, i32) {
    %c0_i32 = arith.constant 0 : i32
    %c0_i32_0 = arith.constant 0 : i32
    %c0_i32_1 = arith.constant 0 : i32
    return %c0_i32, %c0_i32_0 : i32, i32
  }
  func.func @transform_24(%arg0: i32) -> (i32, i32) {
    %c0_i32 = arith.constant 0 : i32
    %c0_i32_0 = arith.constant 0 : i32
    %c0_i32_1 = arith.constant 0 : i32
    return %c0_i32, %c0_i32_0 : i32, i32
  }
  func.func @transform_25(%arg0: i32) -> (i32, i32) {
    %c0_i32 = arith.constant 0 : i32
    %c0_i32_0 = arith.constant 0 : i32
    %c0_i32_1 = arith.constant 0 : i32
    return %c0_i32, %c0_i32_0 : i32, i32
  }
  func.func @transform_26(%arg0: i32) -> (i32, i32) {
    %c0_i32 = arith.constant 0 : i32
    %c0_i32_0 = arith.constant 0 : i32
    %c0_i32_1 = arith.constant 0 : i32
    return %c0_i32, %c0_i32_0 : i32, i32
  }
  func.func @transform_27(%arg0: i32) -> (i32, i32) {
    %c0_i32 = arith.constant 0 : i32
    %c0_i32_0 = arith.constant 0 : i32
    return %arg0, %c0_i32 : i32, i32
  }
  func.func @transform_28(%arg0: i32) -> (i32, i32) {
    %c0_i32 = arith.constant 0 : i32
    %c0_i32_0 = arith.constant 0 : i32
    return %arg0, %c0_i32 : i32, i32
  }
  func.func @transform_29(%arg0: i32) -> (i32, i32) {
    %c0_i32 = arith.constant 0 : i32
    %c0_i32_0 = arith.constant 0 : i32
    return %arg0, %c0_i32 : i32, i32
  }
}

</mosaic_0001>

<sc_bundles>
// kernel: kernel.11.cloned.1.call-start
scs
__scs_entry_jumppad:
0x0: {  	(pc) =	sbr.rel $0x88, $3  }
0x1: {  	(tag) =	ssettag $0x0;
	lr =	simm.s32 $0x1  }
0x2: {  	[smem:$0x3F77] =	sst lr;
	_ =	strace $0xD0000000  }
0x3: {  	_ = 	snop  }
0x4: {  	_ = 	snop  }
0x5: {  	_ = 	snop  }
0x6: {  	_ = 	snop  }
0x7: {  	_ = 	snop  }
__scs_overlays_trampoline_lowered:
0x8: {  	[smem:$0x3F86] =	sst s0  }
0x9: {  	[smem:$0x3F87] =	sst s1  }
0xa: {  	[smem:$0x3F88] =	sst s2  }
0xb: {  	[smem:$0x3F89] =	sst s3  }
0xc: {  	[smem:$0x3F8A] =	sst s4  }
0xd: {  	[smem:$0x3F8B] =	sst s5  }
0xe: {  	[smem:$0x3F8C] =	sst s6  }
0xf: {  	[smem:$0x3F8D] =	sst s7  }
0x10: {  	[smem:$0x3F8E] =	sst s8  }
0x11: {  	[smem:$0x3F8F] =	sst s9;
	s0 =	simm.s32 @!p0 $0x0  }
0x12: {  	s1 =	sld [smem:$0x3F75];
	s0 =	simm.s32 @p0 $0x1  }
0x13: {  	[smem:$0x3F90] =	sst s0;
	s0 =	simm.s32 @!p1 $0x0  }
0x14: {  	s2 =	sld [smem:$0x3F74];
	s0 =	simm.s32 @p1 $0x1  }
0x15: {  	[smem:$0x3F91] =	sst s0;
	s0 =	simm.s32 @!p2 $0x0  }
0x16: {  	s3 =	sld [smem:$0x3FDB];
	s0 =	simm.s32 @p2 $0x1  }
0x17: {  	s4 =	simm.s32 $0x1BF5;
	[smem:$0x3F93] =	sst s0  }
0x18: {  	s0 =	sld [smem:$0x3F76];
	_ =	swait.ge [sflag:s4], $0x0  }
0x19: {  	s7 =	sld [smem:$0x3F77]  }
0x1a: {  	s8 =	sadd.s32 $0xFFFFE003, lr  }
0x1b: {  	s9 =	sadd.s32 $0xFFFFFEF7, lr;
	s5 =	simm.s32 $0xFFFFFFFF;
	p2 =	slt.u32 s8, $0xFFFFF086  }
0x1c: {  	p1 =	slt.u32 s9, $0xF7A;
	s5 =	simm.s32 @!p2 $0x0  }
0x1d: {  	s5 =	simm.s32 @p1 $0x1;
	p0 =	seq.s32 s7, s2  }
0x1e: {  	s7 =	smul.u32 @!p0 $0xF7A, s2;
	p2 =	seq.s32 @!p0 s5, $0x0  }
0x1f: {  	s9 =	smul.u32 $0xF7A, s1;
	s8 =	simm.s32 @!p0 $0x1BF5;
	p2 =	por !p2, p0  }
0x20: {  	[sflag:s8] =	ssyncset.s32 @!p0 $0xFFFFF086;
	s6 =	sadd.s32 @!p0 s3, s7;
	s7 =	simm.s32 @!p0 $0x108  }
0x21: {  	s3 =	sadd.s32 s3, s9;
	s6 =	sadd.s32 @!p0 $0x88, s6;
	s7 =	simm.s32 @p2 $0x1082  }
0x22: {  	[simem:s7], [sflag:s8] =	dma.local @!p0 [hbm:s6], $0xF7A  }
0x23: {  	s9 =	sor.u32 $0xD0000000, s2;
	s6 =	simm.s32 $0x108;
	_ =	swait.ge @!p0 [sflag:s8], $0x0  }
0x24: {  	s3 =	sadd.s32 $0x88, s3;
	s6 =	simm.s32 @!p1 $0x1082;
	[sflag:s4] =	ssyncset.s32 $0xFFFFF086  }
0x25: {  	[simem:s6], [sflag:s4] =	dma.local [hbm:s3], $0xF7A  }
0x26: {  	[smem:$0x3F77] =	sst s1;
	(tag) =	ssettag s2;
	_ =	strace s9  }
0x27: {  	s1 =	sld [smem:$0x3F87]  }
0x28: {  	s2 =	sld [smem:$0x3F88]  }
0x29: {  	s4 =	sld [smem:$0x3F8A]  }
0x2a: {  	p0 =	seq.s32 s5, $0x0;
	s5 =	sld [smem:$0x3F8B]  }
0x2b: {  	s6 =	sld [smem:$0x3F8C]  }
0x2c: {  	s7 =	sld [smem:$0x3F8D]  }
0x2d: {  	s3 =	simm.s32 $0x108;
	s8 =	sld [smem:$0x3F8E]  }
0x2e: {  	s3 =	simm.s32 @!p0 $0x1082;
	s9 =	sld [smem:$0x3F8F]  }
0x2f: {  	lr =	sadd.s32 s0, s3;
	s0 =	sld [smem:$0x3F86]  }
0x30: {  	s3 =	sld [smem:$0x3F89]  }
0x31: {  	[smem:$0x3F92] =	sst s10  }
0x32: {  	s10 =	sld [smem:$0x3F90];
	_ =	sdelay $0x3  }
0x33: {  	p0 =	seq.s32 s10, $0x1;
	s10 =	sld [smem:$0x3F92];
	_ =	sdelay $0x3  }
0x34: {  	[smem:$0x3F92] =	sst s10  }
0x35: {  	s10 =	sld [smem:$0x3F91];
	_ =	sdelay $0x3  }
0x36: {  	p1 =	seq.s32 s10, $0x1;
	s10 =	sld [smem:$0x3F92];
	_ =	sdelay $0x3  }
0x37: {  	[smem:$0x3F92] =	sst s10  }
0x38: {  	s10 =	sld [smem:$0x3F93]  }
0x39: {  	_ = 	snop;
	(pc) =	sbr.ind lr, $3  }
0x3a: {  	_ = 	snop  }
0x3b: {  	_ = 	snop  }
0x3c: {  	p2 =	seq.s32 s10, $0x1;
	s10 =	sld [smem:$0x3F92]  }
0x3d: {  	_ =	shalt  }
0x3e: {  	_ =	shalt  }
0x3f: {  	_ =	shalt  }
0x40: {  	_ =	shalt  }
0x41: {  	_ =	shalt  }
0x42: {  	_ =	shalt  }
0x43: {  	_ =	shalt  }
0x44: {  	_ =	shalt  }
0x45: {  	_ =	shalt  }
0x46: {  	_ =	shalt  }
0x47: {  	_ =	shalt  }
0x48: {  	_ =	shalt  }
0x49: {  	_ =	shalt  }
0x4a: {  	_ =	shalt  }
0x4b: {  	_ =	shalt  }
0x4c: {  	_ =	shalt  }
0x4d: {  	_ =	shalt  }
0x4e: {  	_ =	shalt  }
0x4f: {  	_ =	shalt  }
0x50: {  	_ =	shalt  }
0x51: {  	_ =	shalt  }
0x52: {  	_ =	shalt  }
0x53: {  	_ =	shalt  }
0x54: {  	_ =	shalt  }
0x55: {  	_ =	shalt  }
0x56: {  	_ =	shalt  }
0x57: {  	_ =	shalt  }
0x58: {  	_ =	shalt  }
0x59: {  	_ =	shalt  }
0x5a: {  	_ =	shalt  }
0x5b: {  	_ =	shalt  }
0x5c: {  	_ =	shalt  }
0x5d: {  	_ =	shalt  }
0x5e: {  	_ =	shalt  }
0x5f: {  	_ =	shalt  }
0x60: {  	_ =	shalt  }
0x61: {  	_ =	shalt  }
0x62: {  	_ =	shalt  }
0x63: {  	_ =	shalt  }
0x64: {  	_ =	shalt  }
0x65: {  	_ =	shalt  }
0x66: {  	_ =	shalt  }
0x67: {  	_ =	shalt  }
0x68: {  	_ =	shalt  }
0x69: {  	_ =	shalt  }
0x6a: {  	_ =	shalt  }
0x6b: {  	_ =	shalt  }
0x6c: {  	_ =	shalt  }
0x6d: {  	_ =	shalt  }
0x6e: {  	_ =	shalt  }
0x6f: {  	_ =	shalt  }
0x70: {  	_ =	shalt  }
0x71: {  	_ =	shalt  }
0x72: {  	_ =	shalt  }
0x73: {  	_ =	shalt  }
0x74: {  	_ =	shalt  }
0x75: {  	_ =	shalt  }
0x76: {  	_ =	shalt  }
0x77: {  	_ =	shalt  }
0x78: {  	_ =	shalt  }
0x79: {  	_ =	shalt  }
0x7a: {  	_ =	shalt  }
0x7b: {  	_ =	shalt  }
0x7c: {  	_ =	shalt  }
0x7d: {  	_ =	shalt  }
0x7e: {  	_ =	shalt  }
0x7f: {  	_ =	shalt  }
0x80: {  	_ =	shalt  }
0x81: {  	_ =	shalt  }
0x82: {  	_ =	shalt  }
0x83: {  	_ =	shalt  }
0x84: {  	_ =	shalt  }
0x85: {  	_ =	shalt  }
0x86: {  	_ =	shalt  }
0x87: {  	_ =	shalt  }
.Lfunc_end0:
.L_simem_size_0:
called_computation.1_lowered:
.L_overlay_start_0:
0x88: {  	s2 =	sld [smem:$0x3FD9]  }
0x89: {  	s3 =	sld [smem:$0x3FFE];
	_ =	sdelay $0x1  }
0x8a: {  	s1 =	srdreg.scid  }
0x8b: {  	s0 =	sand.u32 $0x1, s1  }
0x8c: {  	s14 =	sshll.u32 s0, $0xA;
	s2 =	sadd.s32 s3, s2  }
0x8d: {  	s2 =	sadd.s32 s2, s14  }
0x8e: {  	[smem:$0x3F9E] =	sst s2  }
0x8f: {  	_ = 	snop  }
0x90: {  	s2 =	sld [smem:$0x3FD0];
	_ =	sdelay $0x2  }
0x91: {  	s15 =	simm.s32 $0xB;
	s4 =	simm.s32 $0x10  }
0x92: {  	[smem:s4], [sflag:s15] =	dma.local [hbm:s2], $0x1  }
0x93: {  	_ =	swait.eq [sflag:s15], $0x1  }
0x94: {  	[sflag:s15] =	ssyncset.done $0x0  }
0x95: {  	[sflag:s15] =	ssyncadd.s32 $0xFFFFFFFF  }
0x96: {  	s16 =	sld [smem:$0x12];
	(tm) =	ssettm $0x1  }
0x97: {  	s17 =	sld [smem:$0x3FFB];
	_ =	sdelay $0x3  }
0x98: {  	_ =	strace s17  }
0x99: {  	s3 =	sld [smem:$0x3FFC];
	_ =	sdelay $0x3  }
0x9a: {  	_ =	strace s3  }
0x9b: {  	s3 =	sld [smem:$0x3FFD];
	_ =	sdelay $0x3  }
0x9c: {  	_ =	strace s3  }
0x9d: {  	_ =	strace $0x8FFFFFFF  }
0x9e: {  	s18 =	sld [smem:$0x3FDB];
	_ =	sdelay $0x1  }
0x9f: {  	s19 =	simm.s32 $_scs_section_size  }
0xa0: {  	s5 =	simm.s32 $_size__tile_overlayer_lowered;
	s6 =	simm.s32 $_tile_overlayer_lowered  }
0xa1: {  	s22 =	simm.s32 $0x1BFF;
	s21 =	sshll.u32 s6, $0x1;
	s3 =	sadd.s32 s19, s18  }
0xa2: {  	s7 =	simm.s32 $0x0;
	s20 =	sshll.u32 s5, $0x1;
	s5 =	sadd.s32 s21, s3  }
0xa3: {  	[timem:s7], [sflag:s22] =	dma.local [hbm:s5], s20  }
0xa4: {  	_ =	swait.ge [sflag:s22], s20  }
0xa5: {  	s4 =	ssub.s32 $0x0, s20;
	[sflag:s22] =	ssyncset.done $0x0  }
0xa6: {  	[sflag:s22] =	ssyncadd.s32 s4;
	_ =	sdelay $0x1  }
0xa7: {  	s23 =	simm.s32 $0x1B8B  }
0xa8: {  	_ =	swait.ge [sflag:s23], $0x1  }
0xa9: {  	[sflag:s23] =	ssyncset.done $0x0  }
0xaa: {  	s25 =	simm.s32 $0x1B8E;
	s24 =	sld [smem:$0x3FFE];
	[sflag:s23] =	ssyncadd.s32 $0xFFFFFFFF  }
0xab: {  	s26 =	simm.s32 $execute0_lowered;
	[smem:$0x3FD2] =	sst s25  }
0xac: {  	s5 =	sshll.u32 s26, $0x1;
	_ =	strace $0x80000046;
	[dreg:$0x1] =	wrdreg $0xFFFFFFFF  }
0xad: {  	s28 =	simm.s32 $_size_execute0_lowered;
	s3 =	sadd.s32 s3, s5;
	[dreg:$0x0] =	wrdreg $0x0  }
0xae: {  	s5 =	sshll.u32 s28, $0x1;
	[dreg:$0x2] =	wrdreg s3  }
0xaf: {  	[dreg:$0x3] =	wrdreg s5  }
0xb0: {  	[dreg:$0x4] =	wrdreg $0xC0  }
0xb1: {  	_ =	task [dreg:s7], $0x5FFFF  }
0xb2: {  	[dreg:$0x1] =	wrdreg $0xFFFFFFFF  }
0xb3: {  	[dreg:$0x0] =	wrdreg $0x60  }
0xb4: {  	[dreg:$0x2] =	wrdreg s24  }
0xb5: {  	[dreg:$0x3] =	wrdreg s16  }
0xb6: {  	[dreg:$0x4] =	wrdreg $0xA  }
0xb7: {  	_ =	task.clear_ibuf [dreg:s7], $0x5FFFF;
	_ =	strace $0x90000046  }
0xb8: {  	s29 =	simm.s32 $0xA;
	_ =	strace $0x80000048  }
0xb9: {  	_ =	swait.ge [sflag:s29], $0x1  }
0xba: {  	[sflag:s29] =	ssyncadd.s32 $0xFFFFFFFF  }
0xbb: {  	_ =	strace $0x90000048  }
0xbc: {  	_ =	sfence  }
0xbd: {  	s30 =	sld [smem:$0x0];
	_ =	sdelay $0x2  }
0xbe: {  	s31 =	sshll.u32 s1, $0xD;
	s1 =	sshrl.u32 s1, $0x2  }
0xbf: {  	s3 =	sand.u32 $0x4000, s31;
	s1 =	sadd.s32 s1, s30  }
0xc0: {  	s0 =	sor.u32 s3, s0;
	s1 =	sshll.u32 s1, $0x11  }
0xc1: {  	s0 =	sor.u32 s1, s0  }
0xc2: {  	s0 =	sadd.s32 $0x8F2B, s0  }
0xc3: {  	[sflag:s0] =	ssyncadd.remote.s32 $0x1  }
0xc4: {  	_ =	sfence.sel $0xFFFF  }
0xc5: {  	[dreg:$0x0] =	wrdreg $0xFFFFFFFF;
	(pc) =	sbr.abs _section_cstart, $3  }
0xc6: {  	[dreg:$0x1] =	wrdreg $0xFFFFFFFF  }
0xc7: {  	_ =	task.clear_ibuf [dreg:s7], $0x2FFFF;
	_ =	strace $0x9FFFFFFF  }
0xc8: {  	(tm) =	ssettm $0x7FFFFFFF  }
0xc9: {  	_ =	shalt  }
tec
execute0_lowered:
.L_overlay_start_1:
0x0: {  	(tag) =	ssettag $0x1  }
0x1: {  	s0 =	srdreg.scid  }
0x2: {  	s2 =	stileid.u32;
	s1 =	rddreg [dreg:$0x0]  }
0x3: {  	s3 =	rddreg [dreg:$0x1];
	s16 =	simm.s32 $0x280;
	s29 =	simm.s32 $0x1  }
0x4: {  	s30 =	simm.s32 $0x3;
	s31 =	simm.s32 $0x2;
	s17 =	simm.s32 $0x5280  }
0x5: {  	s18 =	simm.s32 $0x5A80;
	s19 =	simm.s32 $0x6280;
	s20 =	simm.s32 $0x6A80  }
0x6: {  	s28 =	simm.s32 $0xAA80;
	s8 =	simm.s32 $0xC280;
	s9 =	simm.s32 $0xCA80  }
0x7: {  	s10 =	simm.s32 $0xD280;
	s11 =	simm.s32 $0xDA80;
	s12 =	simm.s32 $0xE280  }
0x8: {  	s13 =	simm.s32 $0xEA80;
	s0 =	sand.u32 $0x1, s0;
	s2 =	sshll.u32 s2, $0x1  }
0x9: {  	s14 =	simm.s32 $0xF280;
	s15 =	simm.s32 $0xFA80;
	s4 =	sor.u32 s0, s2  }
0xa: {  	s7 =	sadd.s32 $0x54C00, s1;
	s2 =	simm.s32 $0x0;
	s5 =	smul.u32 $0x50, s4  }
0xb: {  	s0 =	ssub.s32 $0x2, s0;
	[smem:$0x7FF] =	sst s2;
	s6 =	smul.u32 $0x28000, s4  }
0xc: {  	s4 =	smul.u32 $0x5000, s4;
	s24 =	sshrl.u32 s0, $0x1;
	_ =	strace $0x80000047  }
0xd: {  	s0 =	ssub.s32 s0, s24;
	s24 =	simm.s32 $0x9280;
	s3 =	sadd.s32 s3, s5  }
0xe: {  	s21 =	sshrl.u32 s6, $0x3;
	s4 =	sadd.s32 s7, s4;
	s6 =	simm.s32 $0x8280  }
0xf: {  	[dreg:$0x3] =	wrdreg s3;
	s5 =	sadd.s32 s7, s21;
	s3 =	sadd.s32 $0x6A00, s1  }
0x10: {  	[dreg:$0x4] =	wrdreg s4;
	s4 =	smax.u32 s0, $0x1;
	s22 =	sadd.s32 $0x1000, s5  }
0x11: {  	s1 =	simm.s32 $0x4;
	s23 =	sadd.s32 $0x2000, s5;
	[dreg:$0x5] =	wrdreg s22  }
0x12: {  	s21 =	simm.s32 $0x7280;
	s25 =	sadd.s32 $0x3000, s5;
	[dreg:$0x6] =	wrdreg s23  }
0x13: {  	v2 =	vlaneseq.u32;
	s7 =	simm.s32 $0xBA80;
	s26 =	sadd.s32 $0x4000, s5;
	[dreg:$0x7] =	wrdreg s25  }
0x14: {  	vm0 =	vmmov $0xffff;
	v1 =	vshrl.u32 v2, $0x3;
	s5 =	simm.s32 $0xB280;
	[dreg:$0x8] =	wrdreg s26;
	s22 =	simm.s32 $0x7A80  }
0x15: {  	v0 =	vand.u32 $0x7, v2;
	v2 =	vor.u32 $0x8, v2;
	v1 =	vmul.u32 $0x8, v1;
	s23 =	simm.s32 $0x8A80;
	s25 =	simm.s32 $0x9A80;
	s26 =	simm.s32 $0xA280  }
.LBB2_1:
0x16: {  	s0 =	rddreg [dreg:$0x3]  }
0x17: {  	[tilespmem:s2], [sflag:$0x5] =	stream.linear.gather [hbm4b:s0+s2], $0x280, $0x38;
	[tilespmem:$0x10280] =	vst v63  }
0x18: {  	s0 =	simm.s32 $0x5  }
0x19: {  	_ =	swait.ge [sflag:s0], $0x280  }
0x1a: {  	[sflag:s0] =	ssyncset.done $0x0  }
0x1b: {  	[sflag:s0] =	ssyncadd.s32 $0xFFFFFD80  }
0x1c: {  	v3 =	vld [tilespmem:$0x0];
	_ =	sdelay $0x4  }
0x1d: {  	v4 =	vshll.u32 v3, $0x1  }
0x1e: {  	v3 =	vand.u32 $0x7, v3;
	v4 =	vand.u32 $0xFFFFFFF0, v4  }
0x1f: {  	v3 =	vor.u32 v3, v4  }
0x20: {  	v4 =	vperm.xlane v3, v0;
	_ =	sdelay $0x1  }
0x21: {  	v3 =	vperm.xlane v3, v2;
	v4 =	vadd.s32 v1, v4;
	_ =	sdelay $0x1  }
0x22: {  	v3 =	vadd.s32 v1, v3;
	_ =	sdelay $0x2  }
0x23: {  	[tilespmem:s16], [sflag:$0x1] =	stream.indirect_vreg.gather [hbm4b:s3+s2], $0x80, v4, vm0, $0xb8;
	[tilespmem:$0x10280] =	vst v63  }
0x24: {  	s0 =	simm.s32 $0xA80  }
0x25: {  	[tilespmem:s0], [sflag:$0x1] =	stream.indirect_vreg.gather [hbm4b:s3+s2], $0x80, v3, vm0, $0xb8;
	[tilespmem:$0x10280] =	vst v63  }
0x26: {  	v3 =	vld [tilespmem:$0x10];
	_ =	sdelay $0x4  }
0x27: {  	v25 =	vshll.u32 v3, $0x1  }
0x28: {  	v3 =	vand.u32 $0x7, v3;
	v4 =	vand.u32 $0xFFFFFFF0, v25  }
0x29: {  	v3 =	vor.u32 v3, v4  }
0x2a: {  	v4 =	vperm.xlane v3, v0;
	_ =	sdelay $0x1  }
0x2b: {  	v3 =	vperm.xlane v3, v2;
	v4 =	vadd.s32 v1, v4;
	_ =	sdelay $0x1  }
0x2c: {  	v3 =	vadd.s32 v1, v3;
	_ =	sdelay $0x1  }
0x2d: {  	s0 =	simm.s32 $0x1280  }
0x2e: {  	[tilespmem:s0], [sflag:$0x1] =	stream.indirect_vreg.gather [hbm4b:s3+s2], $0x80, v4, vm0, $0xb8;
	[tilespmem:$0x10280] =	vst v63  }
0x2f: {  	s0 =	simm.s32 $0x1A80  }
0x30: {  	[tilespmem:s0], [sflag:$0x1] =	stream.indirect_vreg.gather [hbm4b:s3+s2], $0x80, v3, vm0, $0xb8;
	[tilespmem:$0x10280] =	vst v63  }
0x31: {  	v3 =	vld [tilespmem:$0x20];
	_ =	sdelay $0x4  }
0x32: {  	v26 =	vshll.u32 v3, $0x1  }
0x33: {  	v3 =	vand.u32 $0x7, v3;
	v4 =	vand.u32 $0xFFFFFFF0, v26  }
0x34: {  	v3 =	vor.u32 v3, v4  }
0x35: {  	v4 =	vperm.xlane v3, v0;
	_ =	sdelay $0x1  }
0x36: {  	v3 =	vperm.xlane v3, v2;
	v4 =	vadd.s32 v1, v4;
	_ =	sdelay $0x1  }
0x37: {  	v3 =	vadd.s32 v1, v3;
	_ =	sdelay $0x1  }
0x38: {  	s0 =	simm.s32 $0x2280  }
0x39: {  	[tilespmem:s0], [sflag:$0x1] =	stream.indirect_vreg.gather [hbm4b:s3+s2], $0x80, v4, vm0, $0xb8;
	[tilespmem:$0x10280] =	vst v63  }
0x3a: {  	s0 =	simm.s32 $0x2A80  }
0x3b: {  	[tilespmem:s0], [sflag:$0x1] =	stream.indirect_vreg.gather [hbm4b:s3+s2], $0x80, v3, vm0, $0xb8;
	[tilespmem:$0x10280] =	vst v63  }
0x3c: {  	v3 =	vld [tilespmem:$0x30];
	_ =	sdelay $0x4  }
0x3d: {  	v27 =	vshll.u32 v3, $0x1  }
0x3e: {  	v3 =	vand.u32 $0x7, v3;
	v4 =	vand.u32 $0xFFFFFFF0, v27  }
0x3f: {  	v3 =	vor.u32 v3, v4  }
0x40: {  	v4 =	vperm.xlane v3, v0;
	_ =	sdelay $0x1  }
0x41: {  	v3 =	vperm.xlane v3, v2;
	v4 =	vadd.s32 v1, v4;
	_ =	sdelay $0x1  }
0x42: {  	v3 =	vadd.s32 v1, v3;
	_ =	sdelay $0x1  }
0x43: {  	s0 =	simm.s32 $0x3280  }
0x44: {  	[tilespmem:s0], [sflag:$0x1] =	stream.indirect_vreg.gather [hbm4b:s3+s2], $0x80, v4, vm0, $0xb8;
	[tilespmem:$0x10280] =	vst v63  }
0x45: {  	s0 =	simm.s32 $0x3A80  }
0x46: {  	[tilespmem:s0], [sflag:$0x1] =	stream.indirect_vreg.gather [hbm4b:s3+s2], $0x80, v3, vm0, $0xb8;
	[tilespmem:$0x10280] =	vst v63  }
0x47: {  	v3 =	vld [tilespmem:$0x40];
	_ =	sdelay $0x4  }
0x48: {  	v28 =	vshll.u32 v3, $0x1  }
0x49: {  	v3 =	vand.u32 $0x7, v3;
	v4 =	vand.u32 $0xFFFFFFF0, v28  }
0x4a: {  	v3 =	vor.u32 v3, v4  }
0x4b: {  	v4 =	vperm.xlane v3, v0;
	_ =	sdelay $0x1  }
0x4c: {  	v3 =	vperm.xlane v3, v2;
	v4 =	vadd.s32 v1, v4;
	_ =	sdelay $0x1  }
0x4d: {  	v3 =	vadd.s32 v1, v3;
	_ =	sdelay $0x1  }
0x4e: {  	s0 =	simm.s32 $0x4280  }
0x4f: {  	[tilespmem:s0], [sflag:$0x1] =	stream.indirect_vreg.gather [hbm4b:s3+s2], $0x80, v4, vm0, $0xb8;
	[tilespmem:$0x10280] =	vst v63  }
0x50: {  	s0 =	simm.s32 $0x4A80  }
0x51: {  	[tilespmem:s0], [sflag:$0x1] =	stream.indirect_vreg.gather [hbm4b:s3+s2], $0x80, v3, vm0, $0xb8;
	[tilespmem:$0x10280] =	vst v63  }
0x52: {  	v3 =	vld [tilespmem:$0x50];
	_ =	sdelay $0x4  }
0x53: {  	v29 =	vshll.u32 v3, $0x1  }
0x54: {  	v3 =	vand.u32 $0x7, v3;
	v4 =	vand.u32 $0xFFFFFFF0, v29  }
0x55: {  	v3 =	vor.u32 v3, v4  }
0x56: {  	v4 =	vperm.xlane v3, v0;
	_ =	sdelay $0x1  }
0x57: {  	v3 =	vperm.xlane v3, v2;
	v4 =	vadd.s32 v1, v4;
	_ =	sdelay $0x1  }
0x58: {  	v3 =	vadd.s32 v1, v3;
	_ =	sdelay $0x2  }
0x59: {  	[tilespmem:s17], [sflag:$0x1] =	stream.indirect_vreg.gather [hbm4b:s3+s2], $0x80, v4, vm0, $0xb8;
	[tilespmem:$0x10280] =	vst v63  }
0x5a: {  	_ = 	snop  }
0x5b: {  	[tilespmem:s18], [sflag:$0x1] =	stream.indirect_vreg.gather [hbm4b:s3+s2], $0x80, v3, vm0, $0xb8;
	[tilespmem:$0x10280] =	vst v63  }
0x5c: {  	v3 =	vld [tilespmem:$0x60];
	_ =	sdelay $0x4  }
0x5d: {  	v30 =	vshll.u32 v3, $0x1  }
0x5e: {  	v3 =	vand.u32 $0x7, v3;
	v4 =	vand.u32 $0xFFFFFFF0, v30  }
0x5f: {  	v3 =	vor.u32 v3, v4  }
0x60: {  	v4 =	vperm.xlane v3, v0;
	_ =	sdelay $0x1  }
0x61: {  	v3 =	vperm.xlane v3, v2;
	v4 =	vadd.s32 v1, v4;
	_ =	sdelay $0x1  }
0x62: {  	v3 =	vadd.s32 v1, v3;
	_ =	sdelay $0x2  }
0x63: {  	[tilespmem:s19], [sflag:$0x1] =	stream.indirect_vreg.gather [hbm4b:s3+s2], $0x80, v4, vm0, $0xb8;
	[tilespmem:$0x10280] =	vst v63  }
0x64: {  	_ = 	snop  }
0x65: {  	[tilespmem:s20], [sflag:$0x1] =	stream.indirect_vreg.gather [hbm4b:s3+s2], $0x80, v3, vm0, $0xb8;
	[tilespmem:$0x10280] =	vst v63  }
0x66: {  	v3 =	vld [tilespmem:$0x70];
	_ =	sdelay $0x4  }
0x67: {  	v31 =	vshll.u32 v3, $0x1  }
0x68: {  	v3 =	vand.u32 $0x7, v3;
	v4 =	vand.u32 $0xFFFFFFF0, v31  }
0x69: {  	v3 =	vor.u32 v3, v4  }
0x6a: {  	v4 =	vperm.xlane v3, v0;
	_ =	sdelay $0x1  }
0x6b: {  	v3 =	vperm.xlane v3, v2;
	v4 =	vadd.s32 v1, v4;
	_ =	sdelay $0x1  }
0x6c: {  	v3 =	vadd.s32 v1, v3;
	_ =	sdelay $0x2  }
0x6d: {  	[tilespmem:s21], [sflag:$0x1] =	stream.indirect_vreg.gather [hbm4b:s3+s2], $0x80, v4, vm0, $0xb8;
	[tilespmem:$0x10280] =	vst v63  }
0x6e: {  	_ = 	snop  }
0x6f: {  	[tilespmem:s22], [sflag:$0x1] =	stream.indirect_vreg.gather [hbm4b:s3+s2], $0x80, v3, vm0, $0xb8;
	[tilespmem:$0x10280] =	vst v63  }
0x70: {  	v3 =	vld [tilespmem:$0x80];
	_ =	sdelay $0x4  }
0x71: {  	v32 =	vshll.u32 v3, $0x1  }
0x72: {  	v3 =	vand.u32 $0x7, v3;
	v4 =	vand.u32 $0xFFFFFFF0, v32  }
0x73: {  	v3 =	vor.u32 v3, v4  }
0x74: {  	v4 =	vperm.xlane v3, v0;
	_ =	sdelay $0x1  }
0x75: {  	v3 =	vperm.xlane v3, v2;
	v4 =	vadd.s32 v1, v4;
	_ =	sdelay $0x1  }
0x76: {  	v3 =	vadd.s32 v1, v3;
	_ =	sdelay $0x2  }
0x77: {  	[tilespmem:s6], [sflag:$0x2] =	stream.indirect_vreg.gather [hbm4b:s3+s2], $0x80, v4, vm0, $0xb8;
	[tilespmem:$0x10280] =	vst v63  }
0x78: {  	_ = 	snop  }
0x79: {  	[tilespmem:s23], [sflag:$0x2] =	stream.indirect_vreg.gather [hbm4b:s3+s2], $0x80, v3, vm0, $0xb8;
	[tilespmem:$0x10280] =	vst v63  }
0x7a: {  	v3 =	vld [tilespmem:$0x90];
	_ =	sdelay $0x4  }
0x7b: {  	v33 =	vshll.u32 v3, $0x1  }
0x7c: {  	v3 =	vand.u32 $0x7, v3;
	v4 =	vand.u32 $0xFFFFFFF0, v33  }
0x7d: {  	v3 =	vor.u32 v3, v4  }
0x7e: {  	v4 =	vperm.xlane v3, v0;
	_ =	sdelay $0x1  }
0x7f: {  	v3 =	vperm.xlane v3, v2;
	v4 =	vadd.s32 v1, v4;
	_ =	sdelay $0x1  }
0x80: {  	v3 =	vadd.s32 v1, v3;
	_ =	sdelay $0x2  }
0x81: {  	[tilespmem:s24], [sflag:$0x2] =	stream.indirect_vreg.gather [hbm4b:s3+s2], $0x80, v4, vm0, $0xb8;
	[tilespmem:$0x10280] =	vst v63  }
0x82: {  	_ = 	snop  }
0x83: {  	[tilespmem:s25], [sflag:$0x2] =	stream.indirect_vreg.gather [hbm4b:s3+s2], $0x80, v3, vm0, $0xb8;
	[tilespmem:$0x10280] =	vst v63  }
0x84: {  	v3 =	vld [tilespmem:$0xA0];
	_ =	sdelay $0x4  }
0x85: {  	v34 =	vshll.u32 v3, $0x1  }
0x86: {  	v3 =	vand.u32 $0x7, v3;
	v4 =	vand.u32 $0xFFFFFFF0, v34  }
0x87: {  	v3 =	vor.u32 v3, v4  }
0x88: {  	v4 =	vperm.xlane v3, v0;
	_ =	sdelay $0x1  }
0x89: {  	v3 =	vperm.xlane v3, v2;
	v4 =	vadd.s32 v1, v4;
	_ =	sdelay $0x1  }
0x8a: {  	v3 =	vadd.s32 v1, v3;
	_ =	sdelay $0x2  }
0x8b: {  	[tilespmem:s26], [sflag:$0x2] =	stream.indirect_vreg.gather [hbm4b:s3+s2], $0x80, v4, vm0, $0xb8;
	[tilespmem:$0x10280] =	vst v63  }
0x8c: {  	_ = 	snop  }
0x8d: {  	[tilespmem:s28], [sflag:$0x2] =	stream.indirect_vreg.gather [hbm4b:s3+s2], $0x80, v3, vm0, $0xb8;
	[tilespmem:$0x10280] =	vst v63  }
0x8e: {  	v3 =	vld [tilespmem:$0xB0];
	_ =	sdelay $0x4  }
0x8f: {  	v35 =	vshll.u32 v3, $0x1  }
0x90: {  	v3 =	vand.u32 $0x7, v3;
	v4 =	vand.u32 $0xFFFFFFF0, v35  }
0x91: {  	v3 =	vor.u32 v3, v4  }
0x92: {  	v4 =	vperm.xlane v3, v0;
	_ =	sdelay $0x1  }
0x93: {  	v3 =	vperm.xlane v3, v2;
	v4 =	vadd.s32 v1, v4;
	_ =	sdelay $0x1  }
0x94: {  	v3 =	vadd.s32 v1, v3;
	_ =	sdelay $0x2  }
0x95: {  	[tilespmem:s5], [sflag:$0x2] =	stream.indirect_vreg.gather [hbm4b:s3+s2], $0x80, v4, vm0, $0xb8;
	[tilespmem:$0x10280] =	vst v63  }
0x96: {  	_ = 	snop  }
0x97: {  	[tilespmem:s7], [sflag:$0x2] =	stream.indirect_vreg.gather [hbm4b:s3+s2], $0x80, v3, vm0, $0xb8;
	[tilespmem:$0x10280] =	vst v63  }
0x98: {  	v3 =	vld [tilespmem:$0xC0];
	_ =	sdelay $0x4  }
0x99: {  	v36 =	vshll.u32 v3, $0x1  }
0x9a: {  	v3 =	vand.u32 $0x7, v3;
	v4 =	vand.u32 $0xFFFFFFF0, v36  }
0x9b: {  	v3 =	vor.u32 v3, v4  }
0x9c: {  	v4 =	vperm.xlane v3, v0;
	_ =	sdelay $0x1  }
0x9d: {  	v3 =	vperm.xlane v3, v2;
	v4 =	vadd.s32 v1, v4;
	_ =	sdelay $0x1  }
0x9e: {  	v3 =	vadd.s32 v1, v3;
	_ =	sdelay $0x2  }
0x9f: {  	[tilespmem:s8], [sflag:$0x2] =	stream.indirect_vreg.gather [hbm4b:s3+s2], $0x80, v4, vm0, $0xb8;
	[tilespmem:$0x10280] =	vst v63  }
0xa0: {  	_ = 	snop  }
0xa1: {  	[tilespmem:s9], [sflag:$0x2] =	stream.indirect_vreg.gather [hbm4b:s3+s2], $0x80, v3, vm0, $0xb8;
	[tilespmem:$0x10280] =	vst v63  }
0xa2: {  	v3 =	vld [tilespmem:$0xD0];
	_ =	sdelay $0x4  }
0xa3: {  	v37 =	vshll.u32 v3, $0x1  }
0xa4: {  	v3 =	vand.u32 $0x7, v3;
	v4 =	vand.u32 $0xFFFFFFF0, v37  }
0xa5: {  	v3 =	vor.u32 v3, v4  }
0xa6: {  	v4 =	vperm.xlane v3, v0;
	_ =	sdelay $0x1  }
0xa7: {  	v3 =	vperm.xlane v3, v2;
	v4 =	vadd.s32 v1, v4;
	_ =	sdelay $0x1  }
0xa8: {  	v3 =	vadd.s32 v1, v3;
	_ =	sdelay $0x2  }
0xa9: {  	[tilespmem:s10], [sflag:$0x2] =	stream.indirect_vreg.gather [hbm4b:s3+s2], $0x80, v4, vm0, $0xb8;
	[tilespmem:$0x10280] =	vst v63  }
0xaa: {  	_ = 	snop  }
0xab: {  	[tilespmem:s11], [sflag:$0x2] =	stream.indirect_vreg.gather [hbm4b:s3+s2], $0x80, v3, vm0, $0xb8;
	[tilespmem:$0x10280] =	vst v63  }
0xac: {  	v3 =	vld [tilespmem:$0xE0];
	_ =	sdelay $0x4  }
0xad: {  	v38 =	vshll.u32 v3, $0x1  }
0xae: {  	v3 =	vand.u32 $0x7, v3;
	v4 =	vand.u32 $0xFFFFFFF0, v38  }
0xaf: {  	v3 =	vor.u32 v3, v4  }
0xb0: {  	v4 =	vperm.xlane v3, v0;
	_ =	sdelay $0x1  }
0xb1: {  	v3 =	vperm.xlane v3, v2;
	v4 =	vadd.s32 v1, v4;
	_ =	sdelay $0x1  }
0xb2: {  	v3 =	vadd.s32 v1, v3;
	_ =	sdelay $0x2  }
0xb3: {  	[tilespmem:s12], [sflag:$0x2] =	stream.indirect_vreg.gather [hbm4b:s3+s2], $0x80, v4, vm0, $0xb8;
	[tilespmem:$0x10280] =	vst v63  }
0xb4: {  	_ = 	snop  }
0xb5: {  	[tilespmem:s13], [sflag:$0x2] =	stream.indirect_vreg.gather [hbm4b:s3+s2], $0x80, v3, vm0, $0xb8;
	[tilespmem:$0x10280] =	vst v63  }
0xb6: {  	v3 =	vld [tilespmem:$0xF0];
	_ =	sdelay $0x4  }
0xb7: {  	v39 =	vshll.u32 v3, $0x1  }
0xb8: {  	v3 =	vand.u32 $0x7, v3;
	v4 =	vand.u32 $0xFFFFFFF0, v39  }
0xb9: {  	v3 =	vor.u32 v3, v4  }
0xba: {  	v4 =	vperm.xlane v3, v0;
	_ =	sdelay $0x1  }
0xbb: {  	v3 =	vperm.xlane v3, v2;
	v4 =	vadd.s32 v1, v4;
	_ =	sdelay $0x1  }
0xbc: {  	v3 =	vadd.s32 v1, v3;
	_ =	sdelay $0x2  }
0xbd: {  	[tilespmem:s14], [sflag:$0x2] =	stream.indirect_vreg.gather [hbm4b:s3+s2], $0x80, v4, vm0, $0xb8;
	[tilespmem:$0x10280] =	vst v63  }
0xbe: {  	_ = 	snop  }
0xbf: {  	[tilespmem:s15], [sflag:$0x2] =	stream.indirect_vreg.gather [hbm4b:s3+s2], $0x80, v3, vm0, $0xb8;
	[tilespmem:$0x10280] =	vst v63  }
0xc0: {  	_ =	swait.ge [sflag:s29], $0x8000  }
0xc1: {  	[sflag:s29] =	ssyncset.done $0x0  }
0xc2: {  	s0 =	rddreg [dreg:$0x4];
	[sflag:s29] =	ssyncadd.s32 $0xFFFF8000  }
0xc3: {  	[hbm4b:s0+s2] =	stream.linear.scatter [tilespmem:s16], [sflag:$0x3], $0x8000, $0x38;
	[tilespmem:$0x10280] =	vst v63  }
0xc4: {  	_ =	swait.ge [sflag:s30], $0x8000  }
0xc5: {  	[sflag:s30] =	ssyncset.done $0x0  }
0xc6: {  	[sflag:s30] =	ssyncadd.s32 $0xFFFF8000  }
0xc7: {  	v3 =	vld [tilespmem:$0x100];
	_ =	sdelay $0x4  }
0xc8: {  	v40 =	vshll.u32 v3, $0x1  }
0xc9: {  	v3 =	vand.u32 $0x7, v3;
	v4 =	vand.u32 $0xFFFFFFF0, v40  }
0xca: {  	v3 =	vor.u32 v3, v4  }
0xcb: {  	v4 =	vperm.xlane v3, v0;
	_ =	sdelay $0x1  }
0xcc: {  	v3 =	vperm.xlane v3, v2;
	v4 =	vadd.s32 v1, v4;
	_ =	sdelay $0x1  }
0xcd: {  	v3 =	vadd.s32 v1, v3;
	_ =	sdelay $0x2  }
0xce: {  	[tilespmem:s16], [sflag:$0x1] =	stream.indirect_vreg.gather [hbm4b:s3+s2], $0x80, v4, vm0, $0xb8;
	[tilespmem:$0x10280] =	vst v63  }
0xcf: {  	s0 =	simm.s32 $0xA80  }
0xd0: {  	[tilespmem:s0], [sflag:$0x1] =	stream.indirect_vreg.gather [hbm4b:s3+s2], $0x80, v3, vm0, $0xb8;
	[tilespmem:$0x10280] =	vst v63  }
0xd1: {  	v3 =	vld [tilespmem:$0x110];
	_ =	sdelay $0x4  }
0xd2: {  	v41 =	vshll.u32 v3, $0x1  }
0xd3: {  	v3 =	vand.u32 $0x7, v3;
	v4 =	vand.u32 $0xFFFFFFF0, v41  }
0xd4: {  	v3 =	vor.u32 v3, v4  }
0xd5: {  	v4 =	vperm.xlane v3, v0;
	_ =	sdelay $0x1  }
0xd6: {  	v3 =	vperm.xlane v3, v2;
	v4 =	vadd.s32 v1, v4;
	_ =	sdelay $0x1  }
0xd7: {  	v3 =	vadd.s32 v1, v3;
	_ =	sdelay $0x1  }
0xd8: {  	s0 =	simm.s32 $0x1280  }
0xd9: {  	[tilespmem:s0], [sflag:$0x1] =	stream.indirect_vreg.gather [hbm4b:s3+s2], $0x80, v4, vm0, $0xb8;
	[tilespmem:$0x10280] =	vst v63  }
0xda: {  	s0 =	simm.s32 $0x1A80  }
0xdb: {  	[tilespmem:s0], [sflag:$0x1] =	stream.indirect_vreg.gather [hbm4b:s3+s2], $0x80, v3, vm0, $0xb8;
	[tilespmem:$0x10280] =	vst v63  }
0xdc: {  	v3 =	vld [tilespmem:$0x120];
	_ =	sdelay $0x4  }
0xdd: {  	v42 =	vshll.u32 v3, $0x1  }
0xde: {  	v3 =	vand.u32 $0x7, v3;
	v4 =	vand.u32 $0xFFFFFFF0, v42  }
0xdf: {  	v3 =	vor.u32 v3, v4  }
0xe0: {  	v4 =	vperm.xlane v3, v0;
	_ =	sdelay $0x1  }
0xe1: {  	v3 =	vperm.xlane v3, v2;
	v4 =	vadd.s32 v1, v4;
	_ =	sdelay $0x1  }
0xe2: {  	v3 =	vadd.s32 v1, v3;
	_ =	sdelay $0x1  }
0xe3: {  	s0 =	simm.s32 $0x2280  }
0xe4: {  	[tilespmem:s0], [sflag:$0x1] =	stream.indirect_vreg.gather [hbm4b:s3+s2], $0x80, v4, vm0, $0xb8;
	[tilespmem:$0x10280] =	vst v63  }
0xe5: {  	s0 =	simm.s32 $0x2A80  }
0xe6: {  	[tilespmem:s0], [sflag:$0x1] =	stream.indirect_vreg.gather [hbm4b:s3+s2], $0x80, v3, vm0, $0xb8;
	[tilespmem:$0x10280] =	vst v63  }
0xe7: {  	v3 =	vld [tilespmem:$0x130];
	_ =	sdelay $0x4  }
0xe8: {  	v43 =	vshll.u32 v3, $0x1  }
0xe9: {  	v3 =	vand.u32 $0x7, v3;
	v4 =	vand.u32 $0xFFFFFFF0, v43  }
0xea: {  	v3 =	vor.u32 v3, v4  }
0xeb: {  	v4 =	vperm.xlane v3, v0;
	_ =	sdelay $0x1  }
0xec: {  	v3 =	vperm.xlane v3, v2;
	v4 =	vadd.s32 v1, v4;
	_ =	sdelay $0x1  }
0xed: {  	v3 =	vadd.s32 v1, v3;
	_ =	sdelay $0x1  }
0xee: {  	s0 =	simm.s32 $0x3280  }
0xef: {  	[tilespmem:s0], [sflag:$0x1] =	stream.indirect_vreg.gather [hbm4b:s3+s2], $0x80, v4, vm0, $0xb8;
	[tilespmem:$0x10280] =	vst v63  }
0xf0: {  	s0 =	simm.s32 $0x3A80  }
0xf1: {  	[tilespmem:s0], [sflag:$0x1] =	stream.indirect_vreg.gather [hbm4b:s3+s2], $0x80, v3, vm0, $0xb8;
	[tilespmem:$0x10280] =	vst v63  }
0xf2: {  	v3 =	vld [tilespmem:$0x140];
	_ =	sdelay $0x4  }
0xf3: {  	v44 =	vshll.u32 v3, $0x1  }
0xf4: {  	v3 =	vand.u32 $0x7, v3;
	v4 =	vand.u32 $0xFFFFFFF0, v44  }
0xf5: {  	v3 =	vor.u32 v3, v4  }
0xf6: {  	v4 =	vperm.xlane v3, v0;
	_ =	sdelay $0x1  }
0xf7: {  	v3 =	vperm.xlane v3, v2;
	v4 =	vadd.s32 v1, v4;
	_ =	sdelay $0x1  }
0xf8: {  	v3 =	vadd.s32 v1, v3;
	_ =	sdelay $0x1  }
0xf9: {  	s0 =	simm.s32 $0x4280  }
0xfa: {  	[tilespmem:s0], [sflag:$0x1] =	stream.indirect_vreg.gather [hbm4b:s3+s2], $0x80, v4, vm0, $0xb8;
	[tilespmem:$0x10280] =	vst v63  }
0xfb: {  	s0 =	simm.s32 $0x4A80  }
0xfc: {  	[tilespmem:s0], [sflag:$0x1] =	stream.indirect_vreg.gather [hbm4b:s3+s2], $0x80, v3, vm0, $0xb8;
	[tilespmem:$0x10280] =	vst v63  }
0xfd: {  	v3 =	vld [tilespmem:$0x150];
	_ =	sdelay $0x4  }
0xfe: {  	v45 =	vshll.u32 v3, $0x1  }
0xff: {  	v3 =	vand.u32 $0x7, v3;
	v4 =	vand.u32 $0xFFFFFFF0, v45  }
0x100: {  	v3 =	vor.u32 v3, v4  }
0x101: {  	v4 =	vperm.xlane v3, v0;
	_ =	sdelay $0x1  }
0x102: {  	v3 =	vperm.xlane v3, v2;
	v4 =	vadd.s32 v1, v4;
	_ =	sdelay $0x1  }
0x103: {  	v3 =	vadd.s32 v1, v3;
	_ =	sdelay $0x2  }
0x104: {  	[tilespmem:s17], [sflag:$0x1] =	stream.indirect_vreg.gather [hbm4b:s3+s2], $0x80, v4, vm0, $0xb8;
	[tilespmem:$0x10280] =	vst v63  }
0x105: {  	_ = 	snop  }
0x106: {  	[tilespmem:s18], [sflag:$0x1] =	stream.indirect_vreg.gather [hbm4b:s3+s2], $0x80, v3, vm0, $0xb8;
	[tilespmem:$0x10280] =	vst v63  }
0x107: {  	v3 =	vld [tilespmem:$0x160];
	_ =	sdelay $0x4  }
0x108: {  	v46 =	vshll.u32 v3, $0x1  }
0x109: {  	v3 =	vand.u32 $0x7, v3;
	v4 =	vand.u32 $0xFFFFFFF0, v46  }
0x10a: {  	v3 =	vor.u32 v3, v4  }
0x10b: {  	v4 =	vperm.xlane v3, v0;
	_ =	sdelay $0x1  }
0x10c: {  	v3 =	vperm.xlane v3, v2;
	v4 =	vadd.s32 v1, v4;
	_ =	sdelay $0x1  }
0x10d: {  	v3 =	vadd.s32 v1, v3;
	_ =	sdelay $0x2  }
0x10e: {  	[tilespmem:s19], [sflag:$0x1] =	stream.indirect_vreg.gather [hbm4b:s3+s2], $0x80, v4, vm0, $0xb8;
	[tilespmem:$0x10280] =	vst v63  }
0x10f: {  	_ = 	snop  }
0x110: {  	[tilespmem:s20], [sflag:$0x1] =	stream.indirect_vreg.gather [hbm4b:s3+s2], $0x80, v3, vm0, $0xb8;
	[tilespmem:$0x10280] =	vst v63  }
0x111: {  	v3 =	vld [tilespmem:$0x170];
	_ =	sdelay $0x4  }
0x112: {  	v47 =	vshll.u32 v3, $0x1  }
0x113: {  	v3 =	vand.u32 $0x7, v3;
	v4 =	vand.u32 $0xFFFFFFF0, v47  }
0x114: {  	v3 =	vor.u32 v3, v4  }
0x115: {  	v4 =	vperm.xlane v3, v0;
	_ =	sdelay $0x1  }
0x116: {  	v3 =	vperm.xlane v3, v2;
	v4 =	vadd.s32 v1, v4;
	_ =	sdelay $0x1  }
0x117: {  	v3 =	vadd.s32 v1, v3;
	_ =	sdelay $0x2  }
0x118: {  	[tilespmem:s21], [sflag:$0x1] =	stream.indirect_vreg.gather [hbm4b:s3+s2], $0x80, v4, vm0, $0xb8;
	[tilespmem:$0x10280] =	vst v63  }
0x119: {  	_ = 	snop  }
0x11a: {  	[tilespmem:s22], [sflag:$0x1] =	stream.indirect_vreg.gather [hbm4b:s3+s2], $0x80, v3, vm0, $0xb8;
	[tilespmem:$0x10280] =	vst v63  }
0x11b: {  	_ =	swait.ge [sflag:s31], $0x8000  }
0x11c: {  	[sflag:s31] =	ssyncset.done $0x0  }
0x11d: {  	s0 =	rddreg [dreg:$0x5];
	[sflag:s31] =	ssyncadd.s32 $0xFFFF8000  }
0x11e: {  	[hbm4b:s0+s2] =	stream.linear.scatter [tilespmem:s6], [sflag:$0x4], $0x8000, $0x38;
	[tilespmem:$0x10280] =	vst v63  }
0x11f: {  	_ =	swait.ge [sflag:s1], $0x8000  }
0x120: {  	[sflag:s1] =	ssyncset.done $0x0  }
0x121: {  	[sflag:s1] =	ssyncadd.s32 $0xFFFF8000  }
0x122: {  	v3 =	vld [tilespmem:$0x180];
	_ =	sdelay $0x4  }
0x123: {  	v48 =	vshll.u32 v3, $0x1  }
0x124: {  	v3 =	vand.u32 $0x7, v3;
	v4 =	vand.u32 $0xFFFFFFF0, v48  }
0x125: {  	v3 =	vor.u32 v3, v4  }
0x126: {  	v4 =	vperm.xlane v3, v0;
	_ =	sdelay $0x1  }
0x127: {  	v3 =	vperm.xlane v3, v2;
	v4 =	vadd.s32 v1, v4;
	_ =	sdelay $0x1  }
0x128: {  	v3 =	vadd.s32 v1, v3;
	_ =	sdelay $0x2  }
0x129: {  	[tilespmem:s6], [sflag:$0x2] =	stream.indirect_vreg.gather [hbm4b:s3+s2], $0x80, v4, vm0, $0xb8;
	[tilespmem:$0x10280] =	vst v63  }
0x12a: {  	_ = 	snop  }
0x12b: {  	[tilespmem:s23], [sflag:$0x2] =	stream.indirect_vreg.gather [hbm4b:s3+s2], $0x80, v3, vm0, $0xb8;
	[tilespmem:$0x10280] =	vst v63  }
0x12c: {  	v3 =	vld [tilespmem:$0x190];
	_ =	sdelay $0x4  }
0x12d: {  	v49 =	vshll.u32 v3, $0x1  }
0x12e: {  	v3 =	vand.u32 $0x7, v3;
	v4 =	vand.u32 $0xFFFFFFF0, v49  }
0x12f: {  	v3 =	vor.u32 v3, v4  }
0x130: {  	v4 =	vperm.xlane v3, v0;
	_ =	sdelay $0x1  }
0x131: {  	v3 =	vperm.xlane v3, v2;
	v4 =	vadd.s32 v1, v4;
	_ =	sdelay $0x1  }
0x132: {  	v3 =	vadd.s32 v1, v3;
	_ =	sdelay $0x2  }
0x133: {  	[tilespmem:s24], [sflag:$0x2] =	stream.indirect_vreg.gather [hbm4b:s3+s2], $0x80, v4, vm0, $0xb8;
	[tilespmem:$0x10280] =	vst v63  }
0x134: {  	_ = 	snop  }
0x135: {  	[tilespmem:s25], [sflag:$0x2] =	stream.indirect_vreg.gather [hbm4b:s3+s2], $0x80, v3, vm0, $0xb8;
	[tilespmem:$0x10280] =	vst v63  }
0x136: {  	v3 =	vld [tilespmem:$0x1A0];
	_ =	sdelay $0x4  }
0x137: {  	v50 =	vshll.u32 v3, $0x1  }
0x138: {  	v3 =	vand.u32 $0x7, v3;
	v4 =	vand.u32 $0xFFFFFFF0, v50  }
0x139: {  	v3 =	vor.u32 v3, v4  }
0x13a: {  	v4 =	vperm.xlane v3, v0;
	_ =	sdelay $0x1  }
0x13b: {  	v3 =	vperm.xlane v3, v2;
	v4 =	vadd.s32 v1, v4;
	_ =	sdelay $0x1  }
0x13c: {  	v3 =	vadd.s32 v1, v3;
	_ =	sdelay $0x2  }
0x13d: {  	[tilespmem:s26], [sflag:$0x2] =	stream.indirect_vreg.gather [hbm4b:s3+s2], $0x80, v4, vm0, $0xb8;
	[tilespmem:$0x10280] =	vst v63  }
0x13e: {  	_ = 	snop  }
0x13f: {  	[tilespmem:s28], [sflag:$0x2] =	stream.indirect_vreg.gather [hbm4b:s3+s2], $0x80, v3, vm0, $0xb8;
	[tilespmem:$0x10280] =	vst v63  }
0x140: {  	v3 =	vld [tilespmem:$0x1B0];
	_ =	sdelay $0x4  }
0x141: {  	v51 =	vshll.u32 v3, $0x1  }
0x142: {  	v3 =	vand.u32 $0x7, v3;
	v4 =	vand.u32 $0xFFFFFFF0, v51  }
0x143: {  	v3 =	vor.u32 v3, v4  }
0x144: {  	v4 =	vperm.xlane v3, v0;
	_ =	sdelay $0x1  }
0x145: {  	v3 =	vperm.xlane v3, v2;
	v4 =	vadd.s32 v1, v4;
	_ =	sdelay $0x1  }
0x146: {  	v3 =	vadd.s32 v1, v3;
	_ =	sdelay $0x2  }
0x147: {  	[tilespmem:s5], [sflag:$0x2] =	stream.indirect_vreg.gather [hbm4b:s3+s2], $0x80, v4, vm0, $0xb8;
	[tilespmem:$0x10280] =	vst v63  }
0x148: {  	_ = 	snop  }
0x149: {  	[tilespmem:s7], [sflag:$0x2] =	stream.indirect_vreg.gather [hbm4b:s3+s2], $0x80, v3, vm0, $0xb8;
	[tilespmem:$0x10280] =	vst v63  }
0x14a: {  	v3 =	vld [tilespmem:$0x1C0];
	_ =	sdelay $0x4  }
0x14b: {  	v52 =	vshll.u32 v3, $0x1  }
0x14c: {  	v3 =	vand.u32 $0x7, v3;
	v4 =	vand.u32 $0xFFFFFFF0, v52  }
0x14d: {  	v3 =	vor.u32 v3, v4  }
0x14e: {  	v4 =	vperm.xlane v3, v0;
	_ =	sdelay $0x1  }
0x14f: {  	v3 =	vperm.xlane v3, v2;
	v4 =	vadd.s32 v1, v4;
	_ =	sdelay $0x1  }
0x150: {  	v3 =	vadd.s32 v1, v3;
	_ =	sdelay $0x2  }
0x151: {  	[tilespmem:s8], [sflag:$0x2] =	stream.indirect_vreg.gather [hbm4b:s3+s2], $0x80, v4, vm0, $0xb8;
	[tilespmem:$0x10280] =	vst v63  }
0x152: {  	_ = 	snop  }
0x153: {  	[tilespmem:s9], [sflag:$0x2] =	stream.indirect_vreg.gather [hbm4b:s3+s2], $0x80, v3, vm0, $0xb8;
	[tilespmem:$0x10280] =	vst v63  }
0x154: {  	v3 =	vld [tilespmem:$0x1D0];
	_ =	sdelay $0x4  }
0x155: {  	v53 =	vshll.u32 v3, $0x1  }
0x156: {  	v3 =	vand.u32 $0x7, v3;
	v4 =	vand.u32 $0xFFFFFFF0, v53  }
0x157: {  	v3 =	vor.u32 v3, v4  }
0x158: {  	v4 =	vperm.xlane v3, v0;
	_ =	sdelay $0x1  }
0x159: {  	v3 =	vperm.xlane v3, v2;
	v4 =	vadd.s32 v1, v4;
	_ =	sdelay $0x1  }
0x15a: {  	v3 =	vadd.s32 v1, v3;
	_ =	sdelay $0x2  }
0x15b: {  	[tilespmem:s10], [sflag:$0x2] =	stream.indirect_vreg.gather [hbm4b:s3+s2], $0x80, v4, vm0, $0xb8;
	[tilespmem:$0x10280] =	vst v63  }
0x15c: {  	_ = 	snop  }
0x15d: {  	[tilespmem:s11], [sflag:$0x2] =	stream.indirect_vreg.gather [hbm4b:s3+s2], $0x80, v3, vm0, $0xb8;
	[tilespmem:$0x10280] =	vst v63  }
0x15e: {  	v3 =	vld [tilespmem:$0x1E0];
	_ =	sdelay $0x4  }
0x15f: {  	v54 =	vshll.u32 v3, $0x1  }
0x160: {  	v3 =	vand.u32 $0x7, v3;
	v4 =	vand.u32 $0xFFFFFFF0, v54  }
0x161: {  	v3 =	vor.u32 v3, v4  }
0x162: {  	v4 =	vperm.xlane v3, v0;
	_ =	sdelay $0x1  }
0x163: {  	v3 =	vperm.xlane v3, v2;
	v4 =	vadd.s32 v1, v4;
	_ =	sdelay $0x1  }
0x164: {  	v3 =	vadd.s32 v1, v3;
	_ =	sdelay $0x2  }
0x165: {  	[tilespmem:s12], [sflag:$0x2] =	stream.indirect_vreg.gather [hbm4b:s3+s2], $0x80, v4, vm0, $0xb8;
	[tilespmem:$0x10280] =	vst v63  }
0x166: {  	_ = 	snop  }
0x167: {  	[tilespmem:s13], [sflag:$0x2] =	stream.indirect_vreg.gather [hbm4b:s3+s2], $0x80, v3, vm0, $0xb8;
	[tilespmem:$0x10280] =	vst v63  }
0x168: {  	v3 =	vld [tilespmem:$0x1F0];
	_ =	sdelay $0x4  }
0x169: {  	v55 =	vshll.u32 v3, $0x1  }
0x16a: {  	v3 =	vand.u32 $0x7, v3;
	v4 =	vand.u32 $0xFFFFFFF0, v55  }
0x16b: {  	v3 =	vor.u32 v3, v4  }
0x16c: {  	v4 =	vperm.xlane v3, v0;
	_ =	sdelay $0x1  }
0x16d: {  	v3 =	vperm.xlane v3, v2;
	v4 =	vadd.s32 v1, v4;
	_ =	sdelay $0x1  }
0x16e: {  	v3 =	vadd.s32 v1, v3;
	_ =	sdelay $0x2  }
0x16f: {  	[tilespmem:s14], [sflag:$0x2] =	stream.indirect_vreg.gather [hbm4b:s3+s2], $0x80, v4, vm0, $0xb8;
	[tilespmem:$0x10280] =	vst v63  }
0x170: {  	_ = 	snop  }
0x171: {  	[tilespmem:s15], [sflag:$0x2] =	stream.indirect_vreg.gather [hbm4b:s3+s2], $0x80, v3, vm0, $0xb8;
	[tilespmem:$0x10280] =	vst v63  }
0x172: {  	_ =	swait.ge [sflag:s29], $0x8000  }
0x173: {  	[sflag:s29] =	ssyncset.done $0x0  }
0x174: {  	s0 =	rddreg [dreg:$0x6];
	[sflag:s29] =	ssyncadd.s32 $0xFFFF8000  }
0x175: {  	[hbm4b:s0+s2] =	stream.linear.scatter [tilespmem:s16], [sflag:$0x3], $0x8000, $0x38;
	[tilespmem:$0x10280] =	vst v63  }
0x176: {  	_ =	swait.ge [sflag:s30], $0x8000  }
0x177: {  	[sflag:s30] =	ssyncset.done $0x0  }
0x178: {  	[sflag:s30] =	ssyncadd.s32 $0xFFFF8000  }
0x179: {  	v3 =	vld [tilespmem:$0x200];
	_ =	sdelay $0x4  }
0x17a: {  	v56 =	vshll.u32 v3, $0x1  }
0x17b: {  	v3 =	vand.u32 $0x7, v3;
	v4 =	vand.u32 $0xFFFFFFF0, v56  }
0x17c: {  	v3 =	vor.u32 v3, v4  }
0x17d: {  	v4 =	vperm.xlane v3, v0;
	_ =	sdelay $0x1  }
0x17e: {  	v3 =	vperm.xlane v3, v2;
	v4 =	vadd.s32 v1, v4;
	_ =	sdelay $0x1  }
0x17f: {  	v3 =	vadd.s32 v1, v3;
	_ =	sdelay $0x2  }
0x180: {  	[tilespmem:s16], [sflag:$0x1] =	stream.indirect_vreg.gather [hbm4b:s3+s2], $0x80, v4, vm0, $0xb8;
	[tilespmem:$0x10280] =	vst v63  }
0x181: {  	s0 =	simm.s32 $0xA80  }
0x182: {  	[tilespmem:s0], [sflag:$0x1] =	stream.indirect_vreg.gather [hbm4b:s3+s2], $0x80, v3, vm0, $0xb8;
	[tilespmem:$0x10280] =	vst v63  }
0x183: {  	v3 =	vld [tilespmem:$0x210];
	_ =	sdelay $0x4  }
0x184: {  	v57 =	vshll.u32 v3, $0x1  }
0x185: {  	v3 =	vand.u32 $0x7, v3;
	v4 =	vand.u32 $0xFFFFFFF0, v57  }
0x186: {  	v3 =	vor.u32 v3, v4  }
0x187: {  	v4 =	vperm.xlane v3, v0;
	_ =	sdelay $0x1  }
0x188: {  	v3 =	vperm.xlane v3, v2;
	v4 =	vadd.s32 v1, v4;
	_ =	sdelay $0x1  }
0x189: {  	v3 =	vadd.s32 v1, v3;
	_ =	sdelay $0x1  }
0x18a: {  	s0 =	simm.s32 $0x1280  }
0x18b: {  	[tilespmem:s0], [sflag:$0x1] =	stream.indirect_vreg.gather [hbm4b:s3+s2], $0x80, v4, vm0, $0xb8;
	[tilespmem:$0x10280] =	vst v63  }
0x18c: {  	s0 =	simm.s32 $0x1A80  }
0x18d: {  	[tilespmem:s0], [sflag:$0x1] =	stream.indirect_vreg.gather [hbm4b:s3+s2], $0x80, v3, vm0, $0xb8;
	[tilespmem:$0x10280] =	vst v63  }
0x18e: {  	v3 =	vld [tilespmem:$0x220];
	_ =	sdelay $0x4  }
0x18f: {  	v58 =	vshll.u32 v3, $0x1  }
0x190: {  	v3 =	vand.u32 $0x7, v3;
	v4 =	vand.u32 $0xFFFFFFF0, v58  }
0x191: {  	v3 =	vor.u32 v3, v4  }
0x192: {  	v4 =	vperm.xlane v3, v0;
	_ =	sdelay $0x1  }
0x193: {  	v3 =	vperm.xlane v3, v2;
	v4 =	vadd.s32 v1, v4;
	_ =	sdelay $0x1  }
0x194: {  	v3 =	vadd.s32 v1, v3;
	_ =	sdelay $0x1  }
0x195: {  	s0 =	simm.s32 $0x2280  }
0x196: {  	[tilespmem:s0], [sflag:$0x1] =	stream.indirect_vreg.gather [hbm4b:s3+s2], $0x80, v4, vm0, $0xb8;
	[tilespmem:$0x10280] =	vst v63  }
0x197: {  	s0 =	simm.s32 $0x2A80  }
0x198: {  	[tilespmem:s0], [sflag:$0x1] =	stream.indirect_vreg.gather [hbm4b:s3+s2], $0x80, v3, vm0, $0xb8;
	[tilespmem:$0x10280] =	vst v63  }
0x199: {  	v3 =	vld [tilespmem:$0x230];
	_ =	sdelay $0x4  }
0x19a: {  	v59 =	vshll.u32 v3, $0x1  }
0x19b: {  	v3 =	vand.u32 $0x7, v3;
	v4 =	vand.u32 $0xFFFFFFF0, v59  }
0x19c: {  	v3 =	vor.u32 v3, v4  }
0x19d: {  	v4 =	vperm.xlane v3, v0;
	_ =	sdelay $0x1  }
0x19e: {  	v3 =	vperm.xlane v3, v2;
	v4 =	vadd.s32 v1, v4;
	_ =	sdelay $0x1  }
0x19f: {  	v3 =	vadd.s32 v1, v3;
	_ =	sdelay $0x1  }
0x1a0: {  	s0 =	simm.s32 $0x3280  }
0x1a1: {  	[tilespmem:s0], [sflag:$0x1] =	stream.indirect_vreg.gather [hbm4b:s3+s2], $0x80, v4, vm0, $0xb8;
	[tilespmem:$0x10280] =	vst v63  }
0x1a2: {  	s0 =	simm.s32 $0x3A80  }
0x1a3: {  	[tilespmem:s0], [sflag:$0x1] =	stream.indirect_vreg.gather [hbm4b:s3+s2], $0x80, v3, vm0, $0xb8;
	[tilespmem:$0x10280] =	vst v63  }
0x1a4: {  	v3 =	vld [tilespmem:$0x240];
	_ =	sdelay $0x4  }
0x1a5: {  	v60 =	vshll.u32 v3, $0x1  }
0x1a6: {  	v3 =	vand.u32 $0x7, v3;
	v4 =	vand.u32 $0xFFFFFFF0, v60  }
0x1a7: {  	v3 =	vor.u32 v3, v4  }
0x1a8: {  	v4 =	vperm.xlane v3, v0;
	_ =	sdelay $0x1  }
0x1a9: {  	v3 =	vperm.xlane v3, v2;
	v4 =	vadd.s32 v1, v4;
	_ =	sdelay $0x1  }
0x1aa: {  	v3 =	vadd.s32 v1, v3;
	_ =	sdelay $0x1  }
0x1ab: {  	s0 =	simm.s32 $0x4280  }
0x1ac: {  	[tilespmem:s0], [sflag:$0x1] =	stream.indirect_vreg.gather [hbm4b:s3+s2], $0x80, v4, vm0, $0xb8;
	[tilespmem:$0x10280] =	vst v63  }
0x1ad: {  	s0 =	simm.s32 $0x4A80  }
0x1ae: {  	[tilespmem:s0], [sflag:$0x1] =	stream.indirect_vreg.gather [hbm4b:s3+s2], $0x80, v3, vm0, $0xb8;
	[tilespmem:$0x10280] =	vst v63  }
0x1af: {  	v3 =	vld [tilespmem:$0x250];
	_ =	sdelay $0x4  }
0x1b0: {  	v61 =	vshll.u32 v3, $0x1  }
0x1b1: {  	v3 =	vand.u32 $0x7, v3;
	v4 =	vand.u32 $0xFFFFFFF0, v61  }
0x1b2: {  	v3 =	vor.u32 v3, v4  }
0x1b3: {  	v4 =	vperm.xlane v3, v0;
	_ =	sdelay $0x1  }
0x1b4: {  	v3 =	vperm.xlane v3, v2;
	v4 =	vadd.s32 v1, v4;
	_ =	sdelay $0x1  }
0x1b5: {  	v3 =	vadd.s32 v1, v3;
	_ =	sdelay $0x2  }
0x1b6: {  	[tilespmem:s17], [sflag:$0x1] =	stream.indirect_vreg.gather [hbm4b:s3+s2], $0x80, v4, vm0, $0xb8;
	[tilespmem:$0x10280] =	vst v63  }
0x1b7: {  	_ = 	snop  }
0x1b8: {  	[tilespmem:s18], [sflag:$0x1] =	stream.indirect_vreg.gather [hbm4b:s3+s2], $0x80, v3, vm0, $0xb8;
	[tilespmem:$0x10280] =	vst v63  }
0x1b9: {  	v3 =	vld [tilespmem:$0x260];
	_ =	sdelay $0x4  }
0x1ba: {  	v62 =	vshll.u32 v3, $0x1  }
0x1bb: {  	v3 =	vand.u32 $0x7, v3;
	v4 =	vand.u32 $0xFFFFFFF0, v62  }
0x1bc: {  	v3 =	vor.u32 v3, v4  }
0x1bd: {  	v4 =	vperm.xlane v3, v0;
	_ =	sdelay $0x1  }
0x1be: {  	v3 =	vperm.xlane v3, v2;
	v4 =	vadd.s32 v1, v4;
	_ =	sdelay $0x1  }
0x1bf: {  	v3 =	vadd.s32 v1, v3;
	_ =	sdelay $0x2  }
0x1c0: {  	[tilespmem:s19], [sflag:$0x1] =	stream.indirect_vreg.gather [hbm4b:s3+s2], $0x80, v4, vm0, $0xb8;
	[tilespmem:$0x10280] =	vst v63  }
0x1c1: {  	_ = 	snop  }
0x1c2: {  	[tilespmem:s20], [sflag:$0x1] =	stream.indirect_vreg.gather [hbm4b:s3+s2], $0x80, v3, vm0, $0xb8;
	[tilespmem:$0x10280] =	vst v63  }
0x1c3: {  	v3 =	vld [tilespmem:$0x270];
	_ =	sdelay $0x4  }
0x1c4: {  	v63 =	vshll.u32 v3, $0x1  }
0x1c5: {  	v3 =	vand.u32 $0x7, v3;
	v4 =	vand.u32 $0xFFFFFFF0, v63  }
0x1c6: {  	v3 =	vor.u32 v3, v4  }
0x1c7: {  	v4 =	vperm.xlane v3, v0;
	_ =	sdelay $0x1  }
0x1c8: {  	v3 =	vperm.xlane v3, v2;
	v4 =	vadd.s32 v1, v4;
	_ =	sdelay $0x1  }
0x1c9: {  	v3 =	vadd.s32 v1, v3;
	_ =	sdelay $0x2  }
0x1ca: {  	[tilespmem:s21], [sflag:$0x1] =	stream.indirect_vreg.gather [hbm4b:s3+s2], $0x80, v4, vm0, $0xb8;
	[tilespmem:$0x10280] =	vst v63  }
0x1cb: {  	_ = 	snop  }
0x1cc: {  	[tilespmem:s22], [sflag:$0x1] =	stream.indirect_vreg.gather [hbm4b:s3+s2], $0x80, v3, vm0, $0xb8;
	[tilespmem:$0x10280] =	vst v63  }
0x1cd: {  	_ =	swait.ge [sflag:s31], $0x8000  }
0x1ce: {  	[sflag:s31] =	ssyncset.done $0x0  }
0x1cf: {  	s0 =	rddreg [dreg:$0x7];
	[sflag:s31] =	ssyncadd.s32 $0xFFFF8000  }
0x1d0: {  	[hbm4b:s0+s2] =	stream.linear.scatter [tilespmem:s6], [sflag:$0x4], $0x8000, $0x38;
	[tilespmem:$0x10280] =	vst v63  }
0x1d1: {  	_ =	swait.ge [sflag:s29], $0x8000  }
0x1d2: {  	[sflag:s29] =	ssyncset.done $0x0  }
0x1d3: {  	s0 =	rddreg [dreg:$0x8];
	[sflag:s29] =	ssyncadd.s32 $0xFFFF8000  }
0x1d4: {  	[hbm4b:s0+s2] =	stream.linear.scatter [tilespmem:s16], [sflag:$0x3], $0x8000, $0x38;
	[tilespmem:$0x10280] =	vst v63  }
0x1d5: {  	p0 =	sne.s32 s4, $0x1;
	_ =	swait.ge [sflag:s1], $0x8000  }
.Ltmp0:
0x1d6: {  	[sflag:s1] =	ssyncset.done $0x0;
	(pc) =	sbr.rel @p0 .LBB2_1-.Ltmp0, $4  }
0x1d7: {  	[sflag:s1] =	ssyncadd.s32 $0xFFFF8000  }
0x1d8: {  	_ =	swait.ge [sflag:s30], $0x8000  }
0x1d9: {  	[sflag:s30] =	ssyncset.done $0x0  }
0x1da: {  	s4 =	sadd.s32 $0xFFFFFFFF, s4;
	[sflag:s30] =	ssyncadd.s32 $0xFFFF8000  }
0x1db: {  	_ =	sfence.sel $0x180000  }
0x1dc: {  	[bflag:$0x0] =	sbarrier.arrive $0xFFFF  }
0x1dd: {  	_ =	strace $0x90000047  }
0x1de: {  	s0 =	stileid.u32;
	[bflag:$0x2] =	sbarrier.arrive $0xFFFF  }
0x1df: {  	p0 =	sne.s32 s0, $0x0;
	s0 =	rddreg [dreg:$0x2]  }
0x1e0: {  	s0 =	sadd.s32 @!p0 $0x100000, s0  }
0x1e1: {  	[sflag:s0] =	ssyncadd.tile.s32 @!p0 $0x1;
	_ =	shalt  }
.Lfunc_end2:
_tile_overlayer_lowered:
.L_overlay_start_2:
0x1e2: {  	(tag) =	ssettag $0x2  }
0x1e3: {  	s0 =	rddreg [dreg:$0x0];
	s2 =	stileid.u32  }
0x1e4: {  	s1 =	rddreg [dreg:$0x1];
	p0 =	sne.s32 s2, $0x0  }
0x1e5: {  	s3 =	rddreg [dreg:$0x2];
	[bflag:$0x3] =	sbarrier.arrive $0xFFFF;
	s2 =	simm.s32 @!p0 $0x1C05  }
0x1e6: {  	[timem:s3], [sflag:s2] =	dma.local @!p0 [hbm:s0], s1  }
0x1e7: {  	s0 =	simm.s32 @!p0 $0x5  }
0x1e8: {  	_ =	swait.ge @!p0 [sflag:s0], s1  }
0x1e9: {  	s1 =	ssub.s32 @!p0 $0x0, s1;
	[sflag:s0] =	ssyncset.done @!p0 $0x0  }
0x1ea: {  	[sflag:s0] =	ssyncadd.s32 @!p0 s1  }
0x1eb: {  	[bflag:$0x3] =	sbarrier.arrive $0xFFFF  }
0x1ec: {  	_ =	shalt  }

// kernel: kernel.8.cloned.1.call-start
scs
__scs_entry_jumppad:
0x0: {  	(pc) =	sbr.rel $0x88, $3  }
0x1: {  	(tag) =	ssettag $0x0;
	lr =	simm.s32 $0x1  }
0x2: {  	[smem:$0x3F77] =	sst lr;
	_ =	strace $0xD0000000  }
0x3: {  	_ = 	snop  }
0x4: {  	_ = 	snop  }
0x5: {  	_ = 	snop  }
0x6: {  	_ = 	snop  }
0x7: {  	_ = 	snop  }
__scs_overlays_trampoline_lowered:
0x8: {  	[smem:$0x3F86] =	sst s0  }
0x9: {  	[smem:$0x3F87] =	sst s1  }
0xa: {  	[smem:$0x3F88] =	sst s2  }
0xb: {  	[smem:$0x3F89] =	sst s3  }
0xc: {  	[smem:$0x3F8A] =	sst s4  }
0xd: {  	[smem:$0x3F8B] =	sst s5  }
0xe: {  	[smem:$0x3F8C] =	sst s6  }
0xf: {  	[smem:$0x3F8D] =	sst s7  }
0x10: {  	[smem:$0x3F8E] =	sst s8  }
0x11: {  	[smem:$0x3F8F] =	sst s9;
	s0 =	simm.s32 @!p0 $0x0  }
0x12: {  	s1 =	sld [smem:$0x3F75];
	s0 =	simm.s32 @p0 $0x1  }
0x13: {  	[smem:$0x3F90] =	sst s0;
	s0 =	simm.s32 @!p1 $0x0  }
0x14: {  	s2 =	sld [smem:$0x3F74];
	s0 =	simm.s32 @p1 $0x1  }
0x15: {  	[smem:$0x3F91] =	sst s0;
	s0 =	simm.s32 @!p2 $0x0  }
0x16: {  	s3 =	sld [smem:$0x3FDB];
	s0 =	simm.s32 @p2 $0x1  }
0x17: {  	s4 =	simm.s32 $0x1BF5;
	[smem:$0x3F93] =	sst s0  }
0x18: {  	s0 =	sld [smem:$0x3F76];
	_ =	swait.ge [sflag:s4], $0x0  }
0x19: {  	s7 =	sld [smem:$0x3F77]  }
0x1a: {  	s8 =	sadd.s32 $0xFFFFE003, lr  }
0x1b: {  	s9 =	sadd.s32 $0xFFFFFEF7, lr;
	s5 =	simm.s32 $0xFFFFFFFF;
	p2 =	slt.u32 s8, $0xFFFFF086  }
0x1c: {  	p1 =	slt.u32 s9, $0xF7A;
	s5 =	simm.s32 @!p2 $0x0  }
0x1d: {  	s5 =	simm.s32 @p1 $0x1;
	p0 =	seq.s32 s7, s2  }
0x1e: {  	s7 =	smul.u32 @!p0 $0xF7A, s2;
	p2 =	seq.s32 @!p0 s5, $0x0  }
0x1f: {  	s9 =	smul.u32 $0xF7A, s1;
	s8 =	simm.s32 @!p0 $0x1BF5;
	p2 =	por !p2, p0  }
0x20: {  	[sflag:s8] =	ssyncset.s32 @!p0 $0xFFFFF086;
	s6 =	sadd.s32 @!p0 s3, s7;
	s7 =	simm.s32 @!p0 $0x108  }
0x21: {  	s3 =	sadd.s32 s3, s9;
	s6 =	sadd.s32 @!p0 $0x88, s6;
	s7 =	simm.s32 @p2 $0x1082  }
0x22: {  	[simem:s7], [sflag:s8] =	dma.local @!p0 [hbm:s6], $0xF7A  }
0x23: {  	s9 =	sor.u32 $0xD0000000, s2;
	s6 =	simm.s32 $0x108;
	_ =	swait.ge @!p0 [sflag:s8], $0x0  }
0x24: {  	s3 =	sadd.s32 $0x88, s3;
	s6 =	simm.s32 @!p1 $0x1082;
	[sflag:s4] =	ssyncset.s32 $0xFFFFF086  }
0x25: {  	[simem:s6], [sflag:s4] =	dma.local [hbm:s3], $0xF7A  }
0x26: {  	[smem:$0x3F77] =	sst s1;
	(tag) =	ssettag s2;
	_ =	strace s9  }
0x27: {  	s1 =	sld [smem:$0x3F87]  }
0x28: {  	s2 =	sld [smem:$0x3F88]  }
0x29: {  	s4 =	sld [smem:$0x3F8A]  }
0x2a: {  	p0 =	seq.s32 s5, $0x0;
	s5 =	sld [smem:$0x3F8B]  }
0x2b: {  	s6 =	sld [smem:$0x3F8C]  }
0x2c: {  	s7 =	sld [smem:$0x3F8D]  }
0x2d: {  	s3 =	simm.s32 $0x108;
	s8 =	sld [smem:$0x3F8E]  }
0x2e: {  	s3 =	simm.s32 @!p0 $0x1082;
	s9 =	sld [smem:$0x3F8F]  }
0x2f: {  	lr =	sadd.s32 s0, s3;
	s0 =	sld [smem:$0x3F86]  }
0x30: {  	s3 =	sld [smem:$0x3F89]  }
0x31: {  	[smem:$0x3F92] =	sst s10  }
0x32: {  	s10 =	sld [smem:$0x3F90];
	_ =	sdelay $0x3  }
0x33: {  	p0 =	seq.s32 s10, $0x1;
	s10 =	sld [smem:$0x3F92];
	_ =	sdelay $0x3  }
0x34: {  	[smem:$0x3F92] =	sst s10  }
0x35: {  	s10 =	sld [smem:$0x3F91];
	_ =	sdelay $0x3  }
0x36: {  	p1 =	seq.s32 s10, $0x1;
	s10 =	sld [smem:$0x3F92];
	_ =	sdelay $0x3  }
0x37: {  	[smem:$0x3F92] =	sst s10  }
0x38: {  	s10 =	sld [smem:$0x3F93]  }
0x39: {  	_ = 	snop;
	(pc) =	sbr.ind lr, $3  }
0x3a: {  	_ = 	snop  }
0x3b: {  	_ = 	snop  }
0x3c: {  	p2 =	seq.s32 s10, $0x1;
	s10 =	sld [smem:$0x3F92]  }
0x3d: {  	_ =	shalt  }
0x3e: {  	_ =	shalt  }
0x3f: {  	_ =	shalt  }
0x40: {  	_ =	shalt  }
0x41: {  	_ =	shalt  }
0x42: {  	_ =	shalt  }
0x43: {  	_ =	shalt  }
0x44: {  	_ =	shalt  }
0x45: {  	_ =	shalt  }
0x46: {  	_ =	shalt  }
0x47: {  	_ =	shalt  }
0x48: {  	_ =	shalt  }
0x49: {  	_ =	shalt  }
0x4a: {  	_ =	shalt  }
0x4b: {  	_ =	shalt  }
0x4c: {  	_ =	shalt  }
0x4d: {  	_ =	shalt  }
0x4e: {  	_ =	shalt  }
0x4f: {  	_ =	shalt  }
0x50: {  	_ =	shalt  }
0x51: {  	_ =	shalt  }
0x52: {  	_ =	shalt  }
0x53: {  	_ =	shalt  }
0x54: {  	_ =	shalt  }
0x55: {  	_ =	shalt  }
0x56: {  	_ =	shalt  }
0x57: {  	_ =	shalt  }
0x58: {  	_ =	shalt  }
0x59: {  	_ =	shalt  }
0x5a: {  	_ =	shalt  }
0x5b: {  	_ =	shalt  }
0x5c: {  	_ =	shalt  }
0x5d: {  	_ =	shalt  }
0x5e: {  	_ =	shalt  }
0x5f: {  	_ =	shalt  }
0x60: {  	_ =	shalt  }
0x61: {  	_ =	shalt  }
0x62: {  	_ =	shalt  }
0x63: {  	_ =	shalt  }
0x64: {  	_ =	shalt  }
0x65: {  	_ =	shalt  }
0x66: {  	_ =	shalt  }
0x67: {  	_ =	shalt  }
0x68: {  	_ =	shalt  }
0x69: {  	_ =	shalt  }
0x6a: {  	_ =	shalt  }
0x6b: {  	_ =	shalt  }
0x6c: {  	_ =	shalt  }
0x6d: {  	_ =	shalt  }
0x6e: {  	_ =	shalt  }
0x6f: {  	_ =	shalt  }
0x70: {  	_ =	shalt  }
0x71: {  	_ =	shalt  }
0x72: {  	_ =	shalt  }
0x73: {  	_ =	shalt  }
0x74: {  	_ =	shalt  }
0x75: {  	_ =	shalt  }
0x76: {  	_ =	shalt  }
0x77: {  	_ =	shalt  }
0x78: {  	_ =	shalt  }
0x79: {  	_ =	shalt  }
0x7a: {  	_ =	shalt  }
0x7b: {  	_ =	shalt  }
0x7c: {  	_ =	shalt  }
0x7d: {  	_ =	shalt  }
0x7e: {  	_ =	shalt  }
0x7f: {  	_ =	shalt  }
0x80: {  	_ =	shalt  }
0x81: {  	_ =	shalt  }
0x82: {  	_ =	shalt  }
0x83: {  	_ =	shalt  }
0x84: {  	_ =	shalt  }
0x85: {  	_ =	shalt  }
0x86: {  	_ =	shalt  }
0x87: {  	_ =	shalt  }
.Lfunc_end0:
.L_simem_size_0:
called_computation_lowered:
.L_overlay_start_0:
0x88: {  	s2 =	sld [smem:$0x3FD9]  }
0x89: {  	s3 =	sld [smem:$0x3FFE];
	_ =	sdelay $0x1  }
0x8a: {  	s1 =	srdreg.scid  }
0x8b: {  	s0 =	sand.u32 $0x1, s1  }
0x8c: {  	s15 =	sshll.u32 s0, $0xA;
	s2 =	sadd.s32 s3, s2  }
0x8d: {  	s2 =	sadd.s32 s2, s15  }
0x8e: {  	[smem:$0x3F9E] =	sst s2  }
0x8f: {  	_ = 	snop  }
0x90: {  	s2 =	sld [smem:$0x3FD0];
	_ =	sdelay $0x2  }
0x91: {  	s16 =	simm.s32 $0xB;
	s4 =	simm.s32 $0x10  }
0x92: {  	[smem:s4], [sflag:s16] =	dma.local [hbm:s2], $0x1  }
0x93: {  	_ =	swait.eq [sflag:s16], $0x1  }
0x94: {  	[sflag:s16] =	ssyncset.done $0x0  }
0x95: {  	[sflag:s16] =	ssyncadd.s32 $0xFFFFFFFF  }
0x96: {  	s17 =	sld [smem:$0x11];
	(tm) =	ssettm $0x1  }
0x97: {  	s18 =	sld [smem:$0x3FFB];
	_ =	sdelay $0x3  }
0x98: {  	_ =	strace s18  }
0x99: {  	s2 =	sld [smem:$0x3FFC];
	_ =	sdelay $0x3  }
0x9a: {  	_ =	strace s2  }
0x9b: {  	s2 =	sld [smem:$0x3FFD];
	_ =	sdelay $0x3  }
0x9c: {  	_ =	strace s2  }
0x9d: {  	_ =	strace $0x8FFFFFFF  }
0x9e: {  	s19 =	sld [smem:$0x3FDB];
	_ =	sdelay $0x1  }
0x9f: {  	s20 =	simm.s32 $_scs_section_size  }
0xa0: {  	s5 =	simm.s32 $_size__tile_overlayer_lowered;
	s6 =	simm.s32 $_tile_overlayer_lowered  }
0xa1: {  	s7 =	simm.s32 $0x1BFF;
	s21 =	sshll.u32 s6, $0x1;
	s4 =	sadd.s32 s20, s19  }
0xa2: {  	s22 =	simm.s32 $0x0;
	s5 =	sshll.u32 s5, $0x1;
	s6 =	sadd.s32 s21, s4  }
0xa3: {  	[timem:s22], [sflag:s7] =	dma.local [hbm:s6], s5  }
0xa4: {  	_ =	swait.ge [sflag:s7], s5  }
0xa5: {  	s5 =	ssub.s32 $0x0, s5;
	[sflag:s7] =	ssyncset.done $0x0  }
0xa6: {  	[sflag:s7] =	ssyncadd.s32 s5;
	_ =	sdelay $0x1  }
0xa7: {  	s23 =	simm.s32 $0x1B8B  }
0xa8: {  	_ =	swait.ge [sflag:s23], $0x1  }
0xa9: {  	[sflag:s23] =	ssyncset.done $0x0  }
0xaa: {  	[sflag:s23] =	ssyncadd.s32 $0xFFFFFFFF  }
0xab: {  	s5 =	sld [smem:$0x0]  }
0xac: {  	s6 =	sand.u32 $0xFFFFFFFE, s1  }
0xad: {  	p0 =	sne.s32 s1, s6  }
0xae: {  	s6 =	sshll.u32 @p0 s6, $0xE  }
0xaf: {  	s6 =	sadd.s32 @p0 $0x11B8D, s6;
	s7 =	sshll.u32 @p0 s5, $0x11  }
0xb0: {  	s6 =	sor.u32 @p0 s7, s6  }
0xb1: {  	[sflag:s6] =	ssyncadd.remote.s32 @p0 $0x1;
	_ =	sdelay $0x1  }
0xb2: {  	s6 =	simm.s32 @p0 $0x1B8D  }
0xb3: {  	_ =	swait.eq @p0 [sflag:s6], $0x1  }
0xb4: {  	[sflag:s6] =	ssyncadd.s32 @p0 $0xFFFFFFFF  }
0xb5: {  	s7 =	sshll.u32 @!p0 s1, $0xE  }
0xb6: {  	s7 =	sor.u32 @!p0 $0x4000, s7;
	s6 =	simm.s32 @!p0 $0x1B8D  }
0xb7: {  	s5 =	sshll.u32 @!p0 s5, $0x11;
	s7 =	sadd.s32 @!p0 $0x11B8D, s7;
	_ =	swait.eq @!p0 [sflag:s6], $0x1  }
0xb8: {  	s5 =	sor.u32 @!p0 s5, s7;
	[sflag:s6] =	ssyncadd.s32 @!p0 $0xFFFFFFFF  }
0xb9: {  	s25 =	simm.s32 $0x1B8E;
	s24 =	sld [smem:$0x3FFE];
	[sflag:s5] =	ssyncadd.remote.s32 @!p0 $0x1  }
0xba: {  	s26 =	simm.s32 $execute0_lowered;
	[smem:$0x3FD2] =	sst s25  }
0xbb: {  	s6 =	sshll.u32 s26, $0x1;
	_ =	strace $0x80000049;
	[dreg:$0x1] =	wrdreg $0xFFFFFFFF  }
0xbc: {  	s28 =	simm.s32 $_size_execute0_lowered;
	s4 =	sadd.s32 s4, s6;
	[dreg:$0x0] =	wrdreg $0x0  }
0xbd: {  	s6 =	sshll.u32 s28, $0x1;
	[dreg:$0x2] =	wrdreg s4  }
0xbe: {  	[dreg:$0x3] =	wrdreg s6  }
0xbf: {  	[dreg:$0x4] =	wrdreg $0xC0  }
0xc0: {  	_ =	task [dreg:s22], $0x5FFFF  }
0xc1: {  	[dreg:$0x1] =	wrdreg $0xFFFFFFFF  }
0xc2: {  	[dreg:$0x0] =	wrdreg $0x60  }
0xc3: {  	[dreg:$0x2] =	wrdreg s24  }
0xc4: {  	[dreg:$0x3] =	wrdreg s17  }
0xc5: {  	[dreg:$0x4] =	wrdreg $0x9  }
0xc6: {  	_ =	task.clear_ibuf [dreg:s22], $0x5FFFF;
	_ =	strace $0x90000049  }
0xc7: {  	s29 =	simm.s32 $0x9;
	_ =	strace $0x8000004B  }
0xc8: {  	_ =	swait.ge [sflag:s29], $0x1  }
0xc9: {  	[sflag:s29] =	ssyncadd.s32 $0xFFFFFFFF  }
0xca: {  	_ =	strace $0x9000004B  }
0xcb: {  	_ =	sfence  }
0xcc: {  	s30 =	sld [smem:$0x0];
	_ =	sdelay $0x2  }
0xcd: {  	s31 =	sshll.u32 s1, $0xD;
	s1 =	sshrl.u32 s1, $0x2  }
0xce: {  	s4 =	sand.u32 $0x4000, s31;
	s1 =	sadd.s32 s1, s30  }
0xcf: {  	s0 =	sor.u32 s4, s0;
	s1 =	sshll.u32 s1, $0x11  }
0xd0: {  	s0 =	sor.u32 s1, s0  }
0xd1: {  	s0 =	sadd.s32 $0x8F2B, s0  }
0xd2: {  	[sflag:s0] =	ssyncadd.remote.s32 $0x1  }
0xd3: {  	_ =	sfence.sel $0xFFFF  }
0xd4: {  	[dreg:$0x0] =	wrdreg $0xFFFFFFFF;
	(pc) =	sbr.abs _section_cstart, $3  }
0xd5: {  	[dreg:$0x1] =	wrdreg $0xFFFFFFFF  }
0xd6: {  	_ =	task.clear_ibuf [dreg:s22], $0x2FFFF;
	_ =	strace $0x9FFFFFFF  }
0xd7: {  	(tm) =	ssettm $0x7FFFFFFF  }
tec
execute0_lowered:
.L_overlay_start_1:
0x0: {  	(tag) =	ssettag $0x1  }
0x1: {  	s0 =	srdreg.scid  }
0x2: {  	s2 =	stileid.u32;
	s1 =	rddreg [dreg:$0x0]  }
0x3: {  	s3 =	rddreg [dreg:$0x1];
	s16 =	simm.s32 $0x280;
	s29 =	simm.s32 $0x1  }
0x4: {  	s30 =	simm.s32 $0x3;
	s31 =	simm.s32 $0x2;
	s17 =	simm.s32 $0x5280  }
0x5: {  	s18 =	simm.s32 $0x5A80;
	s19 =	simm.s32 $0x6280;
	s20 =	simm.s32 $0x6A80  }
0x6: {  	s28 =	simm.s32 $0xAA80;
	s8 =	simm.s32 $0xC280;
	s9 =	simm.s32 $0xCA80  }
0x7: {  	s10 =	simm.s32 $0xD280;
	s11 =	simm.s32 $0xDA80;
	s12 =	simm.s32 $0xE280  }
0x8: {  	s13 =	simm.s32 $0xEA80;
	s0 =	sand.u32 $0x1, s0;
	s2 =	sshll.u32 s2, $0x1  }
0x9: {  	s14 =	simm.s32 $0xF280;
	s15 =	simm.s32 $0xFA80;
	s4 =	sor.u32 s0, s2  }
0xa: {  	s7 =	sadd.s32 $0xF4C00, s1;
	s2 =	simm.s32 $0x0;
	s5 =	smul.u32 $0x50, s4  }
0xb: {  	s0 =	ssub.s32 $0x2, s0;
	[smem:$0x7FF] =	sst s2;
	s6 =	smul.u32 $0x28000, s4  }
0xc: {  	s4 =	smul.u32 $0x5000, s4;
	s24 =	sshrl.u32 s0, $0x1;
	_ =	strace $0x8000004A  }
0xd: {  	s0 =	ssub.s32 s0, s24;
	s24 =	simm.s32 $0x9280;
	s3 =	sadd.s32 s3, s5  }
0xe: {  	s21 =	sshrl.u32 s6, $0x3;
	s4 =	sadd.s32 s7, s4;
	s6 =	simm.s32 $0x8280  }
0xf: {  	[dreg:$0x3] =	wrdreg s3;
	s5 =	sadd.s32 s7, s21;
	s3 =	sadd.s32 $0x6A00, s1  }
0x10: {  	[dreg:$0x4] =	wrdreg s4;
	s4 =	smax.u32 s0, $0x1;
	s22 =	sadd.s32 $0x1000, s5  }
0x11: {  	s1 =	simm.s32 $0x4;
	s23 =	sadd.s32 $0x2000, s5;
	[dreg:$0x5] =	wrdreg s22  }
0x12: {  	s21 =	simm.s32 $0x7280;
	s25 =	sadd.s32 $0x3000, s5;
	[dreg:$0x6] =	wrdreg s23  }
0x13: {  	v2 =	vlaneseq.u32;
	s7 =	simm.s32 $0xBA80;
	s26 =	sadd.s32 $0x4000, s5;
	[dreg:$0x7] =	wrdreg s25  }
0x14: {  	vm0 =	vmmov $0xffff;
	v1 =	vshrl.u32 v2, $0x3;
	s5 =	simm.s32 $0xB280;
	[dreg:$0x8] =	wrdreg s26;
	s22 =	simm.s32 $0x7A80  }
0x15: {  	v0 =	vand.u32 $0x7, v2;
	v2 =	vor.u32 $0x8, v2;
	v1 =	vmul.u32 $0x8, v1;
	s23 =	simm.s32 $0x8A80;
	s25 =	simm.s32 $0x9A80;
	s26 =	simm.s32 $0xA280  }
.LBB2_1:
0x16: {  	s0 =	rddreg [dreg:$0x3]  }
0x17: {  	[tilespmem:s2], [sflag:$0x5] =	stream.linear.gather [hbm4b:s0+s2], $0x280, $0x38;
	[tilespmem:$0x10280] =	vst v63  }
0x18: {  	s0 =	simm.s32 $0x5  }
0x19: {  	_ =	swait.ge [sflag:s0], $0x280  }
0x1a: {  	[sflag:s0] =	ssyncset.done $0x0  }
0x1b: {  	[sflag:s0] =	ssyncadd.s32 $0xFFFFFD80  }
0x1c: {  	v3 =	vld [tilespmem:$0x0];
	_ =	sdelay $0x4  }
0x1d: {  	v4 =	vshll.u32 v3, $0x1  }
0x1e: {  	v3 =	vand.u32 $0x7, v3;
	v4 =	vand.u32 $0xFFFFFFF0, v4  }
0x1f: {  	v3 =	vor.u32 v3, v4  }
0x20: {  	v4 =	vperm.xlane v3, v0;
	_ =	sdelay $0x1  }
0x21: {  	v3 =	vperm.xlane v3, v2;
	v4 =	vadd.s32 v1, v4;
	_ =	sdelay $0x1  }
0x22: {  	v3 =	vadd.s32 v1, v3;
	_ =	sdelay $0x2  }
0x23: {  	[tilespmem:s16], [sflag:$0x1] =	stream.indirect_vreg.gather [hbm4b:s3+s2], $0x80, v4, vm0, $0xb8;
	[tilespmem:$0x10280] =	vst v63  }
0x24: {  	s0 =	simm.s32 $0xA80  }
0x25: {  	[tilespmem:s0], [sflag:$0x1] =	stream.indirect_vreg.gather [hbm4b:s3+s2], $0x80, v3, vm0, $0xb8;
	[tilespmem:$0x10280] =	vst v63  }
0x26: {  	v3 =	vld [tilespmem:$0x10];
	_ =	sdelay $0x4  }
0x27: {  	v25 =	vshll.u32 v3, $0x1  }
0x28: {  	v3 =	vand.u32 $0x7, v3;
	v4 =	vand.u32 $0xFFFFFFF0, v25  }
0x29: {  	v3 =	vor.u32 v3, v4  }
0x2a: {  	v4 =	vperm.xlane v3, v0;
	_ =	sdelay $0x1  }
0x2b: {  	v3 =	vperm.xlane v3, v2;
	v4 =	vadd.s32 v1, v4;
	_ =	sdelay $0x1  }
0x2c: {  	v3 =	vadd.s32 v1, v3;
	_ =	sdelay $0x1  }
0x2d: {  	s0 =	simm.s32 $0x1280  }
0x2e: {  	[tilespmem:s0], [sflag:$0x1] =	stream.indirect_vreg.gather [hbm4b:s3+s2], $0x80, v4, vm0, $0xb8;
	[tilespmem:$0x10280] =	vst v63  }
0x2f: {  	s0 =	simm.s32 $0x1A80  }
0x30: {  	[tilespmem:s0], [sflag:$0x1] =	stream.indirect_vreg.gather [hbm4b:s3+s2], $0x80, v3, vm0, $0xb8;
	[tilespmem:$0x10280] =	vst v63  }
0x31: {  	v3 =	vld [tilespmem:$0x20];
	_ =	sdelay $0x4  }
0x32: {  	v26 =	vshll.u32 v3, $0x1  }
0x33: {  	v3 =	vand.u32 $0x7, v3;
	v4 =	vand.u32 $0xFFFFFFF0, v26  }
0x34: {  	v3 =	vor.u32 v3, v4  }
0x35: {  	v4 =	vperm.xlane v3, v0;
	_ =	sdelay $0x1  }
0x36: {  	v3 =	vperm.xlane v3, v2;
	v4 =	vadd.s32 v1, v4;
	_ =	sdelay $0x1  }
0x37: {  	v3 =	vadd.s32 v1, v3;
	_ =	sdelay $0x1  }
0x38: {  	s0 =	simm.s32 $0x2280  }
0x39: {  	[tilespmem:s0], [sflag:$0x1] =	stream.indirect_vreg.gather [hbm4b:s3+s2], $0x80, v4, vm0, $0xb8;
	[tilespmem:$0x10280] =	vst v63  }
0x3a: {  	s0 =	simm.s32 $0x2A80  }
0x3b: {  	[tilespmem:s0], [sflag:$0x1] =	stream.indirect_vreg.gather [hbm4b:s3+s2], $0x80, v3, vm0, $0xb8;
	[tilespmem:$0x10280] =	vst v63  }
0x3c: {  	v3 =	vld [tilespmem:$0x30];
	_ =	sdelay $0x4  }
0x3d: {  	v27 =	vshll.u32 v3, $0x1  }
0x3e: {  	v3 =	vand.u32 $0x7, v3;
	v4 =	vand.u32 $0xFFFFFFF0, v27  }
0x3f: {  	v3 =	vor.u32 v3, v4  }
0x40: {  	v4 =	vperm.xlane v3, v0;
	_ =	sdelay $0x1  }
0x41: {  	v3 =	vperm.xlane v3, v2;
	v4 =	vadd.s32 v1, v4;
	_ =	sdelay $0x1  }
0x42: {  	v3 =	vadd.s32 v1, v3;
	_ =	sdelay $0x1  }
0x43: {  	s0 =	simm.s32 $0x3280  }
0x44: {  	[tilespmem:s0], [sflag:$0x1] =	stream.indirect_vreg.gather [hbm4b:s3+s2], $0x80, v4, vm0, $0xb8;
	[tilespmem:$0x10280] =	vst v63  }
0x45: {  	s0 =	simm.s32 $0x3A80  }
0x46: {  	[tilespmem:s0], [sflag:$0x1] =	stream.indirect_vreg.gather [hbm4b:s3+s2], $0x80, v3, vm0, $0xb8;
	[tilespmem:$0x10280] =	vst v63  }
0x47: {  	v3 =	vld [tilespmem:$0x40];
	_ =	sdelay $0x4  }
0x48: {  	v28 =	vshll.u32 v3, $0x1  }
0x49: {  	v3 =	vand.u32 $0x7, v3;
	v4 =	vand.u32 $0xFFFFFFF0, v28  }
0x4a: {  	v3 =	vor.u32 v3, v4  }
0x4b: {  	v4 =	vperm.xlane v3, v0;
	_ =	sdelay $0x1  }
0x4c: {  	v3 =	vperm.xlane v3, v2;
	v4 =	vadd.s32 v1, v4;
	_ =	sdelay $0x1  }
0x4d: {  	v3 =	vadd.s32 v1, v3;
	_ =	sdelay $0x1  }
0x4e: {  	s0 =	simm.s32 $0x4280  }
0x4f: {  	[tilespmem:s0], [sflag:$0x1] =	stream.indirect_vreg.gather [hbm4b:s3+s2], $0x80, v4, vm0, $0xb8;
	[tilespmem:$0x10280] =	vst v63  }
0x50: {  	s0 =	simm.s32 $0x4A80  }
0x51: {  	[tilespmem:s0], [sflag:$0x1] =	stream.indirect_vreg.gather [hbm4b:s3+s2], $0x80, v3, vm0, $0xb8;
	[tilespmem:$0x10280] =	vst v63  }
0x52: {  	v3 =	vld [tilespmem:$0x50];
	_ =	sdelay $0x4  }
0x53: {  	v29 =	vshll.u32 v3, $0x1  }
0x54: {  	v3 =	vand.u32 $0x7, v3;
	v4 =	vand.u32 $0xFFFFFFF0, v29  }
0x55: {  	v3 =	vor.u32 v3, v4  }
0x56: {  	v4 =	vperm.xlane v3, v0;
	_ =	sdelay $0x1  }
0x57: {  	v3 =	vperm.xlane v3, v2;
	v4 =	vadd.s32 v1, v4;
	_ =	sdelay $0x1  }
0x58: {  	v3 =	vadd.s32 v1, v3;
	_ =	sdelay $0x2  }
0x59: {  	[tilespmem:s17], [sflag:$0x1] =	stream.indirect_vreg.gather [hbm4b:s3+s2], $0x80, v4, vm0, $0xb8;
	[tilespmem:$0x10280] =	vst v63  }
0x5a: {  	_ = 	snop  }
0x5b: {  	[tilespmem:s18], [sflag:$0x1] =	stream.indirect_vreg.gather [hbm4b:s3+s2], $0x80, v3, vm0, $0xb8;
	[tilespmem:$0x10280] =	vst v63  }
0x5c: {  	v3 =	vld [tilespmem:$0x60];
	_ =	sdelay $0x4  }
0x5d: {  	v30 =	vshll.u32 v3, $0x1  }
0x5e: {  	v3 =	vand.u32 $0x7, v3;
	v4 =	vand.u32 $0xFFFFFFF0, v30  }
0x5f: {  	v3 =	vor.u32 v3, v4  }
0x60: {  	v4 =	vperm.xlane v3, v0;
	_ =	sdelay $0x1  }
0x61: {  	v3 =	vperm.xlane v3, v2;
	v4 =	vadd.s32 v1, v4;
	_ =	sdelay $0x1  }
0x62: {  	v3 =	vadd.s32 v1, v3;
	_ =	sdelay $0x2  }
0x63: {  	[tilespmem:s19], [sflag:$0x1] =	stream.indirect_vreg.gather [hbm4b:s3+s2], $0x80, v4, vm0, $0xb8;
	[tilespmem:$0x10280] =	vst v63  }
0x64: {  	_ = 	snop  }
0x65: {  	[tilespmem:s20], [sflag:$0x1] =	stream.indirect_vreg.gather [hbm4b:s3+s2], $0x80, v3, vm0, $0xb8;
	[tilespmem:$0x10280] =	vst v63  }
0x66: {  	v3 =	vld [tilespmem:$0x70];
	_ =	sdelay $0x4  }
0x67: {  	v31 =	vshll.u32 v3, $0x1  }
0x68: {  	v3 =	vand.u32 $0x7, v3;
	v4 =	vand.u32 $0xFFFFFFF0, v31  }
0x69: {  	v3 =	vor.u32 v3, v4  }
0x6a: {  	v4 =	vperm.xlane v3, v0;
	_ =	sdelay $0x1  }
0x6b: {  	v3 =	vperm.xlane v3, v2;
	v4 =	vadd.s32 v1, v4;
	_ =	sdelay $0x1  }
0x6c: {  	v3 =	vadd.s32 v1, v3;
	_ =	sdelay $0x2  }
0x6d: {  	[tilespmem:s21], [sflag:$0x1] =	stream.indirect_vreg.gather [hbm4b:s3+s2], $0x80, v4, vm0, $0xb8;
	[tilespmem:$0x10280] =	vst v63  }
0x6e: {  	_ = 	snop  }
0x6f: {  	[tilespmem:s22], [sflag:$0x1] =	stream.indirect_vreg.gather [hbm4b:s3+s2], $0x80, v3, vm0, $0xb8;
	[tilespmem:$0x10280] =	vst v63  }
0x70: {  	v3 =	vld [tilespmem:$0x80];
	_ =	sdelay $0x4  }
0x71: {  	v32 =	vshll.u32 v3, $0x1  }
0x72: {  	v3 =	vand.u32 $0x7, v3;
	v4 =	vand.u32 $0xFFFFFFF0, v32  }
0x73: {  	v3 =	vor.u32 v3, v4  }
0x74: {  	v4 =	vperm.xlane v3, v0;
	_ =	sdelay $0x1  }
0x75: {  	v3 =	vperm.xlane v3, v2;
	v4 =	vadd.s32 v1, v4;
	_ =	sdelay $0x1  }
0x76: {  	v3 =	vadd.s32 v1, v3;
	_ =	sdelay $0x2  }
0x77: {  	[tilespmem:s6], [sflag:$0x2] =	stream.indirect_vreg.gather [hbm4b:s3+s2], $0x80, v4, vm0, $0xb8;
	[tilespmem:$0x10280] =	vst v63  }
0x78: {  	_ = 	snop  }
0x79: {  	[tilespmem:s23], [sflag:$0x2] =	stream.indirect_vreg.gather [hbm4b:s3+s2], $0x80, v3, vm0, $0xb8;
	[tilespmem:$0x10280] =	vst v63  }
0x7a: {  	v3 =	vld [tilespmem:$0x90];
	_ =	sdelay $0x4  }
0x7b: {  	v33 =	vshll.u32 v3, $0x1  }
0x7c: {  	v3 =	vand.u32 $0x7, v3;
	v4 =	vand.u32 $0xFFFFFFF0, v33  }
0x7d: {  	v3 =	vor.u32 v3, v4  }
0x7e: {  	v4 =	vperm.xlane v3, v0;
	_ =	sdelay $0x1  }
0x7f: {  	v3 =	vperm.xlane v3, v2;
	v4 =	vadd.s32 v1, v4;
	_ =	sdelay $0x1  }
0x80: {  	v3 =	vadd.s32 v1, v3;
	_ =	sdelay $0x2  }
0x81: {  	[tilespmem:s24], [sflag:$0x2] =	stream.indirect_vreg.gather [hbm4b:s3+s2], $0x80, v4, vm0, $0xb8;
	[tilespmem:$0x10280] =	vst v63  }
0x82: {  	_ = 	snop  }
0x83: {  	[tilespmem:s25], [sflag:$0x2] =	stream.indirect_vreg.gather [hbm4b:s3+s2], $0x80, v3, vm0, $0xb8;
	[tilespmem:$0x10280] =	vst v63  }
0x84: {  	v3 =	vld [tilespmem:$0xA0];
	_ =	sdelay $0x4  }
0x85: {  	v34 =	vshll.u32 v3, $0x1  }
0x86: {  	v3 =	vand.u32 $0x7, v3;
	v4 =	vand.u32 $0xFFFFFFF0, v34  }
0x87: {  	v3 =	vor.u32 v3, v4  }
0x88: {  	v4 =	vperm.xlane v3, v0;
	_ =	sdelay $0x1  }
0x89: {  	v3 =	vperm.xlane v3, v2;
	v4 =	vadd.s32 v1, v4;
	_ =	sdelay $0x1  }
0x8a: {  	v3 =	vadd.s32 v1, v3;
	_ =	sdelay $0x2  }
0x8b: {  	[tilespmem:s26], [sflag:$0x2] =	stream.indirect_vreg.gather [hbm4b:s3+s2], $0x80, v4, vm0, $0xb8;
	[tilespmem:$0x10280] =	vst v63  }
0x8c: {  	_ = 	snop  }
0x8d: {  	[tilespmem:s28], [sflag:$0x2] =	stream.indirect_vreg.gather [hbm4b:s3+s2], $0x80, v3, vm0, $0xb8;
	[tilespmem:$0x10280] =	vst v63  }
0x8e: {  	v3 =	vld [tilespmem:$0xB0];
	_ =	sdelay $0x4  }
0x8f: {  	v35 =	vshll.u32 v3, $0x1  }
0x90: {  	v3 =	vand.u32 $0x7, v3;
	v4 =	vand.u32 $0xFFFFFFF0, v35  }
0x91: {  	v3 =	vor.u32 v3, v4  }
0x92: {  	v4 =	vperm.xlane v3, v0;
	_ =	sdelay $0x1  }
0x93: {  	v3 =	vperm.xlane v3, v2;
	v4 =	vadd.s32 v1, v4;
	_ =	sdelay $0x1  }
0x94: {  	v3 =	vadd.s32 v1, v3;
	_ =	sdelay $0x2  }
0x95: {  	[tilespmem:s5], [sflag:$0x2] =	stream.indirect_vreg.gather [hbm4b:s3+s2], $0x80, v4, vm0, $0xb8;
	[tilespmem:$0x10280] =	vst v63  }
0x96: {  	_ = 	snop  }
0x97: {  	[tilespmem:s7], [sflag:$0x2] =	stream.indirect_vreg.gather [hbm4b:s3+s2], $0x80, v3, vm0, $0xb8;
	[tilespmem:$0x10280] =	vst v63  }
0x98: {  	v3 =	vld [tilespmem:$0xC0];
	_ =	sdelay $0x4  }
0x99: {  	v36 =	vshll.u32 v3, $0x1  }
0x9a: {  	v3 =	vand.u32 $0x7, v3;
	v4 =	vand.u32 $0xFFFFFFF0, v36  }
0x9b: {  	v3 =	vor.u32 v3, v4  }
0x9c: {  	v4 =	vperm.xlane v3, v0;
	_ =	sdelay $0x1  }
0x9d: {  	v3 =	vperm.xlane v3, v2;
	v4 =	vadd.s32 v1, v4;
	_ =	sdelay $0x1  }
0x9e: {  	v3 =	vadd.s32 v1, v3;
	_ =	sdelay $0x2  }
0x9f: {  	[tilespmem:s8], [sflag:$0x2] =	stream.indirect_vreg.gather [hbm4b:s3+s2], $0x80, v4, vm0, $0xb8;
	[tilespmem:$0x10280] =	vst v63  }
0xa0: {  	_ = 	snop  }
0xa1: {  	[tilespmem:s9], [sflag:$0x2] =	stream.indirect_vreg.gather [hbm4b:s3+s2], $0x80, v3, vm0, $0xb8;
	[tilespmem:$0x10280] =	vst v63  }
0xa2: {  	v3 =	vld [tilespmem:$0xD0];
	_ =	sdelay $0x4  }
0xa3: {  	v37 =	vshll.u32 v3, $0x1  }
0xa4: {  	v3 =	vand.u32 $0x7, v3;
	v4 =	vand.u32 $0xFFFFFFF0, v37  }
0xa5: {  	v3 =	vor.u32 v3, v4  }
0xa6: {  	v4 =	vperm.xlane v3, v0;
	_ =	sdelay $0x1  }
0xa7: {  	v3 =	vperm.xlane v3, v2;
	v4 =	vadd.s32 v1, v4;
	_ =	sdelay $0x1  }
0xa8: {  	v3 =	vadd.s32 v1, v3;
	_ =	sdelay $0x2  }
0xa9: {  	[tilespmem:s10], [sflag:$0x2] =	stream.indirect_vreg.gather [hbm4b:s3+s2], $0x80, v4, vm0, $0xb8;
	[tilespmem:$0x10280] =	vst v63  }
0xaa: {  	_ = 	snop  }
0xab: {  	[tilespmem:s11], [sflag:$0x2] =	stream.indirect_vreg.gather [hbm4b:s3+s2], $0x80, v3, vm0, $0xb8;
	[tilespmem:$0x10280] =	vst v63  }
0xac: {  	v3 =	vld [tilespmem:$0xE0];
	_ =	sdelay $0x4  }
0xad: {  	v38 =	vshll.u32 v3, $0x1  }
0xae: {  	v3 =	vand.u32 $0x7, v3;
	v4 =	vand.u32 $0xFFFFFFF0, v38  }
0xaf: {  	v3 =	vor.u32 v3, v4  }
0xb0: {  	v4 =	vperm.xlane v3, v0;
	_ =	sdelay $0x1  }
0xb1: {  	v3 =	vperm.xlane v3, v2;
	v4 =	vadd.s32 v1, v4;
	_ =	sdelay $0x1  }
0xb2: {  	v3 =	vadd.s32 v1, v3;
	_ =	sdelay $0x2  }
0xb3: {  	[tilespmem:s12], [sflag:$0x2] =	stream.indirect_vreg.gather [hbm4b:s3+s2], $0x80, v4, vm0, $0xb8;
	[tilespmem:$0x10280] =	vst v63  }
0xb4: {  	_ = 	snop  }
0xb5: {  	[tilespmem:s13], [sflag:$0x2] =	stream.indirect_vreg.gather [hbm4b:s3+s2], $0x80, v3, vm0, $0xb8;
	[tilespmem:$0x10280] =	vst v63  }
0xb6: {  	v3 =	vld [tilespmem:$0xF0];
	_ =	sdelay $0x4  }
0xb7: {  	v39 =	vshll.u32 v3, $0x1  }
0xb8: {  	v3 =	vand.u32 $0x7, v3;
	v4 =	vand.u32 $0xFFFFFFF0, v39  }
0xb9: {  	v3 =	vor.u32 v3, v4  }
0xba: {  	v4 =	vperm.xlane v3, v0;
	_ =	sdelay $0x1  }
0xbb: {  	v3 =	vperm.xlane v3, v2;
	v4 =	vadd.s32 v1, v4;
	_ =	sdelay $0x1  }
0xbc: {  	v3 =	vadd.s32 v1, v3;
	_ =	sdelay $0x2  }
0xbd: {  	[tilespmem:s14], [sflag:$0x2] =	stream.indirect_vreg.gather [hbm4b:s3+s2], $0x80, v4, vm0, $0xb8;
	[tilespmem:$0x10280] =	vst v63  }
0xbe: {  	_ = 	snop  }
0xbf: {  	[tilespmem:s15], [sflag:$0x2] =	stream.indirect_vreg.gather [hbm4b:s3+s2], $0x80, v3, vm0, $0xb8;
	[tilespmem:$0x10280] =	vst v63  }
0xc0: {  	_ =	swait.ge [sflag:s29], $0x8000  }
0xc1: {  	[sflag:s29] =	ssyncset.done $0x0  }
0xc2: {  	s0 =	rddreg [dreg:$0x4];
	[sflag:s29] =	ssyncadd.s32 $0xFFFF8000  }
0xc3: {  	[hbm4b:s0+s2] =	stream.linear.scatter [tilespmem:s16], [sflag:$0x3], $0x8000, $0x38;
	[tilespmem:$0x10280] =	vst v63  }
0xc4: {  	_ =	swait.ge [sflag:s30], $0x8000  }
0xc5: {  	[sflag:s30] =	ssyncset.done $0x0  }
0xc6: {  	[sflag:s30] =	ssyncadd.s32 $0xFFFF8000  }
0xc7: {  	v3 =	vld [tilespmem:$0x100];
	_ =	sdelay $0x4  }
0xc8: {  	v40 =	vshll.u32 v3, $0x1  }
0xc9: {  	v3 =	vand.u32 $0x7, v3;
	v4 =	vand.u32 $0xFFFFFFF0, v40  }
0xca: {  	v3 =	vor.u32 v3, v4  }
0xcb: {  	v4 =	vperm.xlane v3, v0;
	_ =	sdelay $0x1  }
0xcc: {  	v3 =	vperm.xlane v3, v2;
	v4 =	vadd.s32 v1, v4;
	_ =	sdelay $0x1  }
0xcd: {  	v3 =	vadd.s32 v1, v3;
	_ =	sdelay $0x2  }
0xce: {  	[tilespmem:s16], [sflag:$0x1] =	stream.indirect_vreg.gather [hbm4b:s3+s2], $0x80, v4, vm0, $0xb8;
	[tilespmem:$0x10280] =	vst v63  }
0xcf: {  	s0 =	simm.s32 $0xA80  }
0xd0: {  	[tilespmem:s0], [sflag:$0x1] =	stream.indirect_vreg.gather [hbm4b:s3+s2], $0x80, v3, vm0, $0xb8;
	[tilespmem:$0x10280] =	vst v63  }
0xd1: {  	v3 =	vld [tilespmem:$0x110];
	_ =	sdelay $0x4  }
0xd2: {  	v41 =	vshll.u32 v3, $0x1  }
0xd3: {  	v3 =	vand.u32 $0x7, v3;
	v4 =	vand.u32 $0xFFFFFFF0, v41  }
0xd4: {  	v3 =	vor.u32 v3, v4  }
0xd5: {  	v4 =	vperm.xlane v3, v0;
	_ =	sdelay $0x1  }
0xd6: {  	v3 =	vperm.xlane v3, v2;
	v4 =	vadd.s32 v1, v4;
	_ =	sdelay $0x1  }
0xd7: {  	v3 =	vadd.s32 v1, v3;
	_ =	sdelay $0x1  }
0xd8: {  	s0 =	simm.s32 $0x1280  }
0xd9: {  	[tilespmem:s0], [sflag:$0x1] =	stream.indirect_vreg.gather [hbm4b:s3+s2], $0x80, v4, vm0, $0xb8;
	[tilespmem:$0x10280] =	vst v63  }
0xda: {  	s0 =	simm.s32 $0x1A80  }
0xdb: {  	[tilespmem:s0], [sflag:$0x1] =	stream.indirect_vreg.gather [hbm4b:s3+s2], $0x80, v3, vm0, $0xb8;
	[tilespmem:$0x10280] =	vst v63  }
0xdc: {  	v3 =	vld [tilespmem:$0x120];
	_ =	sdelay $0x4  }
0xdd: {  	v42 =	vshll.u32 v3, $0x1  }
0xde: {  	v3 =	vand.u32 $0x7, v3;
	v4 =	vand.u32 $0xFFFFFFF0, v42  }
0xdf: {  	v3 =	vor.u32 v3, v4  }
0xe0: {  	v4 =	vperm.xlane v3, v0;
	_ =	sdelay $0x1  }
0xe1: {  	v3 =	vperm.xlane v3, v2;
	v4 =	vadd.s32 v1, v4;
	_ =	sdelay $0x1  }
0xe2: {  	v3 =	vadd.s32 v1, v3;
	_ =	sdelay $0x1  }
0xe3: {  	s0 =	simm.s32 $0x2280  }
0xe4: {  	[tilespmem:s0], [sflag:$0x1] =	stream.indirect_vreg.gather [hbm4b:s3+s2], $0x80, v4, vm0, $0xb8;
	[tilespmem:$0x10280] =	vst v63  }
0xe5: {  	s0 =	simm.s32 $0x2A80  }
0xe6: {  	[tilespmem:s0], [sflag:$0x1] =	stream.indirect_vreg.gather [hbm4b:s3+s2], $0x80, v3, vm0, $0xb8;
	[tilespmem:$0x10280] =	vst v63  }
0xe7: {  	v3 =	vld [tilespmem:$0x130];
	_ =	sdelay $0x4  }
0xe8: {  	v43 =	vshll.u32 v3, $0x1  }
0xe9: {  	v3 =	vand.u32 $0x7, v3;
	v4 =	vand.u32 $0xFFFFFFF0, v43  }
0xea: {  	v3 =	vor.u32 v3, v4  }
0xeb: {  	v4 =	vperm.xlane v3, v0;
	_ =	sdelay $0x1  }
0xec: {  	v3 =	vperm.xlane v3, v2;
	v4 =	vadd.s32 v1, v4;
	_ =	sdelay $0x1  }
0xed: {  	v3 =	vadd.s32 v1, v3;
	_ =	sdelay $0x1  }
0xee: {  	s0 =	simm.s32 $0x3280  }
0xef: {  	[tilespmem:s0], [sflag:$0x1] =	stream.indirect_vreg.gather [hbm4b:s3+s2], $0x80, v4, vm0, $0xb8;
	[tilespmem:$0x10280] =	vst v63  }
0xf0: {  	s0 =	simm.s32 $0x3A80  }
0xf1: {  	[tilespmem:s0], [sflag:$0x1] =	stream.indirect_vreg.gather [hbm4b:s3+s2], $0x80, v3, vm0, $0xb8;
	[tilespmem:$0x10280] =	vst v63  }
0xf2: {  	v3 =	vld [tilespmem:$0x140];
	_ =	sdelay $0x4  }
0xf3: {  	v44 =	vshll.u32 v3, $0x1  }
0xf4: {  	v3 =	vand.u32 $0x7, v3;
	v4 =	vand.u32 $0xFFFFFFF0, v44  }
0xf5: {  	v3 =	vor.u32 v3, v4  }
0xf6: {  	v4 =	vperm.xlane v3, v0;
	_ =	sdelay $0x1  }
0xf7: {  	v3 =	vperm.xlane v3, v2;
	v4 =	vadd.s32 v1, v4;
	_ =	sdelay $0x1  }
0xf8: {  	v3 =	vadd.s32 v1, v3;
	_ =	sdelay $0x1  }
0xf9: {  	s0 =	simm.s32 $0x4280  }
0xfa: {  	[tilespmem:s0], [sflag:$0x1] =	stream.indirect_vreg.gather [hbm4b:s3+s2], $0x80, v4, vm0, $0xb8;
	[tilespmem:$0x10280] =	vst v63  }
0xfb: {  	s0 =	simm.s32 $0x4A80  }
0xfc: {  	[tilespmem:s0], [sflag:$0x1] =	stream.indirect_vreg.gather [hbm4b:s3+s2], $0x80, v3, vm0, $0xb8;
	[tilespmem:$0x10280] =	vst v63  }
0xfd: {  	v3 =	vld [tilespmem:$0x150];
	_ =	sdelay $0x4  }
0xfe: {  	v45 =	vshll.u32 v3, $0x1  }
0xff: {  	v3 =	vand.u32 $0x7, v3;
	v4 =	vand.u32 $0xFFFFFFF0, v45  }
0x100: {  	v3 =	vor.u32 v3, v4  }
0x101: {  	v4 =	vperm.xlane v3, v0;
	_ =	sdelay $0x1  }
0x102: {  	v3 =	vperm.xlane v3, v2;
	v4 =	vadd.s32 v1, v4;
	_ =	sdelay $0x1  }
0x103: {  	v3 =	vadd.s32 v1, v3;
	_ =	sdelay $0x2  }
0x104: {  	[tilespmem:s17], [sflag:$0x1] =	stream.indirect_vreg.gather [hbm4b:s3+s2], $0x80, v4, vm0, $0xb8;
	[tilespmem:$0x10280] =	vst v63  }
0x105: {  	_ = 	snop  }
0x106: {  	[tilespmem:s18], [sflag:$0x1] =	stream.indirect_vreg.gather [hbm4b:s3+s2], $0x80, v3, vm0, $0xb8;
	[tilespmem:$0x10280] =	vst v63  }
0x107: {  	v3 =	vld [tilespmem:$0x160];
	_ =	sdelay $0x4  }
0x108: {  	v46 =	vshll.u32 v3, $0x1  }
0x109: {  	v3 =	vand.u32 $0x7, v3;
	v4 =	vand.u32 $0xFFFFFFF0, v46  }
0x10a: {  	v3 =	vor.u32 v3, v4  }
0x10b: {  	v4 =	vperm.xlane v3, v0;
	_ =	sdelay $0x1  }
0x10c: {  	v3 =	vperm.xlane v3, v2;
	v4 =	vadd.s32 v1, v4;
	_ =	sdelay $0x1  }
0x10d: {  	v3 =	vadd.s32 v1, v3;
	_ =	sdelay $0x2  }
0x10e: {  	[tilespmem:s19], [sflag:$0x1] =	stream.indirect_vreg.gather [hbm4b:s3+s2], $0x80, v4, vm0, $0xb8;
	[tilespmem:$0x10280] =	vst v63  }
0x10f: {  	_ = 	snop  }
0x110: {  	[tilespmem:s20], [sflag:$0x1] =	stream.indirect_vreg.gather [hbm4b:s3+s2], $0x80, v3, vm0, $0xb8;
	[tilespmem:$0x10280] =	vst v63  }
0x111: {  	v3 =	vld [tilespmem:$0x170];
	_ =	sdelay $0x4  }
0x112: {  	v47 =	vshll.u32 v3, $0x1  }
0x113: {  	v3 =	vand.u32 $0x7, v3;
	v4 =	vand.u32 $0xFFFFFFF0, v47  }
0x114: {  	v3 =	vor.u32 v3, v4  }
0x115: {  	v4 =	vperm.xlane v3, v0;
	_ =	sdelay $0x1  }
0x116: {  	v3 =	vperm.xlane v3, v2;
	v4 =	vadd.s32 v1, v4;
	_ =	sdelay $0x1  }
0x117: {  	v3 =	vadd.s32 v1, v3;
	_ =	sdelay $0x2  }
0x118: {  	[tilespmem:s21], [sflag:$0x1] =	stream.indirect_vreg.gather [hbm4b:s3+s2], $0x80, v4, vm0, $0xb8;
	[tilespmem:$0x10280] =	vst v63  }
0x119: {  	_ = 	snop  }
0x11a: {  	[tilespmem:s22], [sflag:$0x1] =	stream.indirect_vreg.gather [hbm4b:s3+s2], $0x80, v3, vm0, $0xb8;
	[tilespmem:$0x10280] =	vst v63  }
0x11b: {  	_ =	swait.ge [sflag:s31], $0x8000  }
0x11c: {  	[sflag:s31] =	ssyncset.done $0x0  }
0x11d: {  	s0 =	rddreg [dreg:$0x5];
	[sflag:s31] =	ssyncadd.s32 $0xFFFF8000  }
0x11e: {  	[hbm4b:s0+s2] =	stream.linear.scatter [tilespmem:s6], [sflag:$0x4], $0x8000, $0x38;
	[tilespmem:$0x10280] =	vst v63  }
0x11f: {  	_ =	swait.ge [sflag:s1], $0x8000  }
0x120: {  	[sflag:s1] =	ssyncset.done $0x0  }
0x121: {  	[sflag:s1] =	ssyncadd.s32 $0xFFFF8000  }
0x122: {  	v3 =	vld [tilespmem:$0x180];
	_ =	sdelay $0x4  }
0x123: {  	v48 =	vshll.u32 v3, $0x1  }
0x124: {  	v3 =	vand.u32 $0x7, v3;
	v4 =	vand.u32 $0xFFFFFFF0, v48  }
0x125: {  	v3 =	vor.u32 v3, v4  }
0x126: {  	v4 =	vperm.xlane v3, v0;
	_ =	sdelay $0x1  }
0x127: {  	v3 =	vperm.xlane v3, v2;
	v4 =	vadd.s32 v1, v4;
	_ =	sdelay $0x1  }
0x128: {  	v3 =	vadd.s32 v1, v3;
	_ =	sdelay $0x2  }
0x129: {  	[tilespmem:s6], [sflag:$0x2] =	stream.indirect_vreg.gather [hbm4b:s3+s2], $0x80, v4, vm0, $0xb8;
	[tilespmem:$0x10280] =	vst v63  }
0x12a: {  	_ = 	snop  }
0x12b: {  	[tilespmem:s23], [sflag:$0x2] =	stream.indirect_vreg.gather [hbm4b:s3+s2], $0x80, v3, vm0, $0xb8;
	[tilespmem:$0x10280] =	vst v63  }
0x12c: {  	v3 =	vld [tilespmem:$0x190];
	_ =	sdelay $0x4  }
0x12d: {  	v49 =	vshll.u32 v3, $0x1  }
0x12e: {  	v3 =	vand.u32 $0x7, v3;
	v4 =	vand.u32 $0xFFFFFFF0, v49  }
0x12f: {  	v3 =	vor.u32 v3, v4  }
0x130: {  	v4 =	vperm.xlane v3, v0;
	_ =	sdelay $0x1  }
0x131: {  	v3 =	vperm.xlane v3, v2;
	v4 =	vadd.s32 v1, v4;
	_ =	sdelay $0x1  }
0x132: {  	v3 =	vadd.s32 v1, v3;
	_ =	sdelay $0x2  }
0x133: {  	[tilespmem:s24], [sflag:$0x2] =	stream.indirect_vreg.gather [hbm4b:s3+s2], $0x80, v4, vm0, $0xb8;
	[tilespmem:$0x10280] =	vst v63  }
0x134: {  	_ = 	snop  }
0x135: {  	[tilespmem:s25], [sflag:$0x2] =	stream.indirect_vreg.gather [hbm4b:s3+s2], $0x80, v3, vm0, $0xb8;
	[tilespmem:$0x10280] =	vst v63  }
0x136: {  	v3 =	vld [tilespmem:$0x1A0];
	_ =	sdelay $0x4  }
0x137: {  	v50 =	vshll.u32 v3, $0x1  }
0x138: {  	v3 =	vand.u32 $0x7, v3;
	v4 =	vand.u32 $0xFFFFFFF0, v50  }
0x139: {  	v3 =	vor.u32 v3, v4  }
0x13a: {  	v4 =	vperm.xlane v3, v0;
	_ =	sdelay $0x1  }
0x13b: {  	v3 =	vperm.xlane v3, v2;
	v4 =	vadd.s32 v1, v4;
	_ =	sdelay $0x1  }
0x13c: {  	v3 =	vadd.s32 v1, v3;
	_ =	sdelay $0x2  }
0x13d: {  	[tilespmem:s26], [sflag:$0x2] =	stream.indirect_vreg.gather [hbm4b:s3+s2], $0x80, v4, vm0, $0xb8;
	[tilespmem:$0x10280] =	vst v63  }
0x13e: {  	_ = 	snop  }
0x13f: {  	[tilespmem:s28], [sflag:$0x2] =	stream.indirect_vreg.gather [hbm4b:s3+s2], $0x80, v3, vm0, $0xb8;
	[tilespmem:$0x10280] =	vst v63  }
0x140: {  	v3 =	vld [tilespmem:$0x1B0];
	_ =	sdelay $0x4  }
0x141: {  	v51 =	vshll.u32 v3, $0x1  }
0x142: {  	v3 =	vand.u32 $0x7, v3;
	v4 =	vand.u32 $0xFFFFFFF0, v51  }
0x143: {  	v3 =	vor.u32 v3, v4  }
0x144: {  	v4 =	vperm.xlane v3, v0;
	_ =	sdelay $0x1  }
0x145: {  	v3 =	vperm.xlane v3, v2;
	v4 =	vadd.s32 v1, v4;
	_ =	sdelay $0x1  }
0x146: {  	v3 =	vadd.s32 v1, v3;
	_ =	sdelay $0x2  }
0x147: {  	[tilespmem:s5], [sflag:$0x2] =	stream.indirect_vreg.gather [hbm4b:s3+s2], $0x80, v4, vm0, $0xb8;
	[tilespmem:$0x10280] =	vst v63  }
0x148: {  	_ = 	snop  }
0x149: {  	[tilespmem:s7], [sflag:$0x2] =	stream.indirect_vreg.gather [hbm4b:s3+s2], $0x80, v3, vm0, $0xb8;
	[tilespmem:$0x10280] =	vst v63  }
0x14a: {  	v3 =	vld [tilespmem:$0x1C0];
	_ =	sdelay $0x4  }
0x14b: {  	v52 =	vshll.u32 v3, $0x1  }
0x14c: {  	v3 =	vand.u32 $0x7, v3;
	v4 =	vand.u32 $0xFFFFFFF0, v52  }
0x14d: {  	v3 =	vor.u32 v3, v4  }
0x14e: {  	v4 =	vperm.xlane v3, v0;
	_ =	sdelay $0x1  }
0x14f: {  	v3 =	vperm.xlane v3, v2;
	v4 =	vadd.s32 v1, v4;
	_ =	sdelay $0x1  }
0x150: {  	v3 =	vadd.s32 v1, v3;
	_ =	sdelay $0x2  }
0x151: {  	[tilespmem:s8], [sflag:$0x2] =	stream.indirect_vreg.gather [hbm4b:s3+s2], $0x80, v4, vm0, $0xb8;
	[tilespmem:$0x10280] =	vst v63  }
0x152: {  	_ = 	snop  }
0x153: {  	[tilespmem:s9], [sflag:$0x2] =	stream.indirect_vreg.gather [hbm4b:s3+s2], $0x80, v3, vm0, $0xb8;
	[tilespmem:$0x10280] =	vst v63  }
0x154: {  	v3 =	vld [tilespmem:$0x1D0];
	_ =	sdelay $0x4  }
0x155: {  	v53 =	vshll.u32 v3, $0x1  }
0x156: {  	v3 =	vand.u32 $0x7, v3;
	v4 =	vand.u32 $0xFFFFFFF0, v53  }
0x157: {  	v3 =	vor.u32 v3, v4  }
0x158: {  	v4 =	vperm.xlane v3, v0;
	_ =	sdelay $0x1  }
0x159: {  	v3 =	vperm.xlane v3, v2;
	v4 =	vadd.s32 v1, v4;
	_ =	sdelay $0x1  }
0x15a: {  	v3 =	vadd.s32 v1, v3;
	_ =	sdelay $0x2  }
0x15b: {  	[tilespmem:s10], [sflag:$0x2] =	stream.indirect_vreg.gather [hbm4b:s3+s2], $0x80, v4, vm0, $0xb8;
	[tilespmem:$0x10280] =	vst v63  }
0x15c: {  	_ = 	snop  }
0x15d: {  	[tilespmem:s11], [sflag:$0x2] =	stream.indirect_vreg.gather [hbm4b:s3+s2], $0x80, v3, vm0, $0xb8;
	[tilespmem:$0x10280] =	vst v63  }
0x15e: {  	v3 =	vld [tilespmem:$0x1E0];
	_ =	sdelay $0x4  }
0x15f: {  	v54 =	vshll.u32 v3, $0x1  }
0x160: {  	v3 =	vand.u32 $0x7, v3;
	v4 =	vand.u32 $0xFFFFFFF0, v54  }
0x161: {  	v3 =	vor.u32 v3, v4  }
0x162: {  	v4 =	vperm.xlane v3, v0;
	_ =	sdelay $0x1  }
0x163: {  	v3 =	vperm.xlane v3, v2;
	v4 =	vadd.s32 v1, v4;
	_ =	sdelay $0x1  }
0x164: {  	v3 =	vadd.s32 v1, v3;
	_ =	sdelay $0x2  }
0x165: {  	[tilespmem:s12], [sflag:$0x2] =	stream.indirect_vreg.gather [hbm4b:s3+s2], $0x80, v4, vm0, $0xb8;
	[tilespmem:$0x10280] =	vst v63  }
0x166: {  	_ = 	snop  }
0x167: {  	[tilespmem:s13], [sflag:$0x2] =	stream.indirect_vreg.gather [hbm4b:s3+s2], $0x80, v3, vm0, $0xb8;
	[tilespmem:$0x10280] =	vst v63  }
0x168: {  	v3 =	vld [tilespmem:$0x1F0];
	_ =	sdelay $0x4  }
0x169: {  	v55 =	vshll.u32 v3, $0x1  }
0x16a: {  	v3 =	vand.u32 $0x7, v3;
	v4 =	vand.u32 $0xFFFFFFF0, v55  }
0x16b: {  	v3 =	vor.u32 v3, v4  }
0x16c: {  	v4 =	vperm.xlane v3, v0;
	_ =	sdelay $0x1  }
0x16d: {  	v3 =	vperm.xlane v3, v2;
	v4 =	vadd.s32 v1, v4;
	_ =	sdelay $0x1  }
0x16e: {  	v3 =	vadd.s32 v1, v3;
	_ =	sdelay $0x2  }
0x16f: {  	[tilespmem:s14], [sflag:$0x2] =	stream.indirect_vreg.gather [hbm4b:s3+s2], $0x80, v4, vm0, $0xb8;
	[tilespmem:$0x10280] =	vst v63  }
0x170: {  	_ = 	snop  }
0x171: {  	[tilespmem:s15], [sflag:$0x2] =	stream.indirect_vreg.gather [hbm4b:s3+s2], $0x80, v3, vm0, $0xb8;
	[tilespmem:$0x10280] =	vst v63  }
0x172: {  	_ =	swait.ge [sflag:s29], $0x8000  }
0x173: {  	[sflag:s29] =	ssyncset.done $0x0  }
0x174: {  	s0 =	rddreg [dreg:$0x6];
	[sflag:s29] =	ssyncadd.s32 $0xFFFF8000  }
0x175: {  	[hbm4b:s0+s2] =	stream.linear.scatter [tilespmem:s16], [sflag:$0x3], $0x8000, $0x38;
	[tilespmem:$0x10280] =	vst v63  }
0x176: {  	_ =	swait.ge [sflag:s30], $0x8000  }
0x177: {  	[sflag:s30] =	ssyncset.done $0x0  }
0x178: {  	[sflag:s30] =	ssyncadd.s32 $0xFFFF8000  }
0x179: {  	v3 =	vld [tilespmem:$0x200];
	_ =	sdelay $0x4  }
0x17a: {  	v56 =	vshll.u32 v3, $0x1  }
0x17b: {  	v3 =	vand.u32 $0x7, v3;
	v4 =	vand.u32 $0xFFFFFFF0, v56  }
0x17c: {  	v3 =	vor.u32 v3, v4  }
0x17d: {  	v4 =	vperm.xlane v3, v0;
	_ =	sdelay $0x1  }
0x17e: {  	v3 =	vperm.xlane v3, v2;
	v4 =	vadd.s32 v1, v4;
	_ =	sdelay $0x1  }
0x17f: {  	v3 =	vadd.s32 v1, v3;
	_ =	sdelay $0x2  }
0x180: {  	[tilespmem:s16], [sflag:$0x1] =	stream.indirect_vreg.gather [hbm4b:s3+s2], $0x80, v4, vm0, $0xb8;
	[tilespmem:$0x10280] =	vst v63  }
0x181: {  	s0 =	simm.s32 $0xA80  }
0x182: {  	[tilespmem:s0], [sflag:$0x1] =	stream.indirect_vreg.gather [hbm4b:s3+s2], $0x80, v3, vm0, $0xb8;
	[tilespmem:$0x10280] =	vst v63  }
0x183: {  	v3 =	vld [tilespmem:$0x210];
	_ =	sdelay $0x4  }
0x184: {  	v57 =	vshll.u32 v3, $0x1  }
0x185: {  	v3 =	vand.u32 $0x7, v3;
	v4 =	vand.u32 $0xFFFFFFF0, v57  }
0x186: {  	v3 =	vor.u32 v3, v4  }
0x187: {  	v4 =	vperm.xlane v3, v0;
	_ =	sdelay $0x1  }
0x188: {  	v3 =	vperm.xlane v3, v2;
	v4 =	vadd.s32 v1, v4;
	_ =	sdelay $0x1  }
0x189: {  	v3 =	vadd.s32 v1, v3;
	_ =	sdelay $0x1  }
0x18a: {  	s0 =	simm.s32 $0x1280  }
0x18b: {  	[tilespmem:s0], [sflag:$0x1] =	stream.indirect_vreg.gather [hbm4b:s3+s2], $0x80, v4, vm0, $0xb8;
	[tilespmem:$0x10280] =	vst v63  }
0x18c: {  	s0 =	simm.s32 $0x1A80  }
0x18d: {  	[tilespmem:s0], [sflag:$0x1] =	stream.indirect_vreg.gather [hbm4b:s3+s2], $0x80, v3, vm0, $0xb8;
	[tilespmem:$0x10280] =	vst v63  }
0x18e: {  	v3 =	vld [tilespmem:$0x220];
	_ =	sdelay $0x4  }
0x18f: {  	v58 =	vshll.u32 v3, $0x1  }
0x190: {  	v3 =	vand.u32 $0x7, v3;
	v4 =	vand.u32 $0xFFFFFFF0, v58  }
0x191: {  	v3 =	vor.u32 v3, v4  }
0x192: {  	v4 =	vperm.xlane v3, v0;
	_ =	sdelay $0x1  }
0x193: {  	v3 =	vperm.xlane v3, v2;
	v4 =	vadd.s32 v1, v4;
	_ =	sdelay $0x1  }
0x194: {  	v3 =	vadd.s32 v1, v3;
	_ =	sdelay $0x1  }
0x195: {  	s0 =	simm.s32 $0x2280  }
0x196: {  	[tilespmem:s0], [sflag:$0x1] =	stream.indirect_vreg.gather [hbm4b:s3+s2], $0x80, v4, vm0, $0xb8;
	[tilespmem:$0x10280] =	vst v63  }
0x197: {  	s0 =	simm.s32 $0x2A80  }
0x198: {  	[tilespmem:s0], [sflag:$0x1] =	stream.indirect_vreg.gather [hbm4b:s3+s2], $0x80, v3, vm0, $0xb8;
	[tilespmem:$0x10280] =	vst v63  }
0x199: {  	v3 =	vld [tilespmem:$0x230];
	_ =	sdelay $0x4  }
0x19a: {  	v59 =	vshll.u32 v3, $0x1  }
0x19b: {  	v3 =	vand.u32 $0x7, v3;
	v4 =	vand.u32 $0xFFFFFFF0, v59  }
0x19c: {  	v3 =	vor.u32 v3, v4  }
0x19d: {  	v4 =	vperm.xlane v3, v0;
	_ =	sdelay $0x1  }
0x19e: {  	v3 =	vperm.xlane v3, v2;
	v4 =	vadd.s32 v1, v4;
	_ =	sdelay $0x1  }
0x19f: {  	v3 =	vadd.s32 v1, v3;
	_ =	sdelay $0x1  }
0x1a0: {  	s0 =	simm.s32 $0x3280  }
0x1a1: {  	[tilespmem:s0], [sflag:$0x1] =	stream.indirect_vreg.gather [hbm4b:s3+s2], $0x80, v4, vm0, $0xb8;
	[tilespmem:$0x10280] =	vst v63  }
0x1a2: {  	s0 =	simm.s32 $0x3A80  }
0x1a3: {  	[tilespmem:s0], [sflag:$0x1] =	stream.indirect_vreg.gather [hbm4b:s3+s2], $0x80, v3, vm0, $0xb8;
	[tilespmem:$0x10280] =	vst v63  }
0x1a4: {  	v3 =	vld [tilespmem:$0x240];
	_ =	sdelay $0x4  }
0x1a5: {  	v60 =	vshll.u32 v3, $0x1  }
0x1a6: {  	v3 =	vand.u32 $0x7, v3;
	v4 =	vand.u32 $0xFFFFFFF0, v60  }
0x1a7: {  	v3 =	vor.u32 v3, v4  }
0x1a8: {  	v4 =	vperm.xlane v3, v0;
	_ =	sdelay $0x1  }
0x1a9: {  	v3 =	vperm.xlane v3, v2;
	v4 =	vadd.s32 v1, v4;
	_ =	sdelay $0x1  }
0x1aa: {  	v3 =	vadd.s32 v1, v3;
	_ =	sdelay $0x1  }
0x1ab: {  	s0 =	simm.s32 $0x4280  }
0x1ac: {  	[tilespmem:s0], [sflag:$0x1] =	stream.indirect_vreg.gather [hbm4b:s3+s2], $0x80, v4, vm0, $0xb8;
	[tilespmem:$0x10280] =	vst v63  }
0x1ad: {  	s0 =	simm.s32 $0x4A80  }
0x1ae: {  	[tilespmem:s0], [sflag:$0x1] =	stream.indirect_vreg.gather [hbm4b:s3+s2], $0x80, v3, vm0, $0xb8;
	[tilespmem:$0x10280] =	vst v63  }
0x1af: {  	v3 =	vld [tilespmem:$0x250];
	_ =	sdelay $0x4  }
0x1b0: {  	v61 =	vshll.u32 v3, $0x1  }
0x1b1: {  	v3 =	vand.u32 $0x7, v3;
	v4 =	vand.u32 $0xFFFFFFF0, v61  }
0x1b2: {  	v3 =	vor.u32 v3, v4  }
0x1b3: {  	v4 =	vperm.xlane v3, v0;
	_ =	sdelay $0x1  }
0x1b4: {  	v3 =	vperm.xlane v3, v2;
	v4 =	vadd.s32 v1, v4;
	_ =	sdelay $0x1  }
0x1b5: {  	v3 =	vadd.s32 v1, v3;
	_ =	sdelay $0x2  }
0x1b6: {  	[tilespmem:s17], [sflag:$0x1] =	stream.indirect_vreg.gather [hbm4b:s3+s2], $0x80, v4, vm0, $0xb8;
	[tilespmem:$0x10280] =	vst v63  }
0x1b7: {  	_ = 	snop  }
0x1b8: {  	[tilespmem:s18], [sflag:$0x1] =	stream.indirect_vreg.gather [hbm4b:s3+s2], $0x80, v3, vm0, $0xb8;
	[tilespmem:$0x10280] =	vst v63  }
0x1b9: {  	v3 =	vld [tilespmem:$0x260];
	_ =	sdelay $0x4  }
0x1ba: {  	v62 =	vshll.u32 v3, $0x1  }
0x1bb: {  	v3 =	vand.u32 $0x7, v3;
	v4 =	vand.u32 $0xFFFFFFF0, v62  }
0x1bc: {  	v3 =	vor.u32 v3, v4  }
0x1bd: {  	v4 =	vperm.xlane v3, v0;
	_ =	sdelay $0x1  }
0x1be: {  	v3 =	vperm.xlane v3, v2;
	v4 =	vadd.s32 v1, v4;
	_ =	sdelay $0x1  }
0x1bf: {  	v3 =	vadd.s32 v1, v3;
	_ =	sdelay $0x2  }
0x1c0: {  	[tilespmem:s19], [sflag:$0x1] =	stream.indirect_vreg.gather [hbm4b:s3+s2], $0x80, v4, vm0, $0xb8;
	[tilespmem:$0x10280] =	vst v63  }
0x1c1: {  	_ = 	snop  }
0x1c2: {  	[tilespmem:s20], [sflag:$0x1] =	stream.indirect_vreg.gather [hbm4b:s3+s2], $0x80, v3, vm0, $0xb8;
	[tilespmem:$0x10280] =	vst v63  }
0x1c3: {  	v3 =	vld [tilespmem:$0x270];
	_ =	sdelay $0x4  }
0x1c4: {  	v63 =	vshll.u32 v3, $0x1  }
0x1c5: {  	v3 =	vand.u32 $0x7, v3;
	v4 =	vand.u32 $0xFFFFFFF0, v63  }
0x1c6: {  	v3 =	vor.u32 v3, v4  }
0x1c7: {  	v4 =	vperm.xlane v3, v0;
	_ =	sdelay $0x1  }
0x1c8: {  	v3 =	vperm.xlane v3, v2;
	v4 =	vadd.s32 v1, v4;
	_ =	sdelay $0x1  }
0x1c9: {  	v3 =	vadd.s32 v1, v3;
	_ =	sdelay $0x2  }
0x1ca: {  	[tilespmem:s21], [sflag:$0x1] =	stream.indirect_vreg.gather [hbm4b:s3+s2], $0x80, v4, vm0, $0xb8;
	[tilespmem:$0x10280] =	vst v63  }
0x1cb: {  	_ = 	snop  }
0x1cc: {  	[tilespmem:s22], [sflag:$0x1] =	stream.indirect_vreg.gather [hbm4b:s3+s2], $0x80, v3, vm0, $0xb8;
	[tilespmem:$0x10280] =	vst v63  }
0x1cd: {  	_ =	swait.ge [sflag:s31], $0x8000  }
0x1ce: {  	[sflag:s31] =	ssyncset.done $0x0  }
0x1cf: {  	s0 =	rddreg [dreg:$0x7];
	[sflag:s31] =	ssyncadd.s32 $0xFFFF8000  }
0x1d0: {  	[hbm4b:s0+s2] =	stream.linear.scatter [tilespmem:s6], [sflag:$0x4], $0x8000, $0x38;
	[tilespmem:$0x10280] =	vst v63  }
0x1d1: {  	_ =	swait.ge [sflag:s29], $0x8000  }
0x1d2: {  	[sflag:s29] =	ssyncset.done $0x0  }
0x1d3: {  	s0 =	rddreg [dreg:$0x8];
	[sflag:s29] =	ssyncadd.s32 $0xFFFF8000  }
0x1d4: {  	[hbm4b:s0+s2] =	stream.linear.scatter [tilespmem:s16], [sflag:$0x3], $0x8000, $0x38;
	[tilespmem:$0x10280] =	vst v63  }
0x1d5: {  	p0 =	sne.s32 s4, $0x1;
	_ =	swait.ge [sflag:s1], $0x8000  }
.Ltmp0:
0x1d6: {  	[sflag:s1] =	ssyncset.done $0x0;
	(pc) =	sbr.rel @p0 .LBB2_1-.Ltmp0, $4  }
0x1d7: {  	[sflag:s1] =	ssyncadd.s32 $0xFFFF8000  }
0x1d8: {  	_ =	swait.ge [sflag:s30], $0x8000  }
0x1d9: {  	[sflag:s30] =	ssyncset.done $0x0  }
0x1da: {  	s4 =	sadd.s32 $0xFFFFFFFF, s4;
	[sflag:s30] =	ssyncadd.s32 $0xFFFF8000  }
0x1db: {  	_ =	sfence.sel $0x180000  }
0x1dc: {  	[bflag:$0x0] =	sbarrier.arrive $0xFFFF  }
0x1dd: {  	_ =	strace $0x9000004A  }
0x1de: {  	s0 =	stileid.u32;
	[bflag:$0x2] =	sbarrier.arrive $0xFFFF  }
0x1df: {  	p0 =	sne.s32 s0, $0x0;
	s0 =	rddreg [dreg:$0x2]  }
0x1e0: {  	s0 =	sadd.s32 @!p0 $0x100000, s0  }
0x1e1: {  	[sflag:s0] =	ssyncadd.tile.s32 @!p0 $0x1;
	_ =	shalt  }
.Lfunc_end2:
_tile_overlayer_lowered:
.L_overlay_start_2:
0x1e2: {  	(tag) =	ssettag $0x2  }
0x1e3: {  	s0 =	rddreg [dreg:$0x0];
	s2 =	stileid.u32  }
0x1e4: {  	s1 =	rddreg [dreg:$0x1];
	p0 =	sne.s32 s2, $0x0  }
0x1e5: {  	s3 =	rddreg [dreg:$0x2];
	[bflag:$0x3] =	sbarrier.arrive $0xFFFF;
	s2 =	simm.s32 @!p0 $0x1C05  }
0x1e6: {  	[timem:s3], [sflag:s2] =	dma.local @!p0 [hbm:s0], s1  }
0x1e7: {  	s0 =	simm.s32 @!p0 $0x5  }
0x1e8: {  	_ =	swait.ge @!p0 [sflag:s0], s1  }
0x1e9: {  	s1 =	ssub.s32 @!p0 $0x0, s1;
	[sflag:s0] =	ssyncset.done @!p0 $0x0  }
0x1ea: {  	[sflag:s0] =	ssyncadd.s32 @!p0 s1  }
0x1eb: {  	[bflag:$0x3] =	sbarrier.arrive $0xFFFF  }
0x1ec: {  	_ =	shalt  }

</sc_bundles>
